<compile_context>
chip_gen: v7x
topology: tpu7x:2x2x1
jax: 0.10.2.dev20260603
libtpu: 0.0.44.dev20260713+nightly
codegen_flags: <defaults>
</compile_context>

<pallas_src>
import functools

import jax
import jax.numpy as jnp
from jax import lax
from jax.experimental import pallas as pl
from jax.experimental.pallas import tpu as pltpu
from jax.experimental.pallas import tpu_sc as plsc

_B, _N, _C = 8, 5000, 91
_NPAD = 5120
_NG = 20
_KPAD = 304
_TOPK = 300
_IOU_T = 0.7
_SCORE_T = 0.01
_NROW = 16


def _prep_body(lg_ref, bx_ref, sc_ref, out_ref):
    i = pl.program_id(0)
    lg = lg_ref[0]
    v = jnp.max(lg, axis=0, keepdims=True)
    cio = lax.broadcasted_iota(jnp.int32, (_C, _NPAD), 0)
    lab = jnp.min(jnp.where(lg == v, cio, _C), axis=0, keepdims=True)
    labf = lab.astype(jnp.float32)

    cx = bx_ref[0, 0:1, :]
    cy = bx_ref[0, 1:2, :]
    w = bx_ref[0, 2:3, :]
    h = bx_ref[0, 3:4, :]
    sw = sc_ref[i, 0]
    sh = sc_ref[i, 1]
    x1 = (cx - 0.5 * w) * sw
    y1 = (cy - 0.5 * h) * sh
    x2 = (cx + 0.5 * w) * sw
    y2 = (cy + 0.5 * h) * sh
    m = jnp.maximum(jnp.maximum(jnp.max(x1), jnp.max(y1)),
                    jnp.maximum(jnp.max(x2), jnp.max(y2))) + 1.0
    t = labf * m
    out_ref[0, 0:1, :] = v
    out_ref[0, 1:2, :] = labf
    out_ref[0, 2:3, :] = x1 + t
    out_ref[0, 3:4, :] = y1 + t
    out_ref[0, 4:5, :] = x2 + t
    out_ref[0, 5:6, :] = y2 + t
    out_ref[0, 6:7, :] = x1
    out_ref[0, 7:8, :] = y1
    out_ref[0, 8:9, :] = x2
    out_ref[0, 9:10, :] = y2
    out_ref[0, 10:_NROW, :] = jnp.zeros((_NROW - 10, _NPAD), jnp.float32)


def _prep(logits_t, boxes_t, scale):
    return pl.pallas_call(
        _prep_body,
        grid=(_B,),
        in_specs=[
            pl.BlockSpec((1, _C, _NPAD), lambda i: (i, 0, 0)),
            pl.BlockSpec((1, 4, _NPAD), lambda i: (i, 0, 0)),
            pl.BlockSpec(memory_space=pltpu.SMEM),
        ],
        out_specs=pl.BlockSpec((1, _NROW, _NPAD), lambda i: (i, 0, 0)),
        out_shape=jax.ShapeDtypeStruct((_B, _NROW, _NPAD), jnp.float32),
    )(logits_t, boxes_t, scale)


def _nms_image(img, s_hbm, st_hbm,
               outl_h, ob1_h, ob2_h, ob3_h, ob4_h, osc_h,
               s0v, lblv, bx1, by1, bx2, by2, ox1, oy1, ox2, oy2, bm,
               kx1, ky1, kx2, ky2, outl, outb1, outb2, outb3, outb4, outs,
               sem):
        copies = [
            pltpu.async_copy(s_hbm.at[img], s0v, sem),
            pltpu.async_copy(st_hbm.at[img, 1], lblv, sem),
            pltpu.async_copy(st_hbm.at[img, 2], bx1, sem),
            pltpu.async_copy(st_hbm.at[img, 3], by1, sem),
            pltpu.async_copy(st_hbm.at[img, 4], bx2, sem),
            pltpu.async_copy(st_hbm.at[img, 5], by2, sem),
            pltpu.async_copy(st_hbm.at[img, 6], ox1, sem),
            pltpu.async_copy(st_hbm.at[img, 7], oy1, sem),
            pltpu.async_copy(st_hbm.at[img, 8], ox2, sem),
            pltpu.async_copy(st_hbm.at[img, 9], oy2, sem),
        ]
        for cp in copies:
            cp.wait()

        iota = lax.iota(jnp.int32, 16)
        ninf = jnp.full((16,), -jnp.inf, jnp.float32)

        def initg(g, c):
            def initi(i, mcar):
                off = g * 256 + i * 16
                vv = s0v[pl.ds(off, 16)]
                vv = jnp.where(vv > _SCORE_T, vv, -jnp.inf)
                s0v[pl.ds(off, 16)] = vv
                return jnp.maximum(mcar, vv)
            mg = lax.fori_loop(0, 16, initi, ninf)
            bm[pl.ds(g * 16, 16)] = mg
            return c
        lax.fori_loop(0, _NG, initg, 0)
        rows0 = tuple(bm[pl.ds(g * 16, 16)] for g in range(_NG))

        def initk(t, c):
            off = t * 16
            big = jnp.full((16,), 1e30, jnp.float32)
            z = jnp.zeros((16,), jnp.float32)
            kx1[pl.ds(off, 16)] = big
            ky1[pl.ds(off, 16)] = big
            kx2[pl.ds(off, 16)] = big
            ky2[pl.ds(off, 16)] = big
            outl[pl.ds(off, 16)] = jnp.full((16,), -1.0, jnp.float32)
            outb1[pl.ds(off, 16)] = z
            outb2[pl.ds(off, 16)] = z
            outb3[pl.ds(off, 16)] = z
            outb4[pl.ds(off, 16)] = z
            outs[pl.ds(off, 16)] = z
            return c
        lax.fori_loop(0, _KPAD // 16, initk, 0)

        bigi = jnp.int32(2 ** 30)

        def _tree(vals, op):
            while len(vals) > 1:
                nxt = [op(vals[k], vals[k + 1])
                       for k in range(0, len(vals) - 1, 2)]
                if len(vals) % 2:
                    nxt.append(vals[-1])
                vals = nxt
            return vals[0]

        def attempt(_, carry):
            nk, alive, rows = carry
            inb = nk < _TOPK

            mv = _tree(list(rows), jnp.maximum)
            gm = jnp.max(mv)
            alive2 = jnp.where(gm > -jnp.inf, alive, jnp.int32(0))

            gv = _tree([jnp.where(rows[g] == gm, jnp.int32(g), jnp.int32(_NG))
                        for g in range(_NG)], jnp.minimum)
            gstar = jnp.min(gv)
            gstar = jnp.where(gstar >= _NG, 0, gstar)
            gbase = gstar * 256

            cands = []
            for i in range(16):
                off = gbase + i * 16
                vv = s0v[pl.ds(off, 16)]
                cands.append(jnp.where(vv == gm, off + iota, bigi))
            jm = _tree(cands, jnp.minimum)
            j = jnp.min(jm)
            j = jnp.where(alive2 == 1, j, 0)

            jbase = (j // 16) * 16
            jmsk = iota == (j - jbase)

            def pick(ref):
                return jnp.sum(jnp.where(jmsk, ref[pl.ds(jbase, 16)], 0.0))

            wx1 = pick(bx1)
            wy1 = pick(by1)
            wx2 = pick(bx2)
            wy2 = pick(by2)
            carea = (wx2 - wx1) * (wy2 - wy1)

            base = (j // 16) * 16
            lane = j - base
            vv0 = s0v[pl.ds(base, 16)]
            s0v[pl.ds(base, 16)] = jnp.where(iota == lane, -jnp.inf, vv0)
            g = j // 256
            grows = [s0v[pl.ds(g * 256 + i * 16, 16)] for i in range(16)]
            newrow = _tree(grows, jnp.maximum)
            rows2 = tuple(
                jnp.where(g == k, newrow, rows[k]) for k in range(_NG))

            def tier(ts):
                ious = []
                for t in ts:
                    off = t * 16
                    a1 = kx1[pl.ds(off, 16)]
                    c1 = ky1[pl.ds(off, 16)]
                    a2 = kx2[pl.ds(off, 16)]
                    c2 = ky2[pl.ds(off, 16)]
                    ltx = jnp.maximum(a1, wx1)
                    lty = jnp.maximum(c1, wy1)
                    rbx = jnp.minimum(a2, wx2)
                    rby = jnp.minimum(c2, wy2)
                    whx = jnp.maximum(rbx - ltx, 0.0)
                    why = jnp.maximum(rby - lty, 0.0)
                    inter = whx * why
                    karea = (a2 - a1) * (c2 - c1)
                    denom = (karea + carea) - inter + 1e-9
                    ious.append(inter / denom)
                return jnp.max(_tree(ious, jnp.maximum))

            ioumax = tier(range(0, 5))
            for k in (1, 2, 3):
                lo = list(range(5 * k, min(5 * (k + 1), _KPAD // 16)))
                ioumax = lax.cond(
                    nk > 80 * k,
                    lambda cur, ts=lo: jnp.maximum(cur, tier(ts)),
                    lambda cur: cur,
                    ioumax)
            keepf = (alive2 == 1) & jnp.logical_not(ioumax > _IOU_T) & inb

            @pl.when(keepf)
            def _():
                base = (nk // 16) * 16
                lane = nk - base
                lm = iota == lane

                def put(ref, val):
                    old = ref[pl.ds(base, 16)]
                    ref[pl.ds(base, 16)] = jnp.where(lm, val, old)
                put(kx1, wx1)
                put(ky1, wy1)
                put(kx2, wx2)
                put(ky2, wy2)
                put(outl, pick(lblv))
                put(outb1, pick(ox1))
                put(outb2, pick(oy1))
                put(outb3, pick(ox2))
                put(outb4, pick(oy2))
                put(outs, gm)

            nk2 = nk + jnp.where(keepf, jnp.int32(1), jnp.int32(0))
            return (nk2, alive2, rows2)

        def chunk(_, carry):
            nk, alive, _rows = carry
            active = (nk < _TOPK) & (alive == 1)
            return lax.cond(
                active,
                lambda c: lax.fori_loop(0, 16, attempt, c),
                lambda c: c,
                carry)

        lax.fori_loop(0, 339, chunk, (jnp.int32(0), jnp.int32(1), rows0))

        pltpu.sync_copy(outl, outl_h.at[img])
        pltpu.sync_copy(outb1, ob1_h.at[img])
        pltpu.sync_copy(outb2, ob2_h.at[img])
        pltpu.sync_copy(outb3, ob3_h.at[img])
        pltpu.sync_copy(outb4, ob4_h.at[img])
        pltpu.sync_copy(outs, osc_h.at[img])


def _nms_body(*args):
    wid = lax.axis_index("s") * 2 + lax.axis_index("c")

    @pl.when(wid < _B)
    def _():
        _nms_image(wid, *args)


_nms_call = None


def _nms(*args):
    global _nms_call
    if _nms_call is None:
        _nms_call = functools.partial(
            pl.kernel,
            out_type=[jax.ShapeDtypeStruct((_B, _KPAD), jnp.float32)] * 6,
            mesh=plsc.VectorSubcoreMesh(
                core_axis_name="c", subcore_axis_name="s",
                num_cores=2, num_subcores=16),
            compiler_params=pltpu.CompilerParams(needs_layout_passes=False),
            scratch_types=(
                [pltpu.VMEM((_NPAD,), jnp.float32)] * 10
                + [pltpu.VMEM((_NG * 16,), jnp.float32)]
                + [pltpu.VMEM((_KPAD,), jnp.float32)] * 10
                + [pltpu.SemaphoreType.DMA]
            ),
        )(_nms_body)
    return _nms_call(*args)


def kernel(pred_logits, pred_boxes, orig_target_sizes):
    f32 = jnp.float32
    lg = jnp.transpose(pred_logits, (0, 2, 1))
    lg = jnp.pad(lg, ((0, 0), (0, 0), (0, _NPAD - _N)), constant_values=-1e30)
    bx = jnp.transpose(pred_boxes, (0, 2, 1))
    bx = jnp.pad(bx, ((0, 0), (0, 0), (0, _NPAD - _N)))
    scale = jnp.tile(orig_target_sizes.astype(f32), (1, 2))

    stacked = _prep(lg, bx, scale)
    s = jax.nn.sigmoid(stacked[:, 0, :])
    outl, ob1, ob2, ob3, ob4, osc = _nms(s, stacked)

    out_labels = outl[:, :_TOPK].astype(jnp.int32)
    out_boxes = jnp.stack(
        [ob1[:, :_TOPK], ob2[:, :_TOPK], ob3[:, :_TOPK], ob4[:, :_TOPK]],
        axis=-1)
    out_scores = osc[:, :_TOPK]
    return out_labels, out_boxes, out_scores

# --- scband reference (transcript-rebuilt; emitter-appended) ---
"""Pipeline reference for scband-det-nmspost-processor-60473139528492 (READ-ONLY COPY).

The authoritative reference and input builder live on the scoring server;
editing this copy changes nothing except your own understanding.
"""

import jax, jax.numpy as jnp
import numpy as np
from jax import lax

B, N, C = 8, 5000, 91
IOU_THRESHOLD = 0.7
SCORE_THRESHOLD = 0.01
KEEP_TOPK = 300


def setup_inputs(seed: int = 0):
    key = jax.random.key(seed)
    k1, k2, k3 = jax.random.split(key, 3)
    pred_logits = jax.random.normal(k1, (B, N, C), dtype=jnp.float32)
    pred_boxes = jax.random.uniform(k2, (B, N, 4), dtype=jnp.float32)
    orig_target_sizes = jax.random.randint(k3, (B, 2), 0, 1333, dtype=jnp.int32)
    return {"pred_logits": pred_logits, "pred_boxes": pred_boxes, "orig_target_sizes": orig_target_sizes}


def _box_iou_one_to_many(box, boxes):
    lt = jnp.maximum(box[:2], boxes[:, :2])
    rb = jnp.minimum(box[2:], boxes[:, 2:])
    wh = jnp.clip(rb - lt, 0.0, None)
    inter = wh[:, 0] * wh[:, 1]
    area1 = (box[2] - box[0]) * (box[3] - box[1])
    area2 = (boxes[:, 2] - boxes[:, 0]) * (boxes[:, 3] - boxes[:, 1])
    return inter / (area1 + area2 - inter + 1e-9)


def _nms_single(boxes, scores, labels):
    # score_threshold filtering emulated by masking to -inf (equivalent selection)
    s0 = jnp.where(scores > SCORE_THRESHOLD, scores, -jnp.inf)
    # torchvision.ops.batched_nms class-offset trick: boxes of different classes never overlap
    max_coord = jnp.max(boxes) + 1.0
    b = boxes + (labels.astype(boxes.dtype) * max_coord)[:, None]

    def step(s, _):
        idx = jnp.argmax(s)
        ok = s[idx] > -jnp.inf
        kidx = jnp.where(ok, idx.astype(jnp.int32), jnp.int32(-1))
        ious = _box_iou_one_to_many(b[idx], b)
        s = jnp.where(ious > IOU_THRESHOLD, -jnp.inf, s)
        s = s.at[idx].set(-jnp.inf)
        return s, kidx

    _, keep = lax.scan(step, s0, None, length=KEEP_TOPK)
    safe = jnp.maximum(keep, 0)
    m = keep >= 0
    out_boxes = boxes[safe] * m[:, None].astype(boxes.dtype)
    out_scores = scores[safe] * m.astype(scores.dtype)
    out_labels = jnp.where(m, labels[safe], -1)
    return out_labels, out_boxes, out_scores


def reference(pred_logits, pred_boxes, orig_target_sizes):
    # box_convert cxcywh -> xyxy
    cx = pred_boxes[..., 0:1]
    cy = pred_boxes[..., 1:2]
    w = pred_boxes[..., 2:3]
    h = pred_boxes[..., 3:4]
    xyxy = jnp.concatenate([cx - 0.5 * w, cy - 0.5 * h, cx + 0.5 * w, cy + 0.5 * h], axis=-1)
    # scale by orig_target_sizes.repeat(1, 2).unsqueeze(1)
    scale = jnp.tile(orig_target_sizes.astype(jnp.float32), (1, 2))[:, None, :]
    boxes = xyxy * scale
    values = jnp.max(pred_logits, axis=-1)
    labels = jnp.argmax(pred_logits, axis=-1).astype(jnp.int32)
    scores = jax.nn.sigmoid(values)
    out_labels, out_boxes, out_scores = jax.vmap(_nms_single)(boxes, scores, labels)
    return out_labels, out_boxes, out_scores

if __name__ == "__main__":
    import jax
    _d = setup_inputs()
    print(jax.jit(kernel)(*tuple(_d.values())))

</pallas_src>

<mosaic_0001>
#map = affine_map<(d0, d1) -> (0, 0)>
#map1 = affine_map<(d0, d1) -> (0, 0, 0)>
module attributes {stable_mosaic.version = 14 : i64} {
  func.func @_nms_body(%arg0: i32, %arg1: i32, %arg2: memref<8x5120xf32, #tpu.memory_space<hbm>>, %arg3: memref<8x16x5120xf32, #tpu.memory_space<hbm>>, %arg4: memref<8x304xf32, #tpu.memory_space<hbm>>, %arg5: memref<8x304xf32, #tpu.memory_space<hbm>>, %arg6: memref<8x304xf32, #tpu.memory_space<hbm>>, %arg7: memref<8x304xf32, #tpu.memory_space<hbm>>, %arg8: memref<8x304xf32, #tpu.memory_space<hbm>>, %arg9: memref<8x304xf32, #tpu.memory_space<hbm>>, %arg10: memref<5120xf32, #tpu.memory_space<vmem>>, %arg11: memref<5120xf32, #tpu.memory_space<vmem>>, %arg12: memref<5120xf32, #tpu.memory_space<vmem>>, %arg13: memref<5120xf32, #tpu.memory_space<vmem>>, %arg14: memref<5120xf32, #tpu.memory_space<vmem>>, %arg15: memref<5120xf32, #tpu.memory_space<vmem>>, %arg16: memref<5120xf32, #tpu.memory_space<vmem>>, %arg17: memref<5120xf32, #tpu.memory_space<vmem>>, %arg18: memref<5120xf32, #tpu.memory_space<vmem>>, %arg19: memref<5120xf32, #tpu.memory_space<vmem>>, %arg20: memref<320xf32, #tpu.memory_space<vmem>>, %arg21: memref<304xf32, #tpu.memory_space<vmem>>, %arg22: memref<304xf32, #tpu.memory_space<vmem>>, %arg23: memref<304xf32, #tpu.memory_space<vmem>>, %arg24: memref<304xf32, #tpu.memory_space<vmem>>, %arg25: memref<304xf32, #tpu.memory_space<vmem>>, %arg26: memref<304xf32, #tpu.memory_space<vmem>>, %arg27: memref<304xf32, #tpu.memory_space<vmem>>, %arg28: memref<304xf32, #tpu.memory_space<vmem>>, %arg29: memref<304xf32, #tpu.memory_space<vmem>>, %arg30: memref<304xf32, #tpu.memory_space<vmem>>, %arg31: memref<!tpu.dma_semaphore, #tpu.memory_space<semaphore_mem>>) attributes {dimension_semantics = [#tpu.dimension_semantics<core_parallel>, #tpu.dimension_semantics<subcore_parallel>], iteration_bounds = array<i64: 2, 16>, scalar_prefetch = 0 : i64, scratch_operands = 22 : i64, tpu.core_type = #tpu.core_type<sc_vector_subcore>, window_params = [{transform_indices = #map}, {transform_indices = #map1}, {transform_indices = #map}, {transform_indices = #map}, {transform_indices = #map}, {transform_indices = #map}, {transform_indices = #map}, {transform_indices = #map}]} {
    %mul3A = arith.constant 2 : i32
    %mul3A_0 = arith.muli %arg1, %mul3A : i32
    %add3A = arith.addi %mul3A_0, %arg0 : i32
    %lt3A = arith.constant 8 : i32
    %lt3A_1 = arith.cmpi slt, %add3A, %lt3A : i32
    %convert_element_type3A = arith.extui %lt3A_1 : i1 to i32
    %cond3A = arith.constant 0 : i32
    %cond3A_2 = arith.cmpi ne, %convert_element_type3A, %cond3A : i32
    scf.if %cond3A_2 {
      %dma_start3A = arith.constant 0 : i32
      %dma_start3A_3 = tpu.memref_slice %arg2[%add3A, %dma_start3A] : memref<8x5120xf32, #tpu.memory_space<hbm>> -> memref<1x5120xf32, #tpu.memory_space<hbm>>
      %dma_start3A_4 = tpu.memref_squeeze %dma_start3A_3 : memref<1x5120xf32, #tpu.memory_space<hbm>> -> memref<5120xf32, #tpu.memory_space<hbm>>
      %dma_start3A_5 = arith.constant 0 : i32
      %dma_start3A_6 = tpu.memref_slice %arg2[%add3A, %dma_start3A_5] : memref<8x5120xf32, #tpu.memory_space<hbm>> -> memref<1x5120xf32, #tpu.memory_space<hbm>>
      %dma_start3A_7 = tpu.memref_squeeze %dma_start3A_6 : memref<1x5120xf32, #tpu.memory_space<hbm>> -> memref<5120xf32, #tpu.memory_space<hbm>>
      tpu.enqueue_dma source(%dma_start3A_7 : memref<5120xf32, #tpu.memory_space<hbm>>) target(%arg10 : memref<5120xf32, #tpu.memory_space<vmem>>) target_semaphore(%arg31 : memref<!tpu.dma_semaphore, #tpu.memory_space<semaphore_mem>>)
      %dma_start3A_8 = arith.constant 1 : i32
      %dma_start3A_9 = arith.constant 0 : i32
      %dma_start3A_10 = tpu.memref_slice %arg3[%add3A, %dma_start3A_8, %dma_start3A_9] : memref<8x16x5120xf32, #tpu.memory_space<hbm>> -> memref<1x1x5120xf32, #tpu.memory_space<hbm>>
      %dma_start3A_11 = tpu.memref_squeeze %dma_start3A_10 : memref<1x1x5120xf32, #tpu.memory_space<hbm>> -> memref<5120xf32, #tpu.memory_space<hbm>>
      %dma_start3A_12 = arith.constant 0 : i32
      %dma_start3A_13 = tpu.memref_slice %arg3[%add3A, %dma_start3A_8, %dma_start3A_12] : memref<8x16x5120xf32, #tpu.memory_space<hbm>> -> memref<1x1x5120xf32, #tpu.memory_space<hbm>>
      %dma_start3A_14 = tpu.memref_squeeze %dma_start3A_13 : memref<1x1x5120xf32, #tpu.memory_space<hbm>> -> memref<5120xf32, #tpu.memory_space<hbm>>
      tpu.enqueue_dma source(%dma_start3A_14 : memref<5120xf32, #tpu.memory_space<hbm>>) target(%arg11 : memref<5120xf32, #tpu.memory_space<vmem>>) target_semaphore(%arg31 : memref<!tpu.dma_semaphore, #tpu.memory_space<semaphore_mem>>)
      %dma_start3A_15 = arith.constant 2 : i32
      %dma_start3A_16 = arith.constant 0 : i32
      %dma_start3A_17 = tpu.memref_slice %arg3[%add3A, %dma_start3A_15, %dma_start3A_16] : memref<8x16x5120xf32, #tpu.memory_space<hbm>> -> memref<1x1x5120xf32, #tpu.memory_space<hbm>>
      %dma_start3A_18 = tpu.memref_squeeze %dma_start3A_17 : memref<1x1x5120xf32, #tpu.memory_space<hbm>> -> memref<5120xf32, #tpu.memory_space<hbm>>
      %dma_start3A_19 = arith.constant 0 : i32
      %dma_start3A_20 = tpu.memref_slice %arg3[%add3A, %dma_start3A_15, %dma_start3A_19] : memref<8x16x5120xf32, #tpu.memory_space<hbm>> -> memref<1x1x5120xf32, #tpu.memory_space<hbm>>
      %dma_start3A_21 = tpu.memref_squeeze %dma_start3A_20 : memref<1x1x5120xf32, #tpu.memory_space<hbm>> -> memref<5120xf32, #tpu.memory_space<hbm>>
      tpu.enqueue_dma source(%dma_start3A_21 : memref<5120xf32, #tpu.memory_space<hbm>>) target(%arg12 : memref<5120xf32, #tpu.memory_space<vmem>>) target_semaphore(%arg31 : memref<!tpu.dma_semaphore, #tpu.memory_space<semaphore_mem>>)
      %dma_start3A_22 = arith.constant 3 : i32
      %dma_start3A_23 = arith.constant 0 : i32
      %dma_start3A_24 = tpu.memref_slice %arg3[%add3A, %dma_start3A_22, %dma_start3A_23] : memref<8x16x5120xf32, #tpu.memory_space<hbm>> -> memref<1x1x5120xf32, #tpu.memory_space<hbm>>
      %dma_start3A_25 = tpu.memref_squeeze %dma_start3A_24 : memref<1x1x5120xf32, #tpu.memory_space<hbm>> -> memref<5120xf32, #tpu.memory_space<hbm>>
      %dma_start3A_26 = arith.constant 0 : i32
      %dma_start3A_27 = tpu.memref_slice %arg3[%add3A, %dma_start3A_22, %dma_start3A_26] : memref<8x16x5120xf32, #tpu.memory_space<hbm>> -> memref<1x1x5120xf32, #tpu.memory_space<hbm>>
      %dma_start3A_28 = tpu.memref_squeeze %dma_start3A_27 : memref<1x1x5120xf32, #tpu.memory_space<hbm>> -> memref<5120xf32, #tpu.memory_space<hbm>>
      tpu.enqueue_dma source(%dma_start3A_28 : memref<5120xf32, #tpu.memory_space<hbm>>) target(%arg13 : memref<5120xf32, #tpu.memory_space<vmem>>) target_semaphore(%arg31 : memref<!tpu.dma_semaphore, #tpu.memory_space<semaphore_mem>>)
      %dma_start3A_29 = arith.constant 4 : i32
      %dma_start3A_30 = arith.constant 0 : i32
      %dma_start3A_31 = tpu.memref_slice %arg3[%add3A, %dma_start3A_29, %dma_start3A_30] : memref<8x16x5120xf32, #tpu.memory_space<hbm>> -> memref<1x1x5120xf32, #tpu.memory_space<hbm>>
      %dma_start3A_32 = tpu.memref_squeeze %dma_start3A_31 : memref<1x1x5120xf32, #tpu.memory_space<hbm>> -> memref<5120xf32, #tpu.memory_space<hbm>>
      %dma_start3A_33 = arith.constant 0 : i32
      %dma_start3A_34 = tpu.memref_slice %arg3[%add3A, %dma_start3A_29, %dma_start3A_33] : memref<8x16x5120xf32, #tpu.memory_space<hbm>> -> memref<1x1x5120xf32, #tpu.memory_space<hbm>>
      %dma_start3A_35 = tpu.memref_squeeze %dma_start3A_34 : memref<1x1x5120xf32, #tpu.memory_space<hbm>> -> memref<5120xf32, #tpu.memory_space<hbm>>
      tpu.enqueue_dma source(%dma_start3A_35 : memref<5120xf32, #tpu.memory_space<hbm>>) target(%arg14 : memref<5120xf32, #tpu.memory_space<vmem>>) target_semaphore(%arg31 : memref<!tpu.dma_semaphore, #tpu.memory_space<semaphore_mem>>)
      %dma_start3A_36 = arith.constant 5 : i32
      %dma_start3A_37 = arith.constant 0 : i32
      %dma_start3A_38 = tpu.memref_slice %arg3[%add3A, %dma_start3A_36, %dma_start3A_37] : memref<8x16x5120xf32, #tpu.memory_space<hbm>> -> memref<1x1x5120xf32, #tpu.memory_space<hbm>>
      %dma_start3A_39 = tpu.memref_squeeze %dma_start3A_38 : memref<1x1x5120xf32, #tpu.memory_space<hbm>> -> memref<5120xf32, #tpu.memory_space<hbm>>
      %dma_start3A_40 = arith.constant 0 : i32
      %dma_start3A_41 = tpu.memref_slice %arg3[%add3A, %dma_start3A_36, %dma_start3A_40] : memref<8x16x5120xf32, #tpu.memory_space<hbm>> -> memref<1x1x5120xf32, #tpu.memory_space<hbm>>
      %dma_start3A_42 = tpu.memref_squeeze %dma_start3A_41 : memref<1x1x5120xf32, #tpu.memory_space<hbm>> -> memref<5120xf32, #tpu.memory_space<hbm>>
      tpu.enqueue_dma source(%dma_start3A_42 : memref<5120xf32, #tpu.memory_space<hbm>>) target(%arg15 : memref<5120xf32, #tpu.memory_space<vmem>>) target_semaphore(%arg31 : memref<!tpu.dma_semaphore, #tpu.memory_space<semaphore_mem>>)
      %dma_start3A_43 = arith.constant 6 : i32
      %dma_start3A_44 = arith.constant 0 : i32
      %dma_start3A_45 = tpu.memref_slice %arg3[%add3A, %dma_start3A_43, %dma_start3A_44] : memref<8x16x5120xf32, #tpu.memory_space<hbm>> -> memref<1x1x5120xf32, #tpu.memory_space<hbm>>
      %dma_start3A_46 = tpu.memref_squeeze %dma_start3A_45 : memref<1x1x5120xf32, #tpu.memory_space<hbm>> -> memref<5120xf32, #tpu.memory_space<hbm>>
      %dma_start3A_47 = arith.constant 0 : i32
      %dma_start3A_48 = tpu.memref_slice %arg3[%add3A, %dma_start3A_43, %dma_start3A_47] : memref<8x16x5120xf32, #tpu.memory_space<hbm>> -> memref<1x1x5120xf32, #tpu.memory_space<hbm>>
      %dma_start3A_49 = tpu.memref_squeeze %dma_start3A_48 : memref<1x1x5120xf32, #tpu.memory_space<hbm>> -> memref<5120xf32, #tpu.memory_space<hbm>>
      tpu.enqueue_dma source(%dma_start3A_49 : memref<5120xf32, #tpu.memory_space<hbm>>) target(%arg16 : memref<5120xf32, #tpu.memory_space<vmem>>) target_semaphore(%arg31 : memref<!tpu.dma_semaphore, #tpu.memory_space<semaphore_mem>>)
      %dma_start3A_50 = arith.constant 7 : i32
      %dma_start3A_51 = arith.constant 0 : i32
      %dma_start3A_52 = tpu.memref_slice %arg3[%add3A, %dma_start3A_50, %dma_start3A_51] : memref<8x16x5120xf32, #tpu.memory_space<hbm>> -> memref<1x1x5120xf32, #tpu.memory_space<hbm>>
      %dma_start3A_53 = tpu.memref_squeeze %dma_start3A_52 : memref<1x1x5120xf32, #tpu.memory_space<hbm>> -> memref<5120xf32, #tpu.memory_space<hbm>>
      %dma_start3A_54 = arith.constant 0 : i32
      %dma_start3A_55 = tpu.memref_slice %arg3[%add3A, %dma_start3A_50, %dma_start3A_54] : memref<8x16x5120xf32, #tpu.memory_space<hbm>> -> memref<1x1x5120xf32, #tpu.memory_space<hbm>>
      %dma_start3A_56 = tpu.memref_squeeze %dma_start3A_55 : memref<1x1x5120xf32, #tpu.memory_space<hbm>> -> memref<5120xf32, #tpu.memory_space<hbm>>
      tpu.enqueue_dma source(%dma_start3A_56 : memref<5120xf32, #tpu.memory_space<hbm>>) target(%arg17 : memref<5120xf32, #tpu.memory_space<vmem>>) target_semaphore(%arg31 : memref<!tpu.dma_semaphore, #tpu.memory_space<semaphore_mem>>)
      %dma_start3A_57 = arith.constant 8 : i32
      %dma_start3A_58 = arith.constant 0 : i32
      %dma_start3A_59 = tpu.memref_slice %arg3[%add3A, %dma_start3A_57, %dma_start3A_58] : memref<8x16x5120xf32, #tpu.memory_space<hbm>> -> memref<1x1x5120xf32, #tpu.memory_space<hbm>>
      %dma_start3A_60 = tpu.memref_squeeze %dma_start3A_59 : memref<1x1x5120xf32, #tpu.memory_space<hbm>> -> memref<5120xf32, #tpu.memory_space<hbm>>
      %dma_start3A_61 = arith.constant 0 : i32
      %dma_start3A_62 = tpu.memref_slice %arg3[%add3A, %dma_start3A_57, %dma_start3A_61] : memref<8x16x5120xf32, #tpu.memory_space<hbm>> -> memref<1x1x5120xf32, #tpu.memory_space<hbm>>
      %dma_start3A_63 = tpu.memref_squeeze %dma_start3A_62 : memref<1x1x5120xf32, #tpu.memory_space<hbm>> -> memref<5120xf32, #tpu.memory_space<hbm>>
      tpu.enqueue_dma source(%dma_start3A_63 : memref<5120xf32, #tpu.memory_space<hbm>>) target(%arg18 : memref<5120xf32, #tpu.memory_space<vmem>>) target_semaphore(%arg31 : memref<!tpu.dma_semaphore, #tpu.memory_space<semaphore_mem>>)
      %dma_start3A_64 = arith.constant 9 : i32
      %dma_start3A_65 = arith.constant 0 : i32
      %dma_start3A_66 = tpu.memref_slice %arg3[%add3A, %dma_start3A_64, %dma_start3A_65] : memref<8x16x5120xf32, #tpu.memory_space<hbm>> -> memref<1x1x5120xf32, #tpu.memory_space<hbm>>
      %dma_start3A_67 = tpu.memref_squeeze %dma_start3A_66 : memref<1x1x5120xf32, #tpu.memory_space<hbm>> -> memref<5120xf32, #tpu.memory_space<hbm>>
      %dma_start3A_68 = arith.constant 0 : i32
      %dma_start3A_69 = tpu.memref_slice %arg3[%add3A, %dma_start3A_64, %dma_start3A_68] : memref<8x16x5120xf32, #tpu.memory_space<hbm>> -> memref<1x1x5120xf32, #tpu.memory_space<hbm>>
      %dma_start3A_70 = tpu.memref_squeeze %dma_start3A_69 : memref<1x1x5120xf32, #tpu.memory_space<hbm>> -> memref<5120xf32, #tpu.memory_space<hbm>>
      tpu.enqueue_dma source(%dma_start3A_70 : memref<5120xf32, #tpu.memory_space<hbm>>) target(%arg19 : memref<5120xf32, #tpu.memory_space<vmem>>) target_semaphore(%arg31 : memref<!tpu.dma_semaphore, #tpu.memory_space<semaphore_mem>>)
      %dma_wait3A = arith.constant 0 : i32
      %dma_wait3A_71 = tpu.memref_slice %arg2[%add3A, %dma_wait3A] : memref<8x5120xf32, #tpu.memory_space<hbm>> -> memref<1x5120xf32, #tpu.memory_space<hbm>>
      %dma_wait3A_72 = tpu.memref_squeeze %dma_wait3A_71 : memref<1x5120xf32, #tpu.memory_space<hbm>> -> memref<5120xf32, #tpu.memory_space<hbm>>
      %dma_wait3A_73 = arith.constant 0 : i32
      %dma_wait3A_74 = tpu.memref_slice %arg2[%add3A, %dma_wait3A_73] : memref<8x5120xf32, #tpu.memory_space<hbm>> -> memref<1x5120xf32, #tpu.memory_space<hbm>>
      %dma_wait3A_75 = tpu.memref_squeeze %dma_wait3A_74 : memref<1x5120xf32, #tpu.memory_space<hbm>> -> memref<5120xf32, #tpu.memory_space<hbm>>
      tpu.wait_dma2 semaphore(%arg31 : memref<!tpu.dma_semaphore, #tpu.memory_space<semaphore_mem>>) src(%dma_wait3A_75 : memref<5120xf32, #tpu.memory_space<hbm>>) dst(%arg10 : memref<5120xf32, #tpu.memory_space<vmem>>)
      %dma_wait3A_76 = arith.constant 1 : i32
      %dma_wait3A_77 = arith.constant 0 : i32
      %dma_wait3A_78 = tpu.memref_slice %arg3[%add3A, %dma_wait3A_76, %dma_wait3A_77] : memref<8x16x5120xf32, #tpu.memory_space<hbm>> -> memref<1x1x5120xf32, #tpu.memory_space<hbm>>
      %dma_wait3A_79 = tpu.memref_squeeze %dma_wait3A_78 : memref<1x1x5120xf32, #tpu.memory_space<hbm>> -> memref<5120xf32, #tpu.memory_space<hbm>>
      %dma_wait3A_80 = arith.constant 0 : i32
      %dma_wait3A_81 = tpu.memref_slice %arg3[%add3A, %dma_wait3A_76, %dma_wait3A_80] : memref<8x16x5120xf32, #tpu.memory_space<hbm>> -> memref<1x1x5120xf32, #tpu.memory_space<hbm>>
      %dma_wait3A_82 = tpu.memref_squeeze %dma_wait3A_81 : memref<1x1x5120xf32, #tpu.memory_space<hbm>> -> memref<5120xf32, #tpu.memory_space<hbm>>
      tpu.wait_dma2 semaphore(%arg31 : memref<!tpu.dma_semaphore, #tpu.memory_space<semaphore_mem>>) src(%dma_wait3A_82 : memref<5120xf32, #tpu.memory_space<hbm>>) dst(%arg11 : memref<5120xf32, #tpu.memory_space<vmem>>)
      %dma_wait3A_83 = arith.constant 2 : i32
      %dma_wait3A_84 = arith.constant 0 : i32
      %dma_wait3A_85 = tpu.memref_slice %arg3[%add3A, %dma_wait3A_83, %dma_wait3A_84] : memref<8x16x5120xf32, #tpu.memory_space<hbm>> -> memref<1x1x5120xf32, #tpu.memory_space<hbm>>
      %dma_wait3A_86 = tpu.memref_squeeze %dma_wait3A_85 : memref<1x1x5120xf32, #tpu.memory_space<hbm>> -> memref<5120xf32, #tpu.memory_space<hbm>>
      %dma_wait3A_87 = arith.constant 0 : i32
      %dma_wait3A_88 = tpu.memref_slice %arg3[%add3A, %dma_wait3A_83, %dma_wait3A_87] : memref<8x16x5120xf32, #tpu.memory_space<hbm>> -> memref<1x1x5120xf32, #tpu.memory_space<hbm>>
      %dma_wait3A_89 = tpu.memref_squeeze %dma_wait3A_88 : memref<1x1x5120xf32, #tpu.memory_space<hbm>> -> memref<5120xf32, #tpu.memory_space<hbm>>
      tpu.wait_dma2 semaphore(%arg31 : memref<!tpu.dma_semaphore, #tpu.memory_space<semaphore_mem>>) src(%dma_wait3A_89 : memref<5120xf32, #tpu.memory_space<hbm>>) dst(%arg12 : memref<5120xf32, #tpu.memory_space<vmem>>)
      %dma_wait3A_90 = arith.constant 3 : i32
      %dma_wait3A_91 = arith.constant 0 : i32
      %dma_wait3A_92 = tpu.memref_slice %arg3[%add3A, %dma_wait3A_90, %dma_wait3A_91] : memref<8x16x5120xf32, #tpu.memory_space<hbm>> -> memref<1x1x5120xf32, #tpu.memory_space<hbm>>
      %dma_wait3A_93 = tpu.memref_squeeze %dma_wait3A_92 : memref<1x1x5120xf32, #tpu.memory_space<hbm>> -> memref<5120xf32, #tpu.memory_space<hbm>>
      %dma_wait3A_94 = arith.constant 0 : i32
      %dma_wait3A_95 = tpu.memref_slice %arg3[%add3A, %dma_wait3A_90, %dma_wait3A_94] : memref<8x16x5120xf32, #tpu.memory_space<hbm>> -> memref<1x1x5120xf32, #tpu.memory_space<hbm>>
      %dma_wait3A_96 = tpu.memref_squeeze %dma_wait3A_95 : memref<1x1x5120xf32, #tpu.memory_space<hbm>> -> memref<5120xf32, #tpu.memory_space<hbm>>
      tpu.wait_dma2 semaphore(%arg31 : memref<!tpu.dma_semaphore, #tpu.memory_space<semaphore_mem>>) src(%dma_wait3A_96 : memref<5120xf32, #tpu.memory_space<hbm>>) dst(%arg13 : memref<5120xf32, #tpu.memory_space<vmem>>)
      %dma_wait3A_97 = arith.constant 4 : i32
      %dma_wait3A_98 = arith.constant 0 : i32
      %dma_wait3A_99 = tpu.memref_slice %arg3[%add3A, %dma_wait3A_97, %dma_wait3A_98] : memref<8x16x5120xf32, #tpu.memory_space<hbm>> -> memref<1x1x5120xf32, #tpu.memory_space<hbm>>
      %dma_wait3A_100 = tpu.memref_squeeze %dma_wait3A_99 : memref<1x1x5120xf32, #tpu.memory_space<hbm>> -> memref<5120xf32, #tpu.memory_space<hbm>>
      %dma_wait3A_101 = arith.constant 0 : i32
      %dma_wait3A_102 = tpu.memref_slice %arg3[%add3A, %dma_wait3A_97, %dma_wait3A_101] : memref<8x16x5120xf32, #tpu.memory_space<hbm>> -> memref<1x1x5120xf32, #tpu.memory_space<hbm>>
      %dma_wait3A_103 = tpu.memref_squeeze %dma_wait3A_102 : memref<1x1x5120xf32, #tpu.memory_space<hbm>> -> memref<5120xf32, #tpu.memory_space<hbm>>
      tpu.wait_dma2 semaphore(%arg31 : memref<!tpu.dma_semaphore, #tpu.memory_space<semaphore_mem>>) src(%dma_wait3A_103 : memref<5120xf32, #tpu.memory_space<hbm>>) dst(%arg14 : memref<5120xf32, #tpu.memory_space<vmem>>)
      %dma_wait3A_104 = arith.constant 5 : i32
      %dma_wait3A_105 = arith.constant 0 : i32
      %dma_wait3A_106 = tpu.memref_slice %arg3[%add3A, %dma_wait3A_104, %dma_wait3A_105] : memref<8x16x5120xf32, #tpu.memory_space<hbm>> -> memref<1x1x5120xf32, #tpu.memory_space<hbm>>
      %dma_wait3A_107 = tpu.memref_squeeze %dma_wait3A_106 : memref<1x1x5120xf32, #tpu.memory_space<hbm>> -> memref<5120xf32, #tpu.memory_space<hbm>>
      %dma_wait3A_108 = arith.constant 0 : i32
      %dma_wait3A_109 = tpu.memref_slice %arg3[%add3A, %dma_wait3A_104, %dma_wait3A_108] : memref<8x16x5120xf32, #tpu.memory_space<hbm>> -> memref<1x1x5120xf32, #tpu.memory_space<hbm>>
      %dma_wait3A_110 = tpu.memref_squeeze %dma_wait3A_109 : memref<1x1x5120xf32, #tpu.memory_space<hbm>> -> memref<5120xf32, #tpu.memory_space<hbm>>
      tpu.wait_dma2 semaphore(%arg31 : memref<!tpu.dma_semaphore, #tpu.memory_space<semaphore_mem>>) src(%dma_wait3A_110 : memref<5120xf32, #tpu.memory_space<hbm>>) dst(%arg15 : memref<5120xf32, #tpu.memory_space<vmem>>)
      %dma_wait3A_111 = arith.constant 6 : i32
      %dma_wait3A_112 = arith.constant 0 : i32
      %dma_wait3A_113 = tpu.memref_slice %arg3[%add3A, %dma_wait3A_111, %dma_wait3A_112] : memref<8x16x5120xf32, #tpu.memory_space<hbm>> -> memref<1x1x5120xf32, #tpu.memory_space<hbm>>
      %dma_wait3A_114 = tpu.memref_squeeze %dma_wait3A_113 : memref<1x1x5120xf32, #tpu.memory_space<hbm>> -> memref<5120xf32, #tpu.memory_space<hbm>>
      %dma_wait3A_115 = arith.constant 0 : i32
      %dma_wait3A_116 = tpu.memref_slice %arg3[%add3A, %dma_wait3A_111, %dma_wait3A_115] : memref<8x16x5120xf32, #tpu.memory_space<hbm>> -> memref<1x1x5120xf32, #tpu.memory_space<hbm>>
      %dma_wait3A_117 = tpu.memref_squeeze %dma_wait3A_116 : memref<1x1x5120xf32, #tpu.memory_space<hbm>> -> memref<5120xf32, #tpu.memory_space<hbm>>
      tpu.wait_dma2 semaphore(%arg31 : memref<!tpu.dma_semaphore, #tpu.memory_space<semaphore_mem>>) src(%dma_wait3A_117 : memref<5120xf32, #tpu.memory_space<hbm>>) dst(%arg16 : memref<5120xf32, #tpu.memory_space<vmem>>)
      %dma_wait3A_118 = arith.constant 7 : i32
      %dma_wait3A_119 = arith.constant 0 : i32
      %dma_wait3A_120 = tpu.memref_slice %arg3[%add3A, %dma_wait3A_118, %dma_wait3A_119] : memref<8x16x5120xf32, #tpu.memory_space<hbm>> -> memref<1x1x5120xf32, #tpu.memory_space<hbm>>
      %dma_wait3A_121 = tpu.memref_squeeze %dma_wait3A_120 : memref<1x1x5120xf32, #tpu.memory_space<hbm>> -> memref<5120xf32, #tpu.memory_space<hbm>>
      %dma_wait3A_122 = arith.constant 0 : i32
      %dma_wait3A_123 = tpu.memref_slice %arg3[%add3A, %dma_wait3A_118, %dma_wait3A_122] : memref<8x16x5120xf32, #tpu.memory_space<hbm>> -> memref<1x1x5120xf32, #tpu.memory_space<hbm>>
      %dma_wait3A_124 = tpu.memref_squeeze %dma_wait3A_123 : memref<1x1x5120xf32, #tpu.memory_space<hbm>> -> memref<5120xf32, #tpu.memory_space<hbm>>
      tpu.wait_dma2 semaphore(%arg31 : memref<!tpu.dma_semaphore, #tpu.memory_space<semaphore_mem>>) src(%dma_wait3A_124 : memref<5120xf32, #tpu.memory_space<hbm>>) dst(%arg17 : memref<5120xf32, #tpu.memory_space<vmem>>)
      %dma_wait3A_125 = arith.constant 8 : i32
      %dma_wait3A_126 = arith.constant 0 : i32
      %dma_wait3A_127 = tpu.memref_slice %arg3[%add3A, %dma_wait3A_125, %dma_wait3A_126] : memref<8x16x5120xf32, #tpu.memory_space<hbm>> -> memref<1x1x5120xf32, #tpu.memory_space<hbm>>
      %dma_wait3A_128 = tpu.memref_squeeze %dma_wait3A_127 : memref<1x1x5120xf32, #tpu.memory_space<hbm>> -> memref<5120xf32, #tpu.memory_space<hbm>>
      %dma_wait3A_129 = arith.constant 0 : i32
      %dma_wait3A_130 = tpu.memref_slice %arg3[%add3A, %dma_wait3A_125, %dma_wait3A_129] : memref<8x16x5120xf32, #tpu.memory_space<hbm>> -> memref<1x1x5120xf32, #tpu.memory_space<hbm>>
      %dma_wait3A_131 = tpu.memref_squeeze %dma_wait3A_130 : memref<1x1x5120xf32, #tpu.memory_space<hbm>> -> memref<5120xf32, #tpu.memory_space<hbm>>
      tpu.wait_dma2 semaphore(%arg31 : memref<!tpu.dma_semaphore, #tpu.memory_space<semaphore_mem>>) src(%dma_wait3A_131 : memref<5120xf32, #tpu.memory_space<hbm>>) dst(%arg18 : memref<5120xf32, #tpu.memory_space<vmem>>)
      %dma_wait3A_132 = arith.constant 9 : i32
      %dma_wait3A_133 = arith.constant 0 : i32
      %dma_wait3A_134 = tpu.memref_slice %arg3[%add3A, %dma_wait3A_132, %dma_wait3A_133] : memref<8x16x5120xf32, #tpu.memory_space<hbm>> -> memref<1x1x5120xf32, #tpu.memory_space<hbm>>
      %dma_wait3A_135 = tpu.memref_squeeze %dma_wait3A_134 : memref<1x1x5120xf32, #tpu.memory_space<hbm>> -> memref<5120xf32, #tpu.memory_space<hbm>>
      %dma_wait3A_136 = arith.constant 0 : i32
      %dma_wait3A_137 = tpu.memref_slice %arg3[%add3A, %dma_wait3A_132, %dma_wait3A_136] : memref<8x16x5120xf32, #tpu.memory_space<hbm>> -> memref<1x1x5120xf32, #tpu.memory_space<hbm>>
      %dma_wait3A_138 = tpu.memref_squeeze %dma_wait3A_137 : memref<1x1x5120xf32, #tpu.memory_space<hbm>> -> memref<5120xf32, #tpu.memory_space<hbm>>
      tpu.wait_dma2 semaphore(%arg31 : memref<!tpu.dma_semaphore, #tpu.memory_space<semaphore_mem>>) src(%dma_wait3A_138 : memref<5120xf32, #tpu.memory_space<hbm>>) dst(%arg19 : memref<5120xf32, #tpu.memory_space<vmem>>)
      %iota3A = tpu.iota {dimensions = array<i32: 0>} : vector<16xi32>
      %broadcast_in_dim3A = arith.constant 0xFF800000 : f32
      %broadcast_in_dim3A_139 = vector.broadcast %broadcast_in_dim3A : f32 to vector<16xf32>
      %scan3A = arith.constant 0 : i32
      %scan3A_140 = arith.constant 0 : i32
      %scan3A_141 = arith.constant 20 : i32
      %scan3A_142 = arith.addi %scan3A_140, %scan3A_141 : i32
      %scan3A_143 = arith.constant 1 : i32
      scf.for %scan3A_199 = %scan3A_140 to %scan3A_142 step %scan3A_143  : i32 {
        %scan3A_200 = arith.constant 0 : i32
        %scan3A_201 = arith.constant 16 : i32
        %scan3A_202 = arith.addi %scan3A_200, %scan3A_201 : i32
        %scan3A_203 = arith.constant 1 : i32
        %scan3A_204 = scf.for %scan3A_209 = %scan3A_200 to %scan3A_202 step %scan3A_203 iter_args(%scan3A_210 = %broadcast_in_dim3A_139) -> (vector<16xf32>)  : i32 {
          %mul3A_211 = arith.constant 256 : i32
          %mul3A_212 = arith.muli %scan3A_199, %mul3A_211 : i32
          %mul3A_213 = arith.constant 16 : i32
          %mul3A_214 = arith.muli %scan3A_209, %mul3A_213 : i32
          %add3A_215 = arith.addi %mul3A_212, %mul3A_214 : i32
          %get3A_216 = arith.index_cast %add3A_215 : i32 to index
          %get3A_217 = tpu.vector_load %arg10[%get3A_216] {strides = array<i32>} : memref<5120xf32, #tpu.memory_space<vmem>>, vector<16xf32>,
          %gt3A = arith.constant 0.00999999977 : f32
          %gt3A_218 = vector.broadcast %gt3A : f32 to vector<16xf32>
          %gt3A_219 = arith.cmpf ogt, %get3A_217, %gt3A_218 : vector<16xf32>
          %jit3A = arith.constant 0xFF800000 : f32
          %broadcast_in_dim3A_220 = vector.broadcast %jit3A : f32 to vector<16xf32>
          %select_n3A = arith.select %gt3A_219, %get3A_217, %broadcast_in_dim3A_220 : vector<16xi1>, vector<16xf32>
          %swap3A_221 = arith.index_cast %add3A_215 : i32 to index
          %swap3A_222 = tpu.vector_load %arg10[%swap3A_221] {strides = array<i32>} : memref<5120xf32, #tpu.memory_space<vmem>>, vector<16xf32>,
          tpu.vector_store %arg10[%swap3A_221], %select_n3A {strides = array<i32>} : memref<5120xf32, #tpu.memory_space<vmem>>, vector<16xf32>,
          %max3A = arith.maximumf %scan3A_210, %select_n3A : vector<16xf32>
          scf.yield %max3A : vector<16xf32>
        }
        %scan3A_205 = arith.constant 16 : i32
        %mul3A_206 = arith.constant 16 : i32
        %mul3A_207 = arith.muli %scan3A_199, %mul3A_206 : i32
        %swap3A = arith.index_cast %mul3A_207 : i32 to index
        %swap3A_208 = tpu.vector_load %arg20[%swap3A] {strides = array<i32>} : memref<320xf32, #tpu.memory_space<vmem>>, vector<16xf32>,
        tpu.vector_store %arg20[%swap3A], %scan3A_204 {strides = array<i32>} : memref<320xf32, #tpu.memory_space<vmem>>, vector<16xf32>,
      }
      %scan3A_144 = arith.constant 20 : i32
      %get3A = arith.constant 0 : index
      %get3A_145 = tpu.vector_load %arg20[%get3A] {strides = array<i32>} : memref<320xf32, #tpu.memory_space<vmem>>, vector<16xf32>,
      %get3A_146 = arith.constant 16 : index
      %get3A_147 = tpu.vector_load %arg20[%get3A_146] {strides = array<i32>} : memref<320xf32, #tpu.memory_space<vmem>>, vector<16xf32>,
      %get3A_148 = arith.constant 32 : index
      %get3A_149 = tpu.vector_load %arg20[%get3A_148] {strides = array<i32>} : memref<320xf32, #tpu.memory_space<vmem>>, vector<16xf32>,
      %get3A_150 = arith.constant 48 : index
      %get3A_151 = tpu.vector_load %arg20[%get3A_150] {strides = array<i32>} : memref<320xf32, #tpu.memory_space<vmem>>, vector<16xf32>,
      %get3A_152 = arith.constant 64 : index
      %get3A_153 = tpu.vector_load %arg20[%get3A_152] {strides = array<i32>} : memref<320xf32, #tpu.memory_space<vmem>>, vector<16xf32>,
      %get3A_154 = arith.constant 80 : index
      %get3A_155 = tpu.vector_load %arg20[%get3A_154] {strides = array<i32>} : memref<320xf32, #tpu.memory_space<vmem>>, vector<16xf32>,
      %get3A_156 = arith.constant 96 : index
      %get3A_157 = tpu.vector_load %arg20[%get3A_156] {strides = array<i32>} : memref<320xf32, #tpu.memory_space<vmem>>, vector<16xf32>,
      %get3A_158 = arith.constant 112 : index
      %get3A_159 = tpu.vector_load %arg20[%get3A_158] {strides = array<i32>} : memref<320xf32, #tpu.memory_space<vmem>>, vector<16xf32>,
      %get3A_160 = arith.constant 128 : index
      %get3A_161 = tpu.vector_load %arg20[%get3A_160] {strides = array<i32>} : memref<320xf32, #tpu.memory_space<vmem>>, vector<16xf32>,
      %get3A_162 = arith.constant 144 : index
      %get3A_163 = tpu.vector_load %arg20[%get3A_162] {strides = array<i32>} : memref<320xf32, #tpu.memory_space<vmem>>, vector<16xf32>,
      %get3A_164 = arith.constant 160 : index
      %get3A_165 = tpu.vector_load %arg20[%get3A_164] {strides = array<i32>} : memref<320xf32, #tpu.memory_space<vmem>>, vector<16xf32>,
      %get3A_166 = arith.constant 176 : index
      %get3A_167 = tpu.vector_load %arg20[%get3A_166] {strides = array<i32>} : memref<320xf32, #tpu.memory_space<vmem>>, vector<16xf32>,
      %get3A_168 = arith.constant 192 : index
      %get3A_169 = tpu.vector_load %arg20[%get3A_168] {strides = array<i32>} : memref<320xf32, #tpu.memory_space<vmem>>, vector<16xf32>,
      %get3A_170 = arith.constant 208 : index
      %get3A_171 = tpu.vector_load %arg20[%get3A_170] {strides = array<i32>} : memref<320xf32, #tpu.memory_space<vmem>>, vector<16xf32>,
      %get3A_172 = arith.constant 224 : index
      %get3A_173 = tpu.vector_load %arg20[%get3A_172] {strides = array<i32>} : memref<320xf32, #tpu.memory_space<vmem>>, vector<16xf32>,
      %get3A_174 = arith.constant 240 : index
      %get3A_175 = tpu.vector_load %arg20[%get3A_174] {strides = array<i32>} : memref<320xf32, #tpu.memory_space<vmem>>, vector<16xf32>,
      %get3A_176 = arith.constant 256 : index
      %get3A_177 = tpu.vector_load %arg20[%get3A_176] {strides = array<i32>} : memref<320xf32, #tpu.memory_space<vmem>>, vector<16xf32>,
      %get3A_178 = arith.constant 272 : index
      %get3A_179 = tpu.vector_load %arg20[%get3A_178] {strides = array<i32>} : memref<320xf32, #tpu.memory_space<vmem>>, vector<16xf32>,
      %get3A_180 = arith.constant 288 : index
      %get3A_181 = tpu.vector_load %arg20[%get3A_180] {strides = array<i32>} : memref<320xf32, #tpu.memory_space<vmem>>, vector<16xf32>,
      %get3A_182 = arith.constant 304 : index
      %get3A_183 = tpu.vector_load %arg20[%get3A_182] {strides = array<i32>} : memref<320xf32, #tpu.memory_space<vmem>>, vector<16xf32>,
      %scan3A_184 = arith.constant 0 : i32
      %scan3A_185 = arith.constant 0 : i32
      %scan3A_186 = arith.constant 19 : i32
      %scan3A_187 = arith.addi %scan3A_185, %scan3A_186 : i32
      %scan3A_188 = arith.constant 1 : i32
      scf.for %scan3A_199 = %scan3A_185 to %scan3A_187 step %scan3A_188  : i32 {
        %mul3A_200 = arith.constant 16 : i32
        %mul3A_201 = arith.muli %scan3A_199, %mul3A_200 : i32
        %broadcast_in_dim3A_202 = arith.constant 1.000000e+30 : f32
        %broadcast_in_dim3A_203 = vector.broadcast %broadcast_in_dim3A_202 : f32 to vector<16xf32>
        %broadcast_in_dim3A_204 = arith.constant 0.000000e+00 : f32
        %broadcast_in_dim3A_205 = vector.broadcast %broadcast_in_dim3A_204 : f32 to vector<16xf32>
        %swap3A = arith.index_cast %mul3A_201 : i32 to index
        %swap3A_206 = tpu.vector_load %arg21[%swap3A] {strides = array<i32>} : memref<304xf32, #tpu.memory_space<vmem>>, vector<16xf32>,
        tpu.vector_store %arg21[%swap3A], %broadcast_in_dim3A_203 {strides = array<i32>} : memref<304xf32, #tpu.memory_space<vmem>>, vector<16xf32>,
        %swap3A_207 = arith.index_cast %mul3A_201 : i32 to index
        %swap3A_208 = tpu.vector_load %arg22[%swap3A_207] {strides = array<i32>} : memref<304xf32, #tpu.memory_space<vmem>>, vector<16xf32>,
        tpu.vector_store %arg22[%swap3A_207], %broadcast_in_dim3A_203 {strides = array<i32>} : memref<304xf32, #tpu.memory_space<vmem>>, vector<16xf32>,
        %swap3A_209 = arith.index_cast %mul3A_201 : i32 to index
        %swap3A_210 = tpu.vector_load %arg23[%swap3A_209] {strides = array<i32>} : memref<304xf32, #tpu.memory_space<vmem>>, vector<16xf32>,
        tpu.vector_store %arg23[%swap3A_209], %broadcast_in_dim3A_203 {strides = array<i32>} : memref<304xf32, #tpu.memory_space<vmem>>, vector<16xf32>,
        %swap3A_211 = arith.index_cast %mul3A_201 : i32 to index
        %swap3A_212 = tpu.vector_load %arg24[%swap3A_211] {strides = array<i32>} : memref<304xf32, #tpu.memory_space<vmem>>, vector<16xf32>,
        tpu.vector_store %arg24[%swap3A_211], %broadcast_in_dim3A_203 {strides = array<i32>} : memref<304xf32, #tpu.memory_space<vmem>>, vector<16xf32>,
        %broadcast_in_dim3A_213 = arith.constant -1.000000e+00 : f32
        %broadcast_in_dim3A_214 = vector.broadcast %broadcast_in_dim3A_213 : f32 to vector<16xf32>
        %swap3A_215 = arith.index_cast %mul3A_201 : i32 to index
        %swap3A_216 = tpu.vector_load %arg25[%swap3A_215] {strides = array<i32>} : memref<304xf32, #tpu.memory_space<vmem>>, vector<16xf32>,
        tpu.vector_store %arg25[%swap3A_215], %broadcast_in_dim3A_214 {strides = array<i32>} : memref<304xf32, #tpu.memory_space<vmem>>, vector<16xf32>,
        %swap3A_217 = arith.index_cast %mul3A_201 : i32 to index
        %swap3A_218 = tpu.vector_load %arg26[%swap3A_217] {strides = array<i32>} : memref<304xf32, #tpu.memory_space<vmem>>, vector<16xf32>,
        tpu.vector_store %arg26[%swap3A_217], %broadcast_in_dim3A_205 {strides = array<i32>} : memref<304xf32, #tpu.memory_space<vmem>>, vector<16xf32>,
        %swap3A_219 = arith.index_cast %mul3A_201 : i32 to index
        %swap3A_220 = tpu.vector_load %arg27[%swap3A_219] {strides = array<i32>} : memref<304xf32, #tpu.memory_space<vmem>>, vector<16xf32>,
        tpu.vector_store %arg27[%swap3A_219], %broadcast_in_dim3A_205 {strides = array<i32>} : memref<304xf32, #tpu.memory_space<vmem>>, vector<16xf32>,
        %swap3A_221 = arith.index_cast %mul3A_201 : i32 to index
        %swap3A_222 = tpu.vector_load %arg28[%swap3A_221] {strides = array<i32>} : memref<304xf32, #tpu.memory_space<vmem>>, vector<16xf32>,
        tpu.vector_store %arg28[%swap3A_221], %broadcast_in_dim3A_205 {strides = array<i32>} : memref<304xf32, #tpu.memory_space<vmem>>, vector<16xf32>,
        %swap3A_223 = arith.index_cast %mul3A_201 : i32 to index
        %swap3A_224 = tpu.vector_load %arg29[%swap3A_223] {strides = array<i32>} : memref<304xf32, #tpu.memory_space<vmem>>, vector<16xf32>,
        tpu.vector_store %arg29[%swap3A_223], %broadcast_in_dim3A_205 {strides = array<i32>} : memref<304xf32, #tpu.memory_space<vmem>>, vector<16xf32>,
        %swap3A_225 = arith.index_cast %mul3A_201 : i32 to index
        %swap3A_226 = tpu.vector_load %arg30[%swap3A_225] {strides = array<i32>} : memref<304xf32, #tpu.memory_space<vmem>>, vector<16xf32>,
        tpu.vector_store %arg30[%swap3A_225], %broadcast_in_dim3A_205 {strides = array<i32>} : memref<304xf32, #tpu.memory_space<vmem>>, vector<16xf32>,
      }
      %scan3A_189 = arith.constant 19 : i32
      %scan3A_190 = arith.constant 1073741824 : i32
      %scan3A_191 = arith.constant 0 : i32
      %scan3A_192 = arith.constant 1 : i32
      %scan3A_193 = arith.constant 0 : i32
      %scan3A_194 = arith.constant 339 : i32
      %scan3A_195 = arith.addi %scan3A_193, %scan3A_194 : i32
      %scan3A_196 = arith.constant 1 : i32
      %scan3A_197:22 = scf.for %scan3A_199 = %scan3A_193 to %scan3A_195 step %scan3A_196 iter_args(%scan3A_200 = %scan3A_191, %scan3A_201 = %scan3A_192, %scan3A_202 = %get3A_145, %scan3A_203 = %get3A_147, %scan3A_204 = %get3A_149, %scan3A_205 = %get3A_151, %scan3A_206 = %get3A_153, %scan3A_207 = %get3A_155, %scan3A_208 = %get3A_157, %scan3A_209 = %get3A_159, %scan3A_210 = %get3A_161, %scan3A_211 = %get3A_163, %scan3A_212 = %get3A_165, %scan3A_213 = %get3A_167, %scan3A_214 = %get3A_169, %scan3A_215 = %get3A_171, %scan3A_216 = %get3A_173, %scan3A_217 = %get3A_175, %scan3A_218 = %get3A_177, %scan3A_219 = %get3A_179, %scan3A_220 = %get3A_181, %scan3A_221 = %get3A_183) -> (i32, i32, vector<16xf32>, vector<16xf32>, vector<16xf32>, vector<16xf32>, vector<16xf32>, vector<16xf32>, vector<16xf32>, vector<16xf32>, vector<16xf32>, vector<16xf32>, vector<16xf32>, vector<16xf32>, vector<16xf32>, vector<16xf32>, vector<16xf32>, vector<16xf32>, vector<16xf32>, vector<16xf32>, vector<16xf32>, vector<16xf32>)  : i32 {
        %lt3A_222 = arith.constant 300 : i32
        %lt3A_223 = arith.cmpi slt, %scan3A_200, %lt3A_222 : i32
        %eq3A = arith.constant 1 : i32
        %eq3A_224 = arith.cmpi eq, %scan3A_201, %eq3A : i32
        %and3A = arith.andi %lt3A_223, %eq3A_224 : i1
        %convert_element_type3A_225 = arith.extui %and3A : i1 to i32
        %cond3A_226 = arith.constant 0 : i32
        %cond3A_227 = arith.cmpi ne, %convert_element_type3A_225, %cond3A_226 : i32
        %cond3A_228:22 = scf.if %cond3A_227 -> (i32, i32, vector<16xf32>, vector<16xf32>, vector<16xf32>, vector<16xf32>, vector<16xf32>, vector<16xf32>, vector<16xf32>, vector<16xf32>, vector<16xf32>, vector<16xf32>, vector<16xf32>, vector<16xf32>, vector<16xf32>, vector<16xf32>, vector<16xf32>, vector<16xf32>, vector<16xf32>, vector<16xf32>, vector<16xf32>, vector<16xf32>) {
          %scan3A_229 = arith.constant 0 : i32
          %scan3A_230 = arith.constant 16 : i32
          %scan3A_231 = arith.addi %scan3A_229, %scan3A_230 : i32
          %scan3A_232 = arith.constant 1 : i32
          %scan3A_233:22 = scf.for %scan3A_235 = %scan3A_229 to %scan3A_231 step %scan3A_232 iter_args(%scan3A_236 = %scan3A_200, %scan3A_237 = %scan3A_201, %scan3A_238 = %scan3A_202, %scan3A_239 = %scan3A_203, %scan3A_240 = %scan3A_204, %scan3A_241 = %scan3A_205, %scan3A_242 = %scan3A_206, %scan3A_243 = %scan3A_207, %scan3A_244 = %scan3A_208, %scan3A_245 = %scan3A_209, %scan3A_246 = %scan3A_210, %scan3A_247 = %scan3A_211, %scan3A_248 = %scan3A_212, %scan3A_249 = %scan3A_213, %scan3A_250 = %scan3A_214, %scan3A_251 = %scan3A_215, %scan3A_252 = %scan3A_216, %scan3A_253 = %scan3A_217, %scan3A_254 = %scan3A_218, %scan3A_255 = %scan3A_219, %scan3A_256 = %scan3A_220, %scan3A_257 = %scan3A_221) -> (i32, i32, vector<16xf32>, vector<16xf32>, vector<16xf32>, vector<16xf32>, vector<16xf32>, vector<16xf32>, vector<16xf32>, vector<16xf32>, vector<16xf32>, vector<16xf32>, vector<16xf32>, vector<16xf32>, vector<16xf32>, vector<16xf32>, vector<16xf32>, vector<16xf32>, vector<16xf32>, vector<16xf32>, vector<16xf32>, vector<16xf32>)  : i32 {
            %lt3A_258 = arith.constant 300 : i32
            %lt3A_259 = arith.cmpi slt, %scan3A_236, %lt3A_258 : i32
            %max3A = arith.maximumf %scan3A_238, %scan3A_239 : vector<16xf32>
            %max3A_260 = arith.maximumf %scan3A_240, %scan3A_241 : vector<16xf32>
            %max3A_261 = arith.maximumf %scan3A_242, %scan3A_243 : vector<16xf32>
            %max3A_262 = arith.maximumf %scan3A_244, %scan3A_245 : vector<16xf32>
            %max3A_263 = arith.maximumf %scan3A_246, %scan3A_247 : vector<16xf32>
            %max3A_264 = arith.maximumf %scan3A_248, %scan3A_249 : vector<16xf32>
            %max3A_265 = arith.maximumf %scan3A_250, %scan3A_251 : vector<16xf32>
            %max3A_266 = arith.maximumf %scan3A_252, %scan3A_253 : vector<16xf32>
            %max3A_267 = arith.maximumf %scan3A_254, %scan3A_255 : vector<16xf32>
            %max3A_268 = arith.maximumf %scan3A_256, %scan3A_257 : vector<16xf32>
            %max3A_269 = arith.maximumf %max3A, %max3A_260 : vector<16xf32>
            %max3A_270 = arith.maximumf %max3A_261, %max3A_262 : vector<16xf32>
            %max3A_271 = arith.maximumf %max3A_263, %max3A_264 : vector<16xf32>
            %max3A_272 = arith.maximumf %max3A_265, %max3A_266 : vector<16xf32>
            %max3A_273 = arith.maximumf %max3A_267, %max3A_268 : vector<16xf32>
            %max3A_274 = arith.maximumf %max3A_269, %max3A_270 : vector<16xf32>
            %max3A_275 = arith.maximumf %max3A_271, %max3A_272 : vector<16xf32>
            %max3A_276 = arith.maximumf %max3A_274, %max3A_275 : vector<16xf32>
            %max3A_277 = arith.maximumf %max3A_276, %max3A_273 : vector<16xf32>
            %reduce_max3A = arith.constant true
            %reduce_max3A_278 = vector.broadcast %reduce_max3A : i1 to vector<16xi1>
            %reduce_max3A_279 = tpu.scan <max>, %max3A_277 masked %reduce_max3A_278 : vector<16xf32>, vector<16xi1> -> vector<16xf32>
            %reduce_max3A_280 = vector.extract %reduce_max3A_279[15] : f32 from vector<16xf32>
            %gt3A = arith.constant 0xFF800000 : f32
            %gt3A_281 = arith.cmpf ogt, %reduce_max3A_280, %gt3A : f32
            %jit3A = arith.constant 0 : i32
            %select_n3A = arith.select %gt3A_281, %scan3A_237, %jit3A : i32
            %eq3A_282 = vector.broadcast %reduce_max3A_280 : f32 to vector<16xf32>
            %eq3A_283 = arith.cmpf oeq, %scan3A_238, %eq3A_282 : vector<16xf32>
            %jit3A_284 = arith.constant 0 : i32
            %jit3A_285 = arith.constant 20 : i32
            %broadcast_in_dim3A_286 = vector.broadcast %jit3A_284 : i32 to vector<16xi32>
            %broadcast_in_dim3A_287 = vector.broadcast %jit3A_285 : i32 to vector<16xi32>
            %select_n3A_288 = arith.select %eq3A_283, %broadcast_in_dim3A_286, %broadcast_in_dim3A_287 : vector<16xi1>, vector<16xi32>
            %eq3A_289 = vector.broadcast %reduce_max3A_280 : f32 to vector<16xf32>
            %eq3A_290 = arith.cmpf oeq, %scan3A_239, %eq3A_289 : vector<16xf32>
            %jit3A_291 = arith.constant 1 : i32
            %jit3A_292 = arith.constant 20 : i32
            %broadcast_in_dim3A_293 = vector.broadcast %jit3A_291 : i32 to vector<16xi32>
            %broadcast_in_dim3A_294 = vector.broadcast %jit3A_292 : i32 to vector<16xi32>
            %select_n3A_295 = arith.select %eq3A_290, %broadcast_in_dim3A_293, %broadcast_in_dim3A_294 : vector<16xi1>, vector<16xi32>
            %eq3A_296 = vector.broadcast %reduce_max3A_280 : f32 to vector<16xf32>
            %eq3A_297 = arith.cmpf oeq, %scan3A_240, %eq3A_296 : vector<16xf32>
            %jit3A_298 = arith.constant 2 : i32
            %jit3A_299 = arith.constant 20 : i32
            %broadcast_in_dim3A_300 = vector.broadcast %jit3A_298 : i32 to vector<16xi32>
            %broadcast_in_dim3A_301 = vector.broadcast %jit3A_299 : i32 to vector<16xi32>
            %select_n3A_302 = arith.select %eq3A_297, %broadcast_in_dim3A_300, %broadcast_in_dim3A_301 : vector<16xi1>, vector<16xi32>
            %eq3A_303 = vector.broadcast %reduce_max3A_280 : f32 to vector<16xf32>
            %eq3A_304 = arith.cmpf oeq, %scan3A_241, %eq3A_303 : vector<16xf32>
            %jit3A_305 = arith.constant 3 : i32
            %jit3A_306 = arith.constant 20 : i32
            %broadcast_in_dim3A_307 = vector.broadcast %jit3A_305 : i32 to vector<16xi32>
            %broadcast_in_dim3A_308 = vector.broadcast %jit3A_306 : i32 to vector<16xi32>
            %select_n3A_309 = arith.select %eq3A_304, %broadcast_in_dim3A_307, %broadcast_in_dim3A_308 : vector<16xi1>, vector<16xi32>
            %eq3A_310 = vector.broadcast %reduce_max3A_280 : f32 to vector<16xf32>
            %eq3A_311 = arith.cmpf oeq, %scan3A_242, %eq3A_310 : vector<16xf32>
            %jit3A_312 = arith.constant 4 : i32
            %jit3A_313 = arith.constant 20 : i32
            %broadcast_in_dim3A_314 = vector.broadcast %jit3A_312 : i32 to vector<16xi32>
            %broadcast_in_dim3A_315 = vector.broadcast %jit3A_313 : i32 to vector<16xi32>
            %select_n3A_316 = arith.select %eq3A_311, %broadcast_in_dim3A_314, %broadcast_in_dim3A_315 : vector<16xi1>, vector<16xi32>
            %eq3A_317 = vector.broadcast %reduce_max3A_280 : f32 to vector<16xf32>
            %eq3A_318 = arith.cmpf oeq, %scan3A_243, %eq3A_317 : vector<16xf32>
            %jit3A_319 = arith.constant 5 : i32
            %jit3A_320 = arith.constant 20 : i32
            %broadcast_in_dim3A_321 = vector.broadcast %jit3A_319 : i32 to vector<16xi32>
            %broadcast_in_dim3A_322 = vector.broadcast %jit3A_320 : i32 to vector<16xi32>
            %select_n3A_323 = arith.select %eq3A_318, %broadcast_in_dim3A_321, %broadcast_in_dim3A_322 : vector<16xi1>, vector<16xi32>
            %eq3A_324 = vector.broadcast %reduce_max3A_280 : f32 to vector<16xf32>
            %eq3A_325 = arith.cmpf oeq, %scan3A_244, %eq3A_324 : vector<16xf32>
            %jit3A_326 = arith.constant 6 : i32
            %jit3A_327 = arith.constant 20 : i32
            %broadcast_in_dim3A_328 = vector.broadcast %jit3A_326 : i32 to vector<16xi32>
            %broadcast_in_dim3A_329 = vector.broadcast %jit3A_327 : i32 to vector<16xi32>
            %select_n3A_330 = arith.select %eq3A_325, %broadcast_in_dim3A_328, %broadcast_in_dim3A_329 : vector<16xi1>, vector<16xi32>
            %eq3A_331 = vector.broadcast %reduce_max3A_280 : f32 to vector<16xf32>
            %eq3A_332 = arith.cmpf oeq, %scan3A_245, %eq3A_331 : vector<16xf32>
            %jit3A_333 = arith.constant 7 : i32
            %jit3A_334 = arith.constant 20 : i32
            %broadcast_in_dim3A_335 = vector.broadcast %jit3A_333 : i32 to vector<16xi32>
            %broadcast_in_dim3A_336 = vector.broadcast %jit3A_334 : i32 to vector<16xi32>
            %select_n3A_337 = arith.select %eq3A_332, %broadcast_in_dim3A_335, %broadcast_in_dim3A_336 : vector<16xi1>, vector<16xi32>
            %eq3A_338 = vector.broadcast %reduce_max3A_280 : f32 to vector<16xf32>
            %eq3A_339 = arith.cmpf oeq, %scan3A_246, %eq3A_338 : vector<16xf32>
            %jit3A_340 = arith.constant 8 : i32
            %jit3A_341 = arith.constant 20 : i32
            %broadcast_in_dim3A_342 = vector.broadcast %jit3A_340 : i32 to vector<16xi32>
            %broadcast_in_dim3A_343 = vector.broadcast %jit3A_341 : i32 to vector<16xi32>
            %select_n3A_344 = arith.select %eq3A_339, %broadcast_in_dim3A_342, %broadcast_in_dim3A_343 : vector<16xi1>, vector<16xi32>
            %eq3A_345 = vector.broadcast %reduce_max3A_280 : f32 to vector<16xf32>
            %eq3A_346 = arith.cmpf oeq, %scan3A_247, %eq3A_345 : vector<16xf32>
            %jit3A_347 = arith.constant 9 : i32
            %jit3A_348 = arith.constant 20 : i32
            %broadcast_in_dim3A_349 = vector.broadcast %jit3A_347 : i32 to vector<16xi32>
            %broadcast_in_dim3A_350 = vector.broadcast %jit3A_348 : i32 to vector<16xi32>
            %select_n3A_351 = arith.select %eq3A_346, %broadcast_in_dim3A_349, %broadcast_in_dim3A_350 : vector<16xi1>, vector<16xi32>
            %eq3A_352 = vector.broadcast %reduce_max3A_280 : f32 to vector<16xf32>
            %eq3A_353 = arith.cmpf oeq, %scan3A_248, %eq3A_352 : vector<16xf32>
            %jit3A_354 = arith.constant 10 : i32
            %jit3A_355 = arith.constant 20 : i32
            %broadcast_in_dim3A_356 = vector.broadcast %jit3A_354 : i32 to vector<16xi32>
            %broadcast_in_dim3A_357 = vector.broadcast %jit3A_355 : i32 to vector<16xi32>
            %select_n3A_358 = arith.select %eq3A_353, %broadcast_in_dim3A_356, %broadcast_in_dim3A_357 : vector<16xi1>, vector<16xi32>
            %eq3A_359 = vector.broadcast %reduce_max3A_280 : f32 to vector<16xf32>
            %eq3A_360 = arith.cmpf oeq, %scan3A_249, %eq3A_359 : vector<16xf32>
            %jit3A_361 = arith.constant 11 : i32
            %jit3A_362 = arith.constant 20 : i32
            %broadcast_in_dim3A_363 = vector.broadcast %jit3A_361 : i32 to vector<16xi32>
            %broadcast_in_dim3A_364 = vector.broadcast %jit3A_362 : i32 to vector<16xi32>
            %select_n3A_365 = arith.select %eq3A_360, %broadcast_in_dim3A_363, %broadcast_in_dim3A_364 : vector<16xi1>, vector<16xi32>
            %eq3A_366 = vector.broadcast %reduce_max3A_280 : f32 to vector<16xf32>
            %eq3A_367 = arith.cmpf oeq, %scan3A_250, %eq3A_366 : vector<16xf32>
            %jit3A_368 = arith.constant 12 : i32
            %jit3A_369 = arith.constant 20 : i32
            %broadcast_in_dim3A_370 = vector.broadcast %jit3A_368 : i32 to vector<16xi32>
            %broadcast_in_dim3A_371 = vector.broadcast %jit3A_369 : i32 to vector<16xi32>
            %select_n3A_372 = arith.select %eq3A_367, %broadcast_in_dim3A_370, %broadcast_in_dim3A_371 : vector<16xi1>, vector<16xi32>
            %eq3A_373 = vector.broadcast %reduce_max3A_280 : f32 to vector<16xf32>
            %eq3A_374 = arith.cmpf oeq, %scan3A_251, %eq3A_373 : vector<16xf32>
            %jit3A_375 = arith.constant 13 : i32
            %jit3A_376 = arith.constant 20 : i32
            %broadcast_in_dim3A_377 = vector.broadcast %jit3A_375 : i32 to vector<16xi32>
            %broadcast_in_dim3A_378 = vector.broadcast %jit3A_376 : i32 to vector<16xi32>
            %select_n3A_379 = arith.select %eq3A_374, %broadcast_in_dim3A_377, %broadcast_in_dim3A_378 : vector<16xi1>, vector<16xi32>
            %eq3A_380 = vector.broadcast %reduce_max3A_280 : f32 to vector<16xf32>
            %eq3A_381 = arith.cmpf oeq, %scan3A_252, %eq3A_380 : vector<16xf32>
            %jit3A_382 = arith.constant 14 : i32
            %jit3A_383 = arith.constant 20 : i32
            %broadcast_in_dim3A_384 = vector.broadcast %jit3A_382 : i32 to vector<16xi32>
            %broadcast_in_dim3A_385 = vector.broadcast %jit3A_383 : i32 to vector<16xi32>
            %select_n3A_386 = arith.select %eq3A_381, %broadcast_in_dim3A_384, %broadcast_in_dim3A_385 : vector<16xi1>, vector<16xi32>
            %eq3A_387 = vector.broadcast %reduce_max3A_280 : f32 to vector<16xf32>
            %eq3A_388 = arith.cmpf oeq, %scan3A_253, %eq3A_387 : vector<16xf32>
            %jit3A_389 = arith.constant 15 : i32
            %jit3A_390 = arith.constant 20 : i32
            %broadcast_in_dim3A_391 = vector.broadcast %jit3A_389 : i32 to vector<16xi32>
            %broadcast_in_dim3A_392 = vector.broadcast %jit3A_390 : i32 to vector<16xi32>
            %select_n3A_393 = arith.select %eq3A_388, %broadcast_in_dim3A_391, %broadcast_in_dim3A_392 : vector<16xi1>, vector<16xi32>
            %eq3A_394 = vector.broadcast %reduce_max3A_280 : f32 to vector<16xf32>
            %eq3A_395 = arith.cmpf oeq, %scan3A_254, %eq3A_394 : vector<16xf32>
            %jit3A_396 = arith.constant 16 : i32
            %jit3A_397 = arith.constant 20 : i32
            %broadcast_in_dim3A_398 = vector.broadcast %jit3A_396 : i32 to vector<16xi32>
            %broadcast_in_dim3A_399 = vector.broadcast %jit3A_397 : i32 to vector<16xi32>
            %select_n3A_400 = arith.select %eq3A_395, %broadcast_in_dim3A_398, %broadcast_in_dim3A_399 : vector<16xi1>, vector<16xi32>
            %eq3A_401 = vector.broadcast %reduce_max3A_280 : f32 to vector<16xf32>
            %eq3A_402 = arith.cmpf oeq, %scan3A_255, %eq3A_401 : vector<16xf32>
            %jit3A_403 = arith.constant 17 : i32
            %jit3A_404 = arith.constant 20 : i32
            %broadcast_in_dim3A_405 = vector.broadcast %jit3A_403 : i32 to vector<16xi32>
            %broadcast_in_dim3A_406 = vector.broadcast %jit3A_404 : i32 to vector<16xi32>
            %select_n3A_407 = arith.select %eq3A_402, %broadcast_in_dim3A_405, %broadcast_in_dim3A_406 : vector<16xi1>, vector<16xi32>
            %eq3A_408 = vector.broadcast %reduce_max3A_280 : f32 to vector<16xf32>
            %eq3A_409 = arith.cmpf oeq, %scan3A_256, %eq3A_408 : vector<16xf32>
            %jit3A_410 = arith.constant 18 : i32
            %jit3A_411 = arith.constant 20 : i32
            %broadcast_in_dim3A_412 = vector.broadcast %jit3A_410 : i32 to vector<16xi32>
            %broadcast_in_dim3A_413 = vector.broadcast %jit3A_411 : i32 to vector<16xi32>
            %select_n3A_414 = arith.select %eq3A_409, %broadcast_in_dim3A_412, %broadcast_in_dim3A_413 : vector<16xi1>, vector<16xi32>
            %eq3A_415 = vector.broadcast %reduce_max3A_280 : f32 to vector<16xf32>
            %eq3A_416 = arith.cmpf oeq, %scan3A_257, %eq3A_415 : vector<16xf32>
            %jit3A_417 = arith.constant 19 : i32
            %jit3A_418 = arith.constant 20 : i32
            %broadcast_in_dim3A_419 = vector.broadcast %jit3A_417 : i32 to vector<16xi32>
            %broadcast_in_dim3A_420 = vector.broadcast %jit3A_418 : i32 to vector<16xi32>
            %select_n3A_421 = arith.select %eq3A_416, %broadcast_in_dim3A_419, %broadcast_in_dim3A_420 : vector<16xi1>, vector<16xi32>
            %min3A = arith.minsi %select_n3A_288, %select_n3A_295 : vector<16xi32>
            %min3A_422 = arith.minsi %select_n3A_302, %select_n3A_309 : vector<16xi32>
            %min3A_423 = arith.minsi %select_n3A_316, %select_n3A_323 : vector<16xi32>
            %min3A_424 = arith.minsi %select_n3A_330, %select_n3A_337 : vector<16xi32>
            %min3A_425 = arith.minsi %select_n3A_344, %select_n3A_351 : vector<16xi32>
            %min3A_426 = arith.minsi %select_n3A_358, %select_n3A_365 : vector<16xi32>
            %min3A_427 = arith.minsi %select_n3A_372, %select_n3A_379 : vector<16xi32>
            %min3A_428 = arith.minsi %select_n3A_386, %select_n3A_393 : vector<16xi32>
            %min3A_429 = arith.minsi %select_n3A_400, %select_n3A_407 : vector<16xi32>
            %min3A_430 = arith.minsi %select_n3A_414, %select_n3A_421 : vector<16xi32>
            %min3A_431 = arith.minsi %min3A, %min3A_422 : vector<16xi32>
            %min3A_432 = arith.minsi %min3A_423, %min3A_424 : vector<16xi32>
            %min3A_433 = arith.minsi %min3A_425, %min3A_426 : vector<16xi32>
            %min3A_434 = arith.minsi %min3A_427, %min3A_428 : vector<16xi32>
            %min3A_435 = arith.minsi %min3A_429, %min3A_430 : vector<16xi32>
            %min3A_436 = arith.minsi %min3A_431, %min3A_432 : vector<16xi32>
            %min3A_437 = arith.minsi %min3A_433, %min3A_434 : vector<16xi32>
            %min3A_438 = arith.minsi %min3A_436, %min3A_437 : vector<16xi32>
            %min3A_439 = arith.minsi %min3A_438, %min3A_435 : vector<16xi32>
            %reduce_min3A = arith.constant true
            %reduce_min3A_440 = vector.broadcast %reduce_min3A : i1 to vector<16xi1>
            %reduce_min3A_441 = arith.constant -2147483648 : i32
            %reduce_min3A_442 = vector.broadcast %reduce_min3A_441 : i32 to vector<16xi32>
            %reduce_min3A_443 = arith.xori %min3A_439, %reduce_min3A_442 : vector<16xi32>
            %reduce_min3A_444 = tpu.scan <min>, %reduce_min3A_443 masked %reduce_min3A_440 : vector<16xi32>, vector<16xi1> -> vector<16xi32>
            %reduce_min3A_445 = arith.xori %reduce_min3A_444, %reduce_min3A_442 : vector<16xi32>
            %reduce_min3A_446 = vector.extract %reduce_min3A_445[15] : i32 from vector<16xi32>
            %ge3A = arith.constant 20 : i32
            %ge3A_447 = arith.cmpi sge, %reduce_min3A_446, %ge3A : i32
            %jit3A_448 = arith.constant 0 : i32
            %select_n3A_449 = arith.select %ge3A_447, %jit3A_448, %reduce_min3A_446 : i32
            %mul3A_450 = arith.constant 256 : i32
            %mul3A_451 = arith.muli %select_n3A_449, %mul3A_450 : i32
            %add3A_452 = arith.constant 0 : i32
            %add3A_453 = arith.addi %mul3A_451, %add3A_452 : i32
            %get3A_454 = arith.index_cast %add3A_453 : i32 to index
            %get3A_455 = tpu.vector_load %arg10[%get3A_454] {strides = array<i32>} : memref<5120xf32, #tpu.memory_space<vmem>>, vector<16xf32>,
            %eq3A_456 = vector.broadcast %reduce_max3A_280 : f32 to vector<16xf32>
            %eq3A_457 = arith.cmpf oeq, %get3A_455, %eq3A_456 : vector<16xf32>
            %add3A_458 = vector.broadcast %add3A_453 : i32 to vector<16xi32>
            %add3A_459 = arith.addi %add3A_458, %iota3A : vector<16xi32>
            %broadcast_in_dim3A_460 = vector.broadcast %scan3A_190 : i32 to vector<16xi32>
            %select_n3A_461 = arith.select %eq3A_457, %add3A_459, %broadcast_in_dim3A_460 : vector<16xi1>, vector<16xi32>
            %add3A_462 = arith.constant 16 : i32
            %add3A_463 = arith.addi %mul3A_451, %add3A_462 : i32
            %get3A_464 = arith.index_cast %add3A_463 : i32 to index
            %get3A_465 = tpu.vector_load %arg10[%get3A_464] {strides = array<i32>} : memref<5120xf32, #tpu.memory_space<vmem>>, vector<16xf32>,
            %eq3A_466 = vector.broadcast %reduce_max3A_280 : f32 to vector<16xf32>
            %eq3A_467 = arith.cmpf oeq, %get3A_465, %eq3A_466 : vector<16xf32>
            %add3A_468 = vector.broadcast %add3A_463 : i32 to vector<16xi32>
            %add3A_469 = arith.addi %add3A_468, %iota3A : vector<16xi32>
            %broadcast_in_dim3A_470 = vector.broadcast %scan3A_190 : i32 to vector<16xi32>
            %select_n3A_471 = arith.select %eq3A_467, %add3A_469, %broadcast_in_dim3A_470 : vector<16xi1>, vector<16xi32>
            %add3A_472 = arith.constant 32 : i32
            %add3A_473 = arith.addi %mul3A_451, %add3A_472 : i32
            %get3A_474 = arith.index_cast %add3A_473 : i32 to index
            %get3A_475 = tpu.vector_load %arg10[%get3A_474] {strides = array<i32>} : memref<5120xf32, #tpu.memory_space<vmem>>, vector<16xf32>,
            %eq3A_476 = vector.broadcast %reduce_max3A_280 : f32 to vector<16xf32>
            %eq3A_477 = arith.cmpf oeq, %get3A_475, %eq3A_476 : vector<16xf32>
            %add3A_478 = vector.broadcast %add3A_473 : i32 to vector<16xi32>
            %add3A_479 = arith.addi %add3A_478, %iota3A : vector<16xi32>
            %broadcast_in_dim3A_480 = vector.broadcast %scan3A_190 : i32 to vector<16xi32>
            %select_n3A_481 = arith.select %eq3A_477, %add3A_479, %broadcast_in_dim3A_480 : vector<16xi1>, vector<16xi32>
            %add3A_482 = arith.constant 48 : i32
            %add3A_483 = arith.addi %mul3A_451, %add3A_482 : i32
            %get3A_484 = arith.index_cast %add3A_483 : i32 to index
            %get3A_485 = tpu.vector_load %arg10[%get3A_484] {strides = array<i32>} : memref<5120xf32, #tpu.memory_space<vmem>>, vector<16xf32>,
            %eq3A_486 = vector.broadcast %reduce_max3A_280 : f32 to vector<16xf32>
            %eq3A_487 = arith.cmpf oeq, %get3A_485, %eq3A_486 : vector<16xf32>
            %add3A_488 = vector.broadcast %add3A_483 : i32 to vector<16xi32>
            %add3A_489 = arith.addi %add3A_488, %iota3A : vector<16xi32>
            %broadcast_in_dim3A_490 = vector.broadcast %scan3A_190 : i32 to vector<16xi32>
            %select_n3A_491 = arith.select %eq3A_487, %add3A_489, %broadcast_in_dim3A_490 : vector<16xi1>, vector<16xi32>
            %add3A_492 = arith.constant 64 : i32
            %add3A_493 = arith.addi %mul3A_451, %add3A_492 : i32
            %get3A_494 = arith.index_cast %add3A_493 : i32 to index
            %get3A_495 = tpu.vector_load %arg10[%get3A_494] {strides = array<i32>} : memref<5120xf32, #tpu.memory_space<vmem>>, vector<16xf32>,
            %eq3A_496 = vector.broadcast %reduce_max3A_280 : f32 to vector<16xf32>
            %eq3A_497 = arith.cmpf oeq, %get3A_495, %eq3A_496 : vector<16xf32>
            %add3A_498 = vector.broadcast %add3A_493 : i32 to vector<16xi32>
            %add3A_499 = arith.addi %add3A_498, %iota3A : vector<16xi32>
            %broadcast_in_dim3A_500 = vector.broadcast %scan3A_190 : i32 to vector<16xi32>
            %select_n3A_501 = arith.select %eq3A_497, %add3A_499, %broadcast_in_dim3A_500 : vector<16xi1>, vector<16xi32>
            %add3A_502 = arith.constant 80 : i32
            %add3A_503 = arith.addi %mul3A_451, %add3A_502 : i32
            %get3A_504 = arith.index_cast %add3A_503 : i32 to index
            %get3A_505 = tpu.vector_load %arg10[%get3A_504] {strides = array<i32>} : memref<5120xf32, #tpu.memory_space<vmem>>, vector<16xf32>,
            %eq3A_506 = vector.broadcast %reduce_max3A_280 : f32 to vector<16xf32>
            %eq3A_507 = arith.cmpf oeq, %get3A_505, %eq3A_506 : vector<16xf32>
            %add3A_508 = vector.broadcast %add3A_503 : i32 to vector<16xi32>
            %add3A_509 = arith.addi %add3A_508, %iota3A : vector<16xi32>
            %broadcast_in_dim3A_510 = vector.broadcast %scan3A_190 : i32 to vector<16xi32>
            %select_n3A_511 = arith.select %eq3A_507, %add3A_509, %broadcast_in_dim3A_510 : vector<16xi1>, vector<16xi32>
            %add3A_512 = arith.constant 96 : i32
            %add3A_513 = arith.addi %mul3A_451, %add3A_512 : i32
            %get3A_514 = arith.index_cast %add3A_513 : i32 to index
            %get3A_515 = tpu.vector_load %arg10[%get3A_514] {strides = array<i32>} : memref<5120xf32, #tpu.memory_space<vmem>>, vector<16xf32>,
            %eq3A_516 = vector.broadcast %reduce_max3A_280 : f32 to vector<16xf32>
            %eq3A_517 = arith.cmpf oeq, %get3A_515, %eq3A_516 : vector<16xf32>
            %add3A_518 = vector.broadcast %add3A_513 : i32 to vector<16xi32>
            %add3A_519 = arith.addi %add3A_518, %iota3A : vector<16xi32>
            %broadcast_in_dim3A_520 = vector.broadcast %scan3A_190 : i32 to vector<16xi32>
            %select_n3A_521 = arith.select %eq3A_517, %add3A_519, %broadcast_in_dim3A_520 : vector<16xi1>, vector<16xi32>
            %add3A_522 = arith.constant 112 : i32
            %add3A_523 = arith.addi %mul3A_451, %add3A_522 : i32
            %get3A_524 = arith.index_cast %add3A_523 : i32 to index
            %get3A_525 = tpu.vector_load %arg10[%get3A_524] {strides = array<i32>} : memref<5120xf32, #tpu.memory_space<vmem>>, vector<16xf32>,
            %eq3A_526 = vector.broadcast %reduce_max3A_280 : f32 to vector<16xf32>
            %eq3A_527 = arith.cmpf oeq, %get3A_525, %eq3A_526 : vector<16xf32>
            %add3A_528 = vector.broadcast %add3A_523 : i32 to vector<16xi32>
            %add3A_529 = arith.addi %add3A_528, %iota3A : vector<16xi32>
            %broadcast_in_dim3A_530 = vector.broadcast %scan3A_190 : i32 to vector<16xi32>
            %select_n3A_531 = arith.select %eq3A_527, %add3A_529, %broadcast_in_dim3A_530 : vector<16xi1>, vector<16xi32>
            %add3A_532 = arith.constant 128 : i32
            %add3A_533 = arith.addi %mul3A_451, %add3A_532 : i32
            %get3A_534 = arith.index_cast %add3A_533 : i32 to index
            %get3A_535 = tpu.vector_load %arg10[%get3A_534] {strides = array<i32>} : memref<5120xf32, #tpu.memory_space<vmem>>, vector<16xf32>,
            %eq3A_536 = vector.broadcast %reduce_max3A_280 : f32 to vector<16xf32>
            %eq3A_537 = arith.cmpf oeq, %get3A_535, %eq3A_536 : vector<16xf32>
            %add3A_538 = vector.broadcast %add3A_533 : i32 to vector<16xi32>
            %add3A_539 = arith.addi %add3A_538, %iota3A : vector<16xi32>
            %broadcast_in_dim3A_540 = vector.broadcast %scan3A_190 : i32 to vector<16xi32>
            %select_n3A_541 = arith.select %eq3A_537, %add3A_539, %broadcast_in_dim3A_540 : vector<16xi1>, vector<16xi32>
            %add3A_542 = arith.constant 144 : i32
            %add3A_543 = arith.addi %mul3A_451, %add3A_542 : i32
            %get3A_544 = arith.index_cast %add3A_543 : i32 to index
            %get3A_545 = tpu.vector_load %arg10[%get3A_544] {strides = array<i32>} : memref<5120xf32, #tpu.memory_space<vmem>>, vector<16xf32>,
            %eq3A_546 = vector.broadcast %reduce_max3A_280 : f32 to vector<16xf32>
            %eq3A_547 = arith.cmpf oeq, %get3A_545, %eq3A_546 : vector<16xf32>
            %add3A_548 = vector.broadcast %add3A_543 : i32 to vector<16xi32>
            %add3A_549 = arith.addi %add3A_548, %iota3A : vector<16xi32>
            %broadcast_in_dim3A_550 = vector.broadcast %scan3A_190 : i32 to vector<16xi32>
            %select_n3A_551 = arith.select %eq3A_547, %add3A_549, %broadcast_in_dim3A_550 : vector<16xi1>, vector<16xi32>
            %add3A_552 = arith.constant 160 : i32
            %add3A_553 = arith.addi %mul3A_451, %add3A_552 : i32
            %get3A_554 = arith.index_cast %add3A_553 : i32 to index
            %get3A_555 = tpu.vector_load %arg10[%get3A_554] {strides = array<i32>} : memref<5120xf32, #tpu.memory_space<vmem>>, vector<16xf32>,
            %eq3A_556 = vector.broadcast %reduce_max3A_280 : f32 to vector<16xf32>
            %eq3A_557 = arith.cmpf oeq, %get3A_555, %eq3A_556 : vector<16xf32>
            %add3A_558 = vector.broadcast %add3A_553 : i32 to vector<16xi32>
            %add3A_559 = arith.addi %add3A_558, %iota3A : vector<16xi32>
            %broadcast_in_dim3A_560 = vector.broadcast %scan3A_190 : i32 to vector<16xi32>
            %select_n3A_561 = arith.select %eq3A_557, %add3A_559, %broadcast_in_dim3A_560 : vector<16xi1>, vector<16xi32>
            %add3A_562 = arith.constant 176 : i32
            %add3A_563 = arith.addi %mul3A_451, %add3A_562 : i32
            %get3A_564 = arith.index_cast %add3A_563 : i32 to index
            %get3A_565 = tpu.vector_load %arg10[%get3A_564] {strides = array<i32>} : memref<5120xf32, #tpu.memory_space<vmem>>, vector<16xf32>,
            %eq3A_566 = vector.broadcast %reduce_max3A_280 : f32 to vector<16xf32>
            %eq3A_567 = arith.cmpf oeq, %get3A_565, %eq3A_566 : vector<16xf32>
            %add3A_568 = vector.broadcast %add3A_563 : i32 to vector<16xi32>
            %add3A_569 = arith.addi %add3A_568, %iota3A : vector<16xi32>
            %broadcast_in_dim3A_570 = vector.broadcast %scan3A_190 : i32 to vector<16xi32>
            %select_n3A_571 = arith.select %eq3A_567, %add3A_569, %broadcast_in_dim3A_570 : vector<16xi1>, vector<16xi32>
            %add3A_572 = arith.constant 192 : i32
            %add3A_573 = arith.addi %mul3A_451, %add3A_572 : i32
            %get3A_574 = arith.index_cast %add3A_573 : i32 to index
            %get3A_575 = tpu.vector_load %arg10[%get3A_574] {strides = array<i32>} : memref<5120xf32, #tpu.memory_space<vmem>>, vector<16xf32>,
            %eq3A_576 = vector.broadcast %reduce_max3A_280 : f32 to vector<16xf32>
            %eq3A_577 = arith.cmpf oeq, %get3A_575, %eq3A_576 : vector<16xf32>
            %add3A_578 = vector.broadcast %add3A_573 : i32 to vector<16xi32>
            %add3A_579 = arith.addi %add3A_578, %iota3A : vector<16xi32>
            %broadcast_in_dim3A_580 = vector.broadcast %scan3A_190 : i32 to vector<16xi32>
            %select_n3A_581 = arith.select %eq3A_577, %add3A_579, %broadcast_in_dim3A_580 : vector<16xi1>, vector<16xi32>
            %add3A_582 = arith.constant 208 : i32
            %add3A_583 = arith.addi %mul3A_451, %add3A_582 : i32
            %get3A_584 = arith.index_cast %add3A_583 : i32 to index
            %get3A_585 = tpu.vector_load %arg10[%get3A_584] {strides = array<i32>} : memref<5120xf32, #tpu.memory_space<vmem>>, vector<16xf32>,
            %eq3A_586 = vector.broadcast %reduce_max3A_280 : f32 to vector<16xf32>
            %eq3A_587 = arith.cmpf oeq, %get3A_585, %eq3A_586 : vector<16xf32>
            %add3A_588 = vector.broadcast %add3A_583 : i32 to vector<16xi32>
            %add3A_589 = arith.addi %add3A_588, %iota3A : vector<16xi32>
            %broadcast_in_dim3A_590 = vector.broadcast %scan3A_190 : i32 to vector<16xi32>
            %select_n3A_591 = arith.select %eq3A_587, %add3A_589, %broadcast_in_dim3A_590 : vector<16xi1>, vector<16xi32>
            %add3A_592 = arith.constant 224 : i32
            %add3A_593 = arith.addi %mul3A_451, %add3A_592 : i32
            %get3A_594 = arith.index_cast %add3A_593 : i32 to index
            %get3A_595 = tpu.vector_load %arg10[%get3A_594] {strides = array<i32>} : memref<5120xf32, #tpu.memory_space<vmem>>, vector<16xf32>,
            %eq3A_596 = vector.broadcast %reduce_max3A_280 : f32 to vector<16xf32>
            %eq3A_597 = arith.cmpf oeq, %get3A_595, %eq3A_596 : vector<16xf32>
            %add3A_598 = vector.broadcast %add3A_593 : i32 to vector<16xi32>
            %add3A_599 = arith.addi %add3A_598, %iota3A : vector<16xi32>
            %broadcast_in_dim3A_600 = vector.broadcast %scan3A_190 : i32 to vector<16xi32>
            %select_n3A_601 = arith.select %eq3A_597, %add3A_599, %broadcast_in_dim3A_600 : vector<16xi1>, vector<16xi32>
            %add3A_602 = arith.constant 240 : i32
            %add3A_603 = arith.addi %mul3A_451, %add3A_602 : i32
            %get3A_604 = arith.index_cast %add3A_603 : i32 to index
            %get3A_605 = tpu.vector_load %arg10[%get3A_604] {strides = array<i32>} : memref<5120xf32, #tpu.memory_space<vmem>>, vector<16xf32>,
            %eq3A_606 = vector.broadcast %reduce_max3A_280 : f32 to vector<16xf32>
            %eq3A_607 = arith.cmpf oeq, %get3A_605, %eq3A_606 : vector<16xf32>
            %add3A_608 = vector.broadcast %add3A_603 : i32 to vector<16xi32>
            %add3A_609 = arith.addi %add3A_608, %iota3A : vector<16xi32>
            %broadcast_in_dim3A_610 = vector.broadcast %scan3A_190 : i32 to vector<16xi32>
            %select_n3A_611 = arith.select %eq3A_607, %add3A_609, %broadcast_in_dim3A_610 : vector<16xi1>, vector<16xi32>
            %min3A_612 = arith.minsi %select_n3A_461, %select_n3A_471 : vector<16xi32>
            %min3A_613 = arith.minsi %select_n3A_481, %select_n3A_491 : vector<16xi32>
            %min3A_614 = arith.minsi %select_n3A_501, %select_n3A_511 : vector<16xi32>
            %min3A_615 = arith.minsi %select_n3A_521, %select_n3A_531 : vector<16xi32>
            %min3A_616 = arith.minsi %select_n3A_541, %select_n3A_551 : vector<16xi32>
            %min3A_617 = arith.minsi %select_n3A_561, %select_n3A_571 : vector<16xi32>
            %min3A_618 = arith.minsi %select_n3A_581, %select_n3A_591 : vector<16xi32>
            %min3A_619 = arith.minsi %select_n3A_601, %select_n3A_611 : vector<16xi32>
            %min3A_620 = arith.minsi %min3A_612, %min3A_613 : vector<16xi32>
            %min3A_621 = arith.minsi %min3A_614, %min3A_615 : vector<16xi32>
            %min3A_622 = arith.minsi %min3A_616, %min3A_617 : vector<16xi32>
            %min3A_623 = arith.minsi %min3A_618, %min3A_619 : vector<16xi32>
            %min3A_624 = arith.minsi %min3A_620, %min3A_621 : vector<16xi32>
            %min3A_625 = arith.minsi %min3A_622, %min3A_623 : vector<16xi32>
            %min3A_626 = arith.minsi %min3A_624, %min3A_625 : vector<16xi32>
            %reduce_min3A_627 = arith.constant true
            %reduce_min3A_628 = vector.broadcast %reduce_min3A_627 : i1 to vector<16xi1>
            %reduce_min3A_629 = arith.constant -2147483648 : i32
            %reduce_min3A_630 = vector.broadcast %reduce_min3A_629 : i32 to vector<16xi32>
            %reduce_min3A_631 = arith.xori %min3A_626, %reduce_min3A_630 : vector<16xi32>
            %reduce_min3A_632 = tpu.scan <min>, %reduce_min3A_631 masked %reduce_min3A_628 : vector<16xi32>, vector<16xi1> -> vector<16xi32>
            %reduce_min3A_633 = arith.xori %reduce_min3A_632, %reduce_min3A_630 : vector<16xi32>
            %reduce_min3A_634 = vector.extract %reduce_min3A_633[15] : i32 from vector<16xi32>
            %eq3A_635 = arith.constant 1 : i32
            %eq3A_636 = arith.cmpi eq, %select_n3A, %eq3A_635 : i32
            %jit3A_637 = arith.constant 0 : i32
            %select_n3A_638 = arith.select %eq3A_636, %reduce_min3A_634, %jit3A_637 : i32
            %jit3A_639 = arith.constant 16 : i32
            %div3A = arith.divsi %select_n3A_638, %jit3A_639 : i32
            %sign3A = arith.constant 0 : i32
            %sign3A_640 = arith.cmpi sgt, %select_n3A_638, %sign3A : i32
            %sign3A_641 = arith.extui %sign3A_640 : i1 to i32
            %sign3A_642 = arith.constant 0 : i32
            %sign3A_643 = arith.cmpi slt, %select_n3A_638, %sign3A_642 : i32
            %sign3A_644 = arith.extui %sign3A_643 : i1 to i32
            %sign3A_645 = arith.subi %sign3A_641, %sign3A_644 : i32
            %sign3A_646 = arith.constant 0 : i32
            %sign3A_647 = arith.cmpi sgt, %jit3A_639, %sign3A_646 : i32
            %sign3A_648 = arith.extui %sign3A_647 : i1 to i32
            %sign3A_649 = arith.constant 0 : i32
            %sign3A_650 = arith.cmpi slt, %jit3A_639, %sign3A_649 : i32
            %sign3A_651 = arith.extui %sign3A_650 : i1 to i32
            %sign3A_652 = arith.subi %sign3A_648, %sign3A_651 : i32
            %ne3A = arith.cmpi ne, %sign3A_645, %sign3A_652 : i32
            %rem3A = arith.remsi %select_n3A_638, %jit3A_639 : i32
            %ne3A_653 = arith.constant 0 : i32
            %ne3A_654 = arith.cmpi ne, %rem3A, %ne3A_653 : i32
            %and3A_655 = arith.andi %ne3A, %ne3A_654 : i1
            %sub3A = arith.constant 1 : i32
            %sub3A_656 = arith.subi %div3A, %sub3A : i32
            %select_n3A_657 = arith.select %and3A_655, %sub3A_656, %div3A : i32
            %mul3A_658 = arith.constant 16 : i32
            %mul3A_659 = arith.muli %select_n3A_657, %mul3A_658 : i32
            %sub3A_660 = arith.subi %select_n3A_638, %mul3A_659 : i32
            %eq3A_661 = vector.broadcast %sub3A_660 : i32 to vector<16xi32>
            %eq3A_662 = arith.cmpi eq, %iota3A, %eq3A_661 : vector<16xi32>
            %get3A_663 = arith.index_cast %mul3A_659 : i32 to index
            %get3A_664 = tpu.vector_load %arg12[%get3A_663] {strides = array<i32>} : memref<5120xf32, #tpu.memory_space<vmem>>, vector<16xf32>,
            %jit3A_665 = arith.constant 0.000000e+00 : f32
            %broadcast_in_dim3A_666 = vector.broadcast %jit3A_665 : f32 to vector<16xf32>
            %select_n3A_667 = arith.select %eq3A_662, %get3A_664, %broadcast_in_dim3A_666 : vector<16xi1>, vector<16xf32>
            %reduce_sum3A = arith.constant true
            %reduce_sum3A_668 = vector.broadcast %reduce_sum3A : i1 to vector<16xi1>
            %reduce_sum3A_669 = tpu.scan <sum>, %select_n3A_667 masked %reduce_sum3A_668 : vector<16xf32>, vector<16xi1> -> vector<16xf32>
            %reduce_sum3A_670 = vector.extract %reduce_sum3A_669[15] : f32 from vector<16xf32>
            %get3A_671 = arith.index_cast %mul3A_659 : i32 to index
            %get3A_672 = tpu.vector_load %arg13[%get3A_671] {strides = array<i32>} : memref<5120xf32, #tpu.memory_space<vmem>>, vector<16xf32>,
            %jit3A_673 = arith.constant 0.000000e+00 : f32
            %broadcast_in_dim3A_674 = vector.broadcast %jit3A_673 : f32 to vector<16xf32>
            %select_n3A_675 = arith.select %eq3A_662, %get3A_672, %broadcast_in_dim3A_674 : vector<16xi1>, vector<16xf32>
            %reduce_sum3A_676 = arith.constant true
            %reduce_sum3A_677 = vector.broadcast %reduce_sum3A_676 : i1 to vector<16xi1>
            %reduce_sum3A_678 = tpu.scan <sum>, %select_n3A_675 masked %reduce_sum3A_677 : vector<16xf32>, vector<16xi1> -> vector<16xf32>
            %reduce_sum3A_679 = vector.extract %reduce_sum3A_678[15] : f32 from vector<16xf32>
            %get3A_680 = arith.index_cast %mul3A_659 : i32 to index
            %get3A_681 = tpu.vector_load %arg14[%get3A_680] {strides = array<i32>} : memref<5120xf32, #tpu.memory_space<vmem>>, vector<16xf32>,
            %jit3A_682 = arith.constant 0.000000e+00 : f32
            %broadcast_in_dim3A_683 = vector.broadcast %jit3A_682 : f32 to vector<16xf32>
            %select_n3A_684 = arith.select %eq3A_662, %get3A_681, %broadcast_in_dim3A_683 : vector<16xi1>, vector<16xf32>
            %reduce_sum3A_685 = arith.constant true
            %reduce_sum3A_686 = vector.broadcast %reduce_sum3A_685 : i1 to vector<16xi1>
            %reduce_sum3A_687 = tpu.scan <sum>, %select_n3A_684 masked %reduce_sum3A_686 : vector<16xf32>, vector<16xi1> -> vector<16xf32>
            %reduce_sum3A_688 = vector.extract %reduce_sum3A_687[15] : f32 from vector<16xf32>
            %get3A_689 = arith.index_cast %mul3A_659 : i32 to index
            %get3A_690 = tpu.vector_load %arg15[%get3A_689] {strides = array<i32>} : memref<5120xf32, #tpu.memory_space<vmem>>, vector<16xf32>,
            %jit3A_691 = arith.constant 0.000000e+00 : f32
            %broadcast_in_dim3A_692 = vector.broadcast %jit3A_691 : f32 to vector<16xf32>
            %select_n3A_693 = arith.select %eq3A_662, %get3A_690, %broadcast_in_dim3A_692 : vector<16xi1>, vector<16xf32>
            %reduce_sum3A_694 = arith.constant true
            %reduce_sum3A_695 = vector.broadcast %reduce_sum3A_694 : i1 to vector<16xi1>
            %reduce_sum3A_696 = tpu.scan <sum>, %select_n3A_693 masked %reduce_sum3A_695 : vector<16xf32>, vector<16xi1> -> vector<16xf32>
            %reduce_sum3A_697 = vector.extract %reduce_sum3A_696[15] : f32 from vector<16xf32>
            %sub3A_698 = arith.subf %reduce_sum3A_688, %reduce_sum3A_670 : f32
            %sub3A_699 = arith.subf %reduce_sum3A_697, %reduce_sum3A_679 : f32
            %mul3A_700 = arith.mulf %sub3A_698, %sub3A_699 : f32
            %jit3A_701 = arith.constant 16 : i32
            %div3A_702 = arith.divsi %select_n3A_638, %jit3A_701 : i32
            %sign3A_703 = arith.constant 0 : i32
            %sign3A_704 = arith.cmpi sgt, %select_n3A_638, %sign3A_703 : i32
            %sign3A_705 = arith.extui %sign3A_704 : i1 to i32
            %sign3A_706 = arith.constant 0 : i32
            %sign3A_707 = arith.cmpi slt, %select_n3A_638, %sign3A_706 : i32
            %sign3A_708 = arith.extui %sign3A_707 : i1 to i32
            %sign3A_709 = arith.subi %sign3A_705, %sign3A_708 : i32
            %sign3A_710 = arith.constant 0 : i32
            %sign3A_711 = arith.cmpi sgt, %jit3A_701, %sign3A_710 : i32
            %sign3A_712 = arith.extui %sign3A_711 : i1 to i32
            %sign3A_713 = arith.constant 0 : i32
            %sign3A_714 = arith.cmpi slt, %jit3A_701, %sign3A_713 : i32
            %sign3A_715 = arith.extui %sign3A_714 : i1 to i32
            %sign3A_716 = arith.subi %sign3A_712, %sign3A_715 : i32
            %ne3A_717 = arith.cmpi ne, %sign3A_709, %sign3A_716 : i32
            %rem3A_718 = arith.remsi %select_n3A_638, %jit3A_701 : i32
            %ne3A_719 = arith.constant 0 : i32
            %ne3A_720 = arith.cmpi ne, %rem3A_718, %ne3A_719 : i32
            %and3A_721 = arith.andi %ne3A_717, %ne3A_720 : i1
            %sub3A_722 = arith.constant 1 : i32
            %sub3A_723 = arith.subi %div3A_702, %sub3A_722 : i32
            %select_n3A_724 = arith.select %and3A_721, %sub3A_723, %div3A_702 : i32
            %mul3A_725 = arith.constant 16 : i32
            %mul3A_726 = arith.muli %select_n3A_724, %mul3A_725 : i32
            %sub3A_727 = arith.subi %select_n3A_638, %mul3A_726 : i32
            %get3A_728 = arith.index_cast %mul3A_726 : i32 to index
            %get3A_729 = tpu.vector_load %arg10[%get3A_728] {strides = array<i32>} : memref<5120xf32, #tpu.memory_space<vmem>>, vector<16xf32>,
            %eq3A_730 = vector.broadcast %sub3A_727 : i32 to vector<16xi32>
            %eq3A_731 = arith.cmpi eq, %iota3A, %eq3A_730 : vector<16xi32>
            %jit3A_732 = arith.constant 0xFF800000 : f32
            %broadcast_in_dim3A_733 = vector.broadcast %jit3A_732 : f32 to vector<16xf32>
            %select_n3A_734 = arith.select %eq3A_731, %broadcast_in_dim3A_733, %get3A_729 : vector<16xi1>, vector<16xf32>
            %swap3A = arith.index_cast %mul3A_726 : i32 to index
            %swap3A_735 = tpu.vector_load %arg10[%swap3A] {strides = array<i32>} : memref<5120xf32, #tpu.memory_space<vmem>>, vector<16xf32>,
            tpu.vector_store %arg10[%swap3A], %select_n3A_734 {strides = array<i32>} : memref<5120xf32, #tpu.memory_space<vmem>>, vector<16xf32>,
            %jit3A_736 = arith.constant 256 : i32
            %div3A_737 = arith.divsi %select_n3A_638, %jit3A_736 : i32
            %sign3A_738 = arith.constant 0 : i32
            %sign3A_739 = arith.cmpi sgt, %select_n3A_638, %sign3A_738 : i32
            %sign3A_740 = arith.extui %sign3A_739 : i1 to i32
            %sign3A_741 = arith.constant 0 : i32
            %sign3A_742 = arith.cmpi slt, %select_n3A_638, %sign3A_741 : i32
            %sign3A_743 = arith.extui %sign3A_742 : i1 to i32
            %sign3A_744 = arith.subi %sign3A_740, %sign3A_743 : i32
            %sign3A_745 = arith.constant 0 : i32
            %sign3A_746 = arith.cmpi sgt, %jit3A_736, %sign3A_745 : i32
            %sign3A_747 = arith.extui %sign3A_746 : i1 to i32
            %sign3A_748 = arith.constant 0 : i32
            %sign3A_749 = arith.cmpi slt, %jit3A_736, %sign3A_748 : i32
            %sign3A_750 = arith.extui %sign3A_749 : i1 to i32
            %sign3A_751 = arith.subi %sign3A_747, %sign3A_750 : i32
            %ne3A_752 = arith.cmpi ne, %sign3A_744, %sign3A_751 : i32
            %rem3A_753 = arith.remsi %select_n3A_638, %jit3A_736 : i32
            %ne3A_754 = arith.constant 0 : i32
            %ne3A_755 = arith.cmpi ne, %rem3A_753, %ne3A_754 : i32
            %and3A_756 = arith.andi %ne3A_752, %ne3A_755 : i1
            %sub3A_757 = arith.constant 1 : i32
            %sub3A_758 = arith.subi %div3A_737, %sub3A_757 : i32
            %select_n3A_759 = arith.select %and3A_756, %sub3A_758, %div3A_737 : i32
            %mul3A_760 = arith.constant 256 : i32
            %mul3A_761 = arith.muli %select_n3A_759, %mul3A_760 : i32
            %add3A_762 = arith.constant 0 : i32
            %add3A_763 = arith.addi %mul3A_761, %add3A_762 : i32
            %get3A_764 = arith.index_cast %add3A_763 : i32 to index
            %get3A_765 = tpu.vector_load %arg10[%get3A_764] {strides = array<i32>} : memref<5120xf32, #tpu.memory_space<vmem>>, vector<16xf32>,
            %mul3A_766 = arith.constant 256 : i32
            %mul3A_767 = arith.muli %select_n3A_759, %mul3A_766 : i32
            %add3A_768 = arith.constant 16 : i32
            %add3A_769 = arith.addi %mul3A_767, %add3A_768 : i32
            %get3A_770 = arith.index_cast %add3A_769 : i32 to index
            %get3A_771 = tpu.vector_load %arg10[%get3A_770] {strides = array<i32>} : memref<5120xf32, #tpu.memory_space<vmem>>, vector<16xf32>,
            %mul3A_772 = arith.constant 256 : i32
            %mul3A_773 = arith.muli %select_n3A_759, %mul3A_772 : i32
            %add3A_774 = arith.constant 32 : i32
            %add3A_775 = arith.addi %mul3A_773, %add3A_774 : i32
            %get3A_776 = arith.index_cast %add3A_775 : i32 to index
            %get3A_777 = tpu.vector_load %arg10[%get3A_776] {strides = array<i32>} : memref<5120xf32, #tpu.memory_space<vmem>>, vector<16xf32>,
            %mul3A_778 = arith.constant 256 : i32
            %mul3A_779 = arith.muli %select_n3A_759, %mul3A_778 : i32
            %add3A_780 = arith.constant 48 : i32
            %add3A_781 = arith.addi %mul3A_779, %add3A_780 : i32
            %get3A_782 = arith.index_cast %add3A_781 : i32 to index
            %get3A_783 = tpu.vector_load %arg10[%get3A_782] {strides = array<i32>} : memref<5120xf32, #tpu.memory_space<vmem>>, vector<16xf32>,
            %mul3A_784 = arith.constant 256 : i32
            %mul3A_785 = arith.muli %select_n3A_759, %mul3A_784 : i32
            %add3A_786 = arith.constant 64 : i32
            %add3A_787 = arith.addi %mul3A_785, %add3A_786 : i32
            %get3A_788 = arith.index_cast %add3A_787 : i32 to index
            %get3A_789 = tpu.vector_load %arg10[%get3A_788] {strides = array<i32>} : memref<5120xf32, #tpu.memory_space<vmem>>, vector<16xf32>,
            %mul3A_790 = arith.constant 256 : i32
            %mul3A_791 = arith.muli %select_n3A_759, %mul3A_790 : i32
            %add3A_792 = arith.constant 80 : i32
            %add3A_793 = arith.addi %mul3A_791, %add3A_792 : i32
            %get3A_794 = arith.index_cast %add3A_793 : i32 to index
            %get3A_795 = tpu.vector_load %arg10[%get3A_794] {strides = array<i32>} : memref<5120xf32, #tpu.memory_space<vmem>>, vector<16xf32>,
            %mul3A_796 = arith.constant 256 : i32
            %mul3A_797 = arith.muli %select_n3A_759, %mul3A_796 : i32
            %add3A_798 = arith.constant 96 : i32
            %add3A_799 = arith.addi %mul3A_797, %add3A_798 : i32
            %get3A_800 = arith.index_cast %add3A_799 : i32 to index
            %get3A_801 = tpu.vector_load %arg10[%get3A_800] {strides = array<i32>} : memref<5120xf32, #tpu.memory_space<vmem>>, vector<16xf32>,
            %mul3A_802 = arith.constant 256 : i32
            %mul3A_803 = arith.muli %select_n3A_759, %mul3A_802 : i32
            %add3A_804 = arith.constant 112 : i32
            %add3A_805 = arith.addi %mul3A_803, %add3A_804 : i32
            %get3A_806 = arith.index_cast %add3A_805 : i32 to index
            %get3A_807 = tpu.vector_load %arg10[%get3A_806] {strides = array<i32>} : memref<5120xf32, #tpu.memory_space<vmem>>, vector<16xf32>,
            %mul3A_808 = arith.constant 256 : i32
            %mul3A_809 = arith.muli %select_n3A_759, %mul3A_808 : i32
            %add3A_810 = arith.constant 128 : i32
            %add3A_811 = arith.addi %mul3A_809, %add3A_810 : i32
            %get3A_812 = arith.index_cast %add3A_811 : i32 to index
            %get3A_813 = tpu.vector_load %arg10[%get3A_812] {strides = array<i32>} : memref<5120xf32, #tpu.memory_space<vmem>>, vector<16xf32>,
            %mul3A_814 = arith.constant 256 : i32
            %mul3A_815 = arith.muli %select_n3A_759, %mul3A_814 : i32
            %add3A_816 = arith.constant 144 : i32
            %add3A_817 = arith.addi %mul3A_815, %add3A_816 : i32
            %get3A_818 = arith.index_cast %add3A_817 : i32 to index
            %get3A_819 = tpu.vector_load %arg10[%get3A_818] {strides = array<i32>} : memref<5120xf32, #tpu.memory_space<vmem>>, vector<16xf32>,
            %mul3A_820 = arith.constant 256 : i32
            %mul3A_821 = arith.muli %select_n3A_759, %mul3A_820 : i32
            %add3A_822 = arith.constant 160 : i32
            %add3A_823 = arith.addi %mul3A_821, %add3A_822 : i32
            %get3A_824 = arith.index_cast %add3A_823 : i32 to index
            %get3A_825 = tpu.vector_load %arg10[%get3A_824] {strides = array<i32>} : memref<5120xf32, #tpu.memory_space<vmem>>, vector<16xf32>,
            %mul3A_826 = arith.constant 256 : i32
            %mul3A_827 = arith.muli %select_n3A_759, %mul3A_826 : i32
            %add3A_828 = arith.constant 176 : i32
            %add3A_829 = arith.addi %mul3A_827, %add3A_828 : i32
            %get3A_830 = arith.index_cast %add3A_829 : i32 to index
            %get3A_831 = tpu.vector_load %arg10[%get3A_830] {strides = array<i32>} : memref<5120xf32, #tpu.memory_space<vmem>>, vector<16xf32>,
            %mul3A_832 = arith.constant 256 : i32
            %mul3A_833 = arith.muli %select_n3A_759, %mul3A_832 : i32
            %add3A_834 = arith.constant 192 : i32
            %add3A_835 = arith.addi %mul3A_833, %add3A_834 : i32
            %get3A_836 = arith.index_cast %add3A_835 : i32 to index
            %get3A_837 = tpu.vector_load %arg10[%get3A_836] {strides = array<i32>} : memref<5120xf32, #tpu.memory_space<vmem>>, vector<16xf32>,
            %mul3A_838 = arith.constant 256 : i32
            %mul3A_839 = arith.muli %select_n3A_759, %mul3A_838 : i32
            %add3A_840 = arith.constant 208 : i32
            %add3A_841 = arith.addi %mul3A_839, %add3A_840 : i32
            %get3A_842 = arith.index_cast %add3A_841 : i32 to index
            %get3A_843 = tpu.vector_load %arg10[%get3A_842] {strides = array<i32>} : memref<5120xf32, #tpu.memory_space<vmem>>, vector<16xf32>,
            %mul3A_844 = arith.constant 256 : i32
            %mul3A_845 = arith.muli %select_n3A_759, %mul3A_844 : i32
            %add3A_846 = arith.constant 224 : i32
            %add3A_847 = arith.addi %mul3A_845, %add3A_846 : i32
            %get3A_848 = arith.index_cast %add3A_847 : i32 to index
            %get3A_849 = tpu.vector_load %arg10[%get3A_848] {strides = array<i32>} : memref<5120xf32, #tpu.memory_space<vmem>>, vector<16xf32>,
            %mul3A_850 = arith.constant 256 : i32
            %mul3A_851 = arith.muli %select_n3A_759, %mul3A_850 : i32
            %add3A_852 = arith.constant 240 : i32
            %add3A_853 = arith.addi %mul3A_851, %add3A_852 : i32
            %get3A_854 = arith.index_cast %add3A_853 : i32 to index
            %get3A_855 = tpu.vector_load %arg10[%get3A_854] {strides = array<i32>} : memref<5120xf32, #tpu.memory_space<vmem>>, vector<16xf32>,
            %max3A_856 = arith.maximumf %get3A_765, %get3A_771 : vector<16xf32>
            %max3A_857 = arith.maximumf %get3A_777, %get3A_783 : vector<16xf32>
            %max3A_858 = arith.maximumf %get3A_789, %get3A_795 : vector<16xf32>
            %max3A_859 = arith.maximumf %get3A_801, %get3A_807 : vector<16xf32>
            %max3A_860 = arith.maximumf %get3A_813, %get3A_819 : vector<16xf32>
            %max3A_861 = arith.maximumf %get3A_825, %get3A_831 : vector<16xf32>
            %max3A_862 = arith.maximumf %get3A_837, %get3A_843 : vector<16xf32>
            %max3A_863 = arith.maximumf %get3A_849, %get3A_855 : vector<16xf32>
            %max3A_864 = arith.maximumf %max3A_856, %max3A_857 : vector<16xf32>
            %max3A_865 = arith.maximumf %max3A_858, %max3A_859 : vector<16xf32>
            %max3A_866 = arith.maximumf %max3A_860, %max3A_861 : vector<16xf32>
            %max3A_867 = arith.maximumf %max3A_862, %max3A_863 : vector<16xf32>
            %max3A_868 = arith.maximumf %max3A_864, %max3A_865 : vector<16xf32>
            %max3A_869 = arith.maximumf %max3A_866, %max3A_867 : vector<16xf32>
            %max3A_870 = arith.maximumf %max3A_868, %max3A_869 : vector<16xf32>
            %eq3A_871 = arith.constant 0 : i32
            %eq3A_872 = arith.cmpi eq, %select_n3A_759, %eq3A_871 : i32
            %select_n3A_873 = arith.select %eq3A_872, %max3A_870, %scan3A_238 : vector<16xf32>
            %eq3A_874 = arith.constant 1 : i32
            %eq3A_875 = arith.cmpi eq, %select_n3A_759, %eq3A_874 : i32
            %select_n3A_876 = arith.select %eq3A_875, %max3A_870, %scan3A_239 : vector<16xf32>
            %eq3A_877 = arith.constant 2 : i32
            %eq3A_878 = arith.cmpi eq, %select_n3A_759, %eq3A_877 : i32
            %select_n3A_879 = arith.select %eq3A_878, %max3A_870, %scan3A_240 : vector<16xf32>
            %eq3A_880 = arith.constant 3 : i32
            %eq3A_881 = arith.cmpi eq, %select_n3A_759, %eq3A_880 : i32
            %select_n3A_882 = arith.select %eq3A_881, %max3A_870, %scan3A_241 : vector<16xf32>
            %eq3A_883 = arith.constant 4 : i32
            %eq3A_884 = arith.cmpi eq, %select_n3A_759, %eq3A_883 : i32
            %select_n3A_885 = arith.select %eq3A_884, %max3A_870, %scan3A_242 : vector<16xf32>
            %eq3A_886 = arith.constant 5 : i32
            %eq3A_887 = arith.cmpi eq, %select_n3A_759, %eq3A_886 : i32
            %select_n3A_888 = arith.select %eq3A_887, %max3A_870, %scan3A_243 : vector<16xf32>
            %eq3A_889 = arith.constant 6 : i32
            %eq3A_890 = arith.cmpi eq, %select_n3A_759, %eq3A_889 : i32
            %select_n3A_891 = arith.select %eq3A_890, %max3A_870, %scan3A_244 : vector<16xf32>
            %eq3A_892 = arith.constant 7 : i32
            %eq3A_893 = arith.cmpi eq, %select_n3A_759, %eq3A_892 : i32
            %select_n3A_894 = arith.select %eq3A_893, %max3A_870, %scan3A_245 : vector<16xf32>
            %eq3A_895 = arith.constant 8 : i32
            %eq3A_896 = arith.cmpi eq, %select_n3A_759, %eq3A_895 : i32
            %select_n3A_897 = arith.select %eq3A_896, %max3A_870, %scan3A_246 : vector<16xf32>
            %eq3A_898 = arith.constant 9 : i32
            %eq3A_899 = arith.cmpi eq, %select_n3A_759, %eq3A_898 : i32
            %select_n3A_900 = arith.select %eq3A_899, %max3A_870, %scan3A_247 : vector<16xf32>
            %eq3A_901 = arith.constant 10 : i32
            %eq3A_902 = arith.cmpi eq, %select_n3A_759, %eq3A_901 : i32
            %select_n3A_903 = arith.select %eq3A_902, %max3A_870, %scan3A_248 : vector<16xf32>
            %eq3A_904 = arith.constant 11 : i32
            %eq3A_905 = arith.cmpi eq, %select_n3A_759, %eq3A_904 : i32
            %select_n3A_906 = arith.select %eq3A_905, %max3A_870, %scan3A_249 : vector<16xf32>
            %eq3A_907 = arith.constant 12 : i32
            %eq3A_908 = arith.cmpi eq, %select_n3A_759, %eq3A_907 : i32
            %select_n3A_909 = arith.select %eq3A_908, %max3A_870, %scan3A_250 : vector<16xf32>
            %eq3A_910 = arith.constant 13 : i32
            %eq3A_911 = arith.cmpi eq, %select_n3A_759, %eq3A_910 : i32
            %select_n3A_912 = arith.select %eq3A_911, %max3A_870, %scan3A_251 : vector<16xf32>
            %eq3A_913 = arith.constant 14 : i32
            %eq3A_914 = arith.cmpi eq, %select_n3A_759, %eq3A_913 : i32
            %select_n3A_915 = arith.select %eq3A_914, %max3A_870, %scan3A_252 : vector<16xf32>
            %eq3A_916 = arith.constant 15 : i32
            %eq3A_917 = arith.cmpi eq, %select_n3A_759, %eq3A_916 : i32
            %select_n3A_918 = arith.select %eq3A_917, %max3A_870, %scan3A_253 : vector<16xf32>
            %eq3A_919 = arith.constant 16 : i32
            %eq3A_920 = arith.cmpi eq, %select_n3A_759, %eq3A_919 : i32
            %select_n3A_921 = arith.select %eq3A_920, %max3A_870, %scan3A_254 : vector<16xf32>
            %eq3A_922 = arith.constant 17 : i32
            %eq3A_923 = arith.cmpi eq, %select_n3A_759, %eq3A_922 : i32
            %select_n3A_924 = arith.select %eq3A_923, %max3A_870, %scan3A_255 : vector<16xf32>
            %eq3A_925 = arith.constant 18 : i32
            %eq3A_926 = arith.cmpi eq, %select_n3A_759, %eq3A_925 : i32
            %select_n3A_927 = arith.select %eq3A_926, %max3A_870, %scan3A_256 : vector<16xf32>
            %eq3A_928 = arith.constant 19 : i32
            %eq3A_929 = arith.cmpi eq, %select_n3A_759, %eq3A_928 : i32
            %select_n3A_930 = arith.select %eq3A_929, %max3A_870, %scan3A_257 : vector<16xf32>
            %get3A_931 = arith.constant 0 : index
            %get3A_932 = tpu.vector_load %arg21[%get3A_931] {strides = array<i32>} : memref<304xf32, #tpu.memory_space<vmem>>, vector<16xf32>,
            %get3A_933 = arith.constant 0 : index
            %get3A_934 = tpu.vector_load %arg22[%get3A_933] {strides = array<i32>} : memref<304xf32, #tpu.memory_space<vmem>>, vector<16xf32>,
            %get3A_935 = arith.constant 0 : index
            %get3A_936 = tpu.vector_load %arg23[%get3A_935] {strides = array<i32>} : memref<304xf32, #tpu.memory_space<vmem>>, vector<16xf32>,
            %get3A_937 = arith.constant 0 : index
            %get3A_938 = tpu.vector_load %arg24[%get3A_937] {strides = array<i32>} : memref<304xf32, #tpu.memory_space<vmem>>, vector<16xf32>,
            %max3A_939 = vector.broadcast %reduce_sum3A_670 : f32 to vector<16xf32>
            %max3A_940 = arith.maximumf %get3A_932, %max3A_939 : vector<16xf32>
            %max3A_941 = vector.broadcast %reduce_sum3A_679 : f32 to vector<16xf32>
            %max3A_942 = arith.maximumf %get3A_934, %max3A_941 : vector<16xf32>
            %min3A_943 = vector.broadcast %reduce_sum3A_688 : f32 to vector<16xf32>
            %min3A_944 = arith.minimumf %get3A_936, %min3A_943 : vector<16xf32>
            %min3A_945 = vector.broadcast %reduce_sum3A_697 : f32 to vector<16xf32>
            %min3A_946 = arith.minimumf %get3A_938, %min3A_945 : vector<16xf32>
            %sub3A_947 = arith.subf %min3A_944, %max3A_940 : vector<16xf32>
            %max3A_948 = arith.constant 0.000000e+00 : f32
            %max3A_949 = vector.broadcast %max3A_948 : f32 to vector<16xf32>
            %max3A_950 = arith.maximumf %sub3A_947, %max3A_949 : vector<16xf32>
            %sub3A_951 = arith.subf %min3A_946, %max3A_942 : vector<16xf32>
            %max3A_952 = arith.constant 0.000000e+00 : f32
            %max3A_953 = vector.broadcast %max3A_952 : f32 to vector<16xf32>
            %max3A_954 = arith.maximumf %sub3A_951, %max3A_953 : vector<16xf32>
            %mul3A_955 = arith.mulf %max3A_950, %max3A_954 : vector<16xf32>
            %sub3A_956 = arith.subf %get3A_936, %get3A_932 : vector<16xf32>
            %sub3A_957 = arith.subf %get3A_938, %get3A_934 : vector<16xf32>
            %mul3A_958 = arith.mulf %sub3A_956, %sub3A_957 : vector<16xf32>
            %add3A_959 = vector.broadcast %mul3A_700 : f32 to vector<16xf32>
            %add3A_960 = arith.addf %mul3A_958, %add3A_959 : vector<16xf32>
            %sub3A_961 = arith.subf %add3A_960, %mul3A_955 : vector<16xf32>
            %add3A_962 = arith.constant 9.99999971E-10 : f32
            %add3A_963 = vector.broadcast %add3A_962 : f32 to vector<16xf32>
            %add3A_964 = arith.addf %sub3A_961, %add3A_963 : vector<16xf32>
            %div3A_965 = arith.divf %mul3A_955, %add3A_964 : vector<16xf32>
            %get3A_966 = arith.constant 16 : index
            %get3A_967 = tpu.vector_load %arg21[%get3A_966] {strides = array<i32>} : memref<304xf32, #tpu.memory_space<vmem>>, vector<16xf32>,
            %get3A_968 = arith.constant 16 : index
            %get3A_969 = tpu.vector_load %arg22[%get3A_968] {strides = array<i32>} : memref<304xf32, #tpu.memory_space<vmem>>, vector<16xf32>,
            %get3A_970 = arith.constant 16 : index
            %get3A_971 = tpu.vector_load %arg23[%get3A_970] {strides = array<i32>} : memref<304xf32, #tpu.memory_space<vmem>>, vector<16xf32>,
            %get3A_972 = arith.constant 16 : index
            %get3A_973 = tpu.vector_load %arg24[%get3A_972] {strides = array<i32>} : memref<304xf32, #tpu.memory_space<vmem>>, vector<16xf32>,
            %max3A_974 = vector.broadcast %reduce_sum3A_670 : f32 to vector<16xf32>
            %max3A_975 = arith.maximumf %get3A_967, %max3A_974 : vector<16xf32>
            %max3A_976 = vector.broadcast %reduce_sum3A_679 : f32 to vector<16xf32>
            %max3A_977 = arith.maximumf %get3A_969, %max3A_976 : vector<16xf32>
            %min3A_978 = vector.broadcast %reduce_sum3A_688 : f32 to vector<16xf32>
            %min3A_979 = arith.minimumf %get3A_971, %min3A_978 : vector<16xf32>
            %min3A_980 = vector.broadcast %reduce_sum3A_697 : f32 to vector<16xf32>
            %min3A_981 = arith.minimumf %get3A_973, %min3A_980 : vector<16xf32>
            %sub3A_982 = arith.subf %min3A_979, %max3A_975 : vector<16xf32>
            %max3A_983 = arith.constant 0.000000e+00 : f32
            %max3A_984 = vector.broadcast %max3A_983 : f32 to vector<16xf32>
            %max3A_985 = arith.maximumf %sub3A_982, %max3A_984 : vector<16xf32>
            %sub3A_986 = arith.subf %min3A_981, %max3A_977 : vector<16xf32>
            %max3A_987 = arith.constant 0.000000e+00 : f32
            %max3A_988 = vector.broadcast %max3A_987 : f32 to vector<16xf32>
            %max3A_989 = arith.maximumf %sub3A_986, %max3A_988 : vector<16xf32>
            %mul3A_990 = arith.mulf %max3A_985, %max3A_989 : vector<16xf32>
            %sub3A_991 = arith.subf %get3A_971, %get3A_967 : vector<16xf32>
            %sub3A_992 = arith.subf %get3A_973, %get3A_969 : vector<16xf32>
            %mul3A_993 = arith.mulf %sub3A_991, %sub3A_992 : vector<16xf32>
            %add3A_994 = vector.broadcast %mul3A_700 : f32 to vector<16xf32>
            %add3A_995 = arith.addf %mul3A_993, %add3A_994 : vector<16xf32>
            %sub3A_996 = arith.subf %add3A_995, %mul3A_990 : vector<16xf32>
            %add3A_997 = arith.constant 9.99999971E-10 : f32
            %add3A_998 = vector.broadcast %add3A_997 : f32 to vector<16xf32>
            %add3A_999 = arith.addf %sub3A_996, %add3A_998 : vector<16xf32>
            %div3A_1000 = arith.divf %mul3A_990, %add3A_999 : vector<16xf32>
            %get3A_1001 = arith.constant 32 : index
            %get3A_1002 = tpu.vector_load %arg21[%get3A_1001] {strides = array<i32>} : memref<304xf32, #tpu.memory_space<vmem>>, vector<16xf32>,
            %get3A_1003 = arith.constant 32 : index
            %get3A_1004 = tpu.vector_load %arg22[%get3A_1003] {strides = array<i32>} : memref<304xf32, #tpu.memory_space<vmem>>, vector<16xf32>,
            %get3A_1005 = arith.constant 32 : index
            %get3A_1006 = tpu.vector_load %arg23[%get3A_1005] {strides = array<i32>} : memref<304xf32, #tpu.memory_space<vmem>>, vector<16xf32>,
            %get3A_1007 = arith.constant 32 : index
            %get3A_1008 = tpu.vector_load %arg24[%get3A_1007] {strides = array<i32>} : memref<304xf32, #tpu.memory_space<vmem>>, vector<16xf32>,
            %max3A_1009 = vector.broadcast %reduce_sum3A_670 : f32 to vector<16xf32>
            %max3A_1010 = arith.maximumf %get3A_1002, %max3A_1009 : vector<16xf32>
            %max3A_1011 = vector.broadcast %reduce_sum3A_679 : f32 to vector<16xf32>
            %max3A_1012 = arith.maximumf %get3A_1004, %max3A_1011 : vector<16xf32>
            %min3A_1013 = vector.broadcast %reduce_sum3A_688 : f32 to vector<16xf32>
            %min3A_1014 = arith.minimumf %get3A_1006, %min3A_1013 : vector<16xf32>
            %min3A_1015 = vector.broadcast %reduce_sum3A_697 : f32 to vector<16xf32>
            %min3A_1016 = arith.minimumf %get3A_1008, %min3A_1015 : vector<16xf32>
            %sub3A_1017 = arith.subf %min3A_1014, %max3A_1010 : vector<16xf32>
            %max3A_1018 = arith.constant 0.000000e+00 : f32
            %max3A_1019 = vector.broadcast %max3A_1018 : f32 to vector<16xf32>
            %max3A_1020 = arith.maximumf %sub3A_1017, %max3A_1019 : vector<16xf32>
            %sub3A_1021 = arith.subf %min3A_1016, %max3A_1012 : vector<16xf32>
            %max3A_1022 = arith.constant 0.000000e+00 : f32
            %max3A_1023 = vector.broadcast %max3A_1022 : f32 to vector<16xf32>
            %max3A_1024 = arith.maximumf %sub3A_1021, %max3A_1023 : vector<16xf32>
            %mul3A_1025 = arith.mulf %max3A_1020, %max3A_1024 : vector<16xf32>
            %sub3A_1026 = arith.subf %get3A_1006, %get3A_1002 : vector<16xf32>
            %sub3A_1027 = arith.subf %get3A_1008, %get3A_1004 : vector<16xf32>
            %mul3A_1028 = arith.mulf %sub3A_1026, %sub3A_1027 : vector<16xf32>
            %add3A_1029 = vector.broadcast %mul3A_700 : f32 to vector<16xf32>
            %add3A_1030 = arith.addf %mul3A_1028, %add3A_1029 : vector<16xf32>
            %sub3A_1031 = arith.subf %add3A_1030, %mul3A_1025 : vector<16xf32>
            %add3A_1032 = arith.constant 9.99999971E-10 : f32
            %add3A_1033 = vector.broadcast %add3A_1032 : f32 to vector<16xf32>
            %add3A_1034 = arith.addf %sub3A_1031, %add3A_1033 : vector<16xf32>
            %div3A_1035 = arith.divf %mul3A_1025, %add3A_1034 : vector<16xf32>
            %get3A_1036 = arith.constant 48 : index
            %get3A_1037 = tpu.vector_load %arg21[%get3A_1036] {strides = array<i32>} : memref<304xf32, #tpu.memory_space<vmem>>, vector<16xf32>,
            %get3A_1038 = arith.constant 48 : index
            %get3A_1039 = tpu.vector_load %arg22[%get3A_1038] {strides = array<i32>} : memref<304xf32, #tpu.memory_space<vmem>>, vector<16xf32>,
            %get3A_1040 = arith.constant 48 : index
            %get3A_1041 = tpu.vector_load %arg23[%get3A_1040] {strides = array<i32>} : memref<304xf32, #tpu.memory_space<vmem>>, vector<16xf32>,
            %get3A_1042 = arith.constant 48 : index
            %get3A_1043 = tpu.vector_load %arg24[%get3A_1042] {strides = array<i32>} : memref<304xf32, #tpu.memory_space<vmem>>, vector<16xf32>,
            %max3A_1044 = vector.broadcast %reduce_sum3A_670 : f32 to vector<16xf32>
            %max3A_1045 = arith.maximumf %get3A_1037, %max3A_1044 : vector<16xf32>
            %max3A_1046 = vector.broadcast %reduce_sum3A_679 : f32 to vector<16xf32>
            %max3A_1047 = arith.maximumf %get3A_1039, %max3A_1046 : vector<16xf32>
            %min3A_1048 = vector.broadcast %reduce_sum3A_688 : f32 to vector<16xf32>
            %min3A_1049 = arith.minimumf %get3A_1041, %min3A_1048 : vector<16xf32>
            %min3A_1050 = vector.broadcast %reduce_sum3A_697 : f32 to vector<16xf32>
            %min3A_1051 = arith.minimumf %get3A_1043, %min3A_1050 : vector<16xf32>
            %sub3A_1052 = arith.subf %min3A_1049, %max3A_1045 : vector<16xf32>
            %max3A_1053 = arith.constant 0.000000e+00 : f32
            %max3A_1054 = vector.broadcast %max3A_1053 : f32 to vector<16xf32>
            %max3A_1055 = arith.maximumf %sub3A_1052, %max3A_1054 : vector<16xf32>
            %sub3A_1056 = arith.subf %min3A_1051, %max3A_1047 : vector<16xf32>
            %max3A_1057 = arith.constant 0.000000e+00 : f32
            %max3A_1058 = vector.broadcast %max3A_1057 : f32 to vector<16xf32>
            %max3A_1059 = arith.maximumf %sub3A_1056, %max3A_1058 : vector<16xf32>
            %mul3A_1060 = arith.mulf %max3A_1055, %max3A_1059 : vector<16xf32>
            %sub3A_1061 = arith.subf %get3A_1041, %get3A_1037 : vector<16xf32>
            %sub3A_1062 = arith.subf %get3A_1043, %get3A_1039 : vector<16xf32>
            %mul3A_1063 = arith.mulf %sub3A_1061, %sub3A_1062 : vector<16xf32>
            %add3A_1064 = vector.broadcast %mul3A_700 : f32 to vector<16xf32>
            %add3A_1065 = arith.addf %mul3A_1063, %add3A_1064 : vector<16xf32>
            %sub3A_1066 = arith.subf %add3A_1065, %mul3A_1060 : vector<16xf32>
            %add3A_1067 = arith.constant 9.99999971E-10 : f32
            %add3A_1068 = vector.broadcast %add3A_1067 : f32 to vector<16xf32>
            %add3A_1069 = arith.addf %sub3A_1066, %add3A_1068 : vector<16xf32>
            %div3A_1070 = arith.divf %mul3A_1060, %add3A_1069 : vector<16xf32>
            %get3A_1071 = arith.constant 64 : index
            %get3A_1072 = tpu.vector_load %arg21[%get3A_1071] {strides = array<i32>} : memref<304xf32, #tpu.memory_space<vmem>>, vector<16xf32>,
            %get3A_1073 = arith.constant 64 : index
            %get3A_1074 = tpu.vector_load %arg22[%get3A_1073] {strides = array<i32>} : memref<304xf32, #tpu.memory_space<vmem>>, vector<16xf32>,
            %get3A_1075 = arith.constant 64 : index
            %get3A_1076 = tpu.vector_load %arg23[%get3A_1075] {strides = array<i32>} : memref<304xf32, #tpu.memory_space<vmem>>, vector<16xf32>,
            %get3A_1077 = arith.constant 64 : index
            %get3A_1078 = tpu.vector_load %arg24[%get3A_1077] {strides = array<i32>} : memref<304xf32, #tpu.memory_space<vmem>>, vector<16xf32>,
            %max3A_1079 = vector.broadcast %reduce_sum3A_670 : f32 to vector<16xf32>
            %max3A_1080 = arith.maximumf %get3A_1072, %max3A_1079 : vector<16xf32>
            %max3A_1081 = vector.broadcast %reduce_sum3A_679 : f32 to vector<16xf32>
            %max3A_1082 = arith.maximumf %get3A_1074, %max3A_1081 : vector<16xf32>
            %min3A_1083 = vector.broadcast %reduce_sum3A_688 : f32 to vector<16xf32>
            %min3A_1084 = arith.minimumf %get3A_1076, %min3A_1083 : vector<16xf32>
            %min3A_1085 = vector.broadcast %reduce_sum3A_697 : f32 to vector<16xf32>
            %min3A_1086 = arith.minimumf %get3A_1078, %min3A_1085 : vector<16xf32>
            %sub3A_1087 = arith.subf %min3A_1084, %max3A_1080 : vector<16xf32>
            %max3A_1088 = arith.constant 0.000000e+00 : f32
            %max3A_1089 = vector.broadcast %max3A_1088 : f32 to vector<16xf32>
            %max3A_1090 = arith.maximumf %sub3A_1087, %max3A_1089 : vector<16xf32>
            %sub3A_1091 = arith.subf %min3A_1086, %max3A_1082 : vector<16xf32>
            %max3A_1092 = arith.constant 0.000000e+00 : f32
            %max3A_1093 = vector.broadcast %max3A_1092 : f32 to vector<16xf32>
            %max3A_1094 = arith.maximumf %sub3A_1091, %max3A_1093 : vector<16xf32>
            %mul3A_1095 = arith.mulf %max3A_1090, %max3A_1094 : vector<16xf32>
            %sub3A_1096 = arith.subf %get3A_1076, %get3A_1072 : vector<16xf32>
            %sub3A_1097 = arith.subf %get3A_1078, %get3A_1074 : vector<16xf32>
            %mul3A_1098 = arith.mulf %sub3A_1096, %sub3A_1097 : vector<16xf32>
            %add3A_1099 = vector.broadcast %mul3A_700 : f32 to vector<16xf32>
            %add3A_1100 = arith.addf %mul3A_1098, %add3A_1099 : vector<16xf32>
            %sub3A_1101 = arith.subf %add3A_1100, %mul3A_1095 : vector<16xf32>
            %add3A_1102 = arith.constant 9.99999971E-10 : f32
            %add3A_1103 = vector.broadcast %add3A_1102 : f32 to vector<16xf32>
            %add3A_1104 = arith.addf %sub3A_1101, %add3A_1103 : vector<16xf32>
            %div3A_1105 = arith.divf %mul3A_1095, %add3A_1104 : vector<16xf32>
            %max3A_1106 = arith.maximumf %div3A_965, %div3A_1000 : vector<16xf32>
            %max3A_1107 = arith.maximumf %div3A_1035, %div3A_1070 : vector<16xf32>
            %max3A_1108 = arith.maximumf %max3A_1106, %max3A_1107 : vector<16xf32>
            %max3A_1109 = arith.maximumf %max3A_1108, %div3A_1105 : vector<16xf32>
            %reduce_max3A_1110 = arith.constant true
            %reduce_max3A_1111 = vector.broadcast %reduce_max3A_1110 : i1 to vector<16xi1>
            %reduce_max3A_1112 = tpu.scan <max>, %max3A_1109 masked %reduce_max3A_1111 : vector<16xf32>, vector<16xi1> -> vector<16xf32>
            %reduce_max3A_1113 = vector.extract %reduce_max3A_1112[15] : f32 from vector<16xf32>
            %gt3A_1114 = arith.constant 80 : i32
            %gt3A_1115 = arith.cmpi sgt, %scan3A_236, %gt3A_1114 : i32
            %convert_element_type3A_1116 = arith.extui %gt3A_1115 : i1 to i32
            %cond3A_1117 = arith.constant 0 : i32
            %cond3A_1118 = arith.cmpi ne, %convert_element_type3A_1116, %cond3A_1117 : i32
            %cond3A_1119 = scf.if %cond3A_1118 -> (f32) {
              %get3A_1146 = arith.constant 80 : index
              %get3A_1147 = tpu.vector_load %arg21[%get3A_1146] {strides = array<i32>} : memref<304xf32, #tpu.memory_space<vmem>>, vector<16xf32>,
              %get3A_1148 = arith.constant 80 : index
              %get3A_1149 = tpu.vector_load %arg22[%get3A_1148] {strides = array<i32>} : memref<304xf32, #tpu.memory_space<vmem>>, vector<16xf32>,
              %get3A_1150 = arith.constant 80 : index
              %get3A_1151 = tpu.vector_load %arg23[%get3A_1150] {strides = array<i32>} : memref<304xf32, #tpu.memory_space<vmem>>, vector<16xf32>,
              %get3A_1152 = arith.constant 80 : index
              %get3A_1153 = tpu.vector_load %arg24[%get3A_1152] {strides = array<i32>} : memref<304xf32, #tpu.memory_space<vmem>>, vector<16xf32>,
              %max3A_1154 = vector.broadcast %reduce_sum3A_670 : f32 to vector<16xf32>
              %max3A_1155 = arith.maximumf %get3A_1147, %max3A_1154 : vector<16xf32>
              %max3A_1156 = vector.broadcast %reduce_sum3A_679 : f32 to vector<16xf32>
              %max3A_1157 = arith.maximumf %get3A_1149, %max3A_1156 : vector<16xf32>
              %min3A_1158 = vector.broadcast %reduce_sum3A_688 : f32 to vector<16xf32>
              %min3A_1159 = arith.minimumf %get3A_1151, %min3A_1158 : vector<16xf32>
              %min3A_1160 = vector.broadcast %reduce_sum3A_697 : f32 to vector<16xf32>
              %min3A_1161 = arith.minimumf %get3A_1153, %min3A_1160 : vector<16xf32>
              %sub3A_1162 = arith.subf %min3A_1159, %max3A_1155 : vector<16xf32>
              %max3A_1163 = arith.constant 0.000000e+00 : f32
              %max3A_1164 = vector.broadcast %max3A_1163 : f32 to vector<16xf32>
              %max3A_1165 = arith.maximumf %sub3A_1162, %max3A_1164 : vector<16xf32>
              %sub3A_1166 = arith.subf %min3A_1161, %max3A_1157 : vector<16xf32>
              %max3A_1167 = arith.constant 0.000000e+00 : f32
              %max3A_1168 = vector.broadcast %max3A_1167 : f32 to vector<16xf32>
              %max3A_1169 = arith.maximumf %sub3A_1166, %max3A_1168 : vector<16xf32>
              %mul3A_1170 = arith.mulf %max3A_1165, %max3A_1169 : vector<16xf32>
              %sub3A_1171 = arith.subf %get3A_1151, %get3A_1147 : vector<16xf32>
              %sub3A_1172 = arith.subf %get3A_1153, %get3A_1149 : vector<16xf32>
              %mul3A_1173 = arith.mulf %sub3A_1171, %sub3A_1172 : vector<16xf32>
              %add3A_1174 = vector.broadcast %mul3A_700 : f32 to vector<16xf32>
              %add3A_1175 = arith.addf %mul3A_1173, %add3A_1174 : vector<16xf32>
              %sub3A_1176 = arith.subf %add3A_1175, %mul3A_1170 : vector<16xf32>
              %add3A_1177 = arith.constant 9.99999971E-10 : f32
              %add3A_1178 = vector.broadcast %add3A_1177 : f32 to vector<16xf32>
              %add3A_1179 = arith.addf %sub3A_1176, %add3A_1178 : vector<16xf32>
              %div3A_1180 = arith.divf %mul3A_1170, %add3A_1179 : vector<16xf32>
              %get3A_1181 = arith.constant 96 : index
              %get3A_1182 = tpu.vector_load %arg21[%get3A_1181] {strides = array<i32>} : memref<304xf32, #tpu.memory_space<vmem>>, vector<16xf32>,
              %get3A_1183 = arith.constant 96 : index
              %get3A_1184 = tpu.vector_load %arg22[%get3A_1183] {strides = array<i32>} : memref<304xf32, #tpu.memory_space<vmem>>, vector<16xf32>,
              %get3A_1185 = arith.constant 96 : index
              %get3A_1186 = tpu.vector_load %arg23[%get3A_1185] {strides = array<i32>} : memref<304xf32, #tpu.memory_space<vmem>>, vector<16xf32>,
              %get3A_1187 = arith.constant 96 : index
              %get3A_1188 = tpu.vector_load %arg24[%get3A_1187] {strides = array<i32>} : memref<304xf32, #tpu.memory_space<vmem>>, vector<16xf32>,
              %max3A_1189 = vector.broadcast %reduce_sum3A_670 : f32 to vector<16xf32>
              %max3A_1190 = arith.maximumf %get3A_1182, %max3A_1189 : vector<16xf32>
              %max3A_1191 = vector.broadcast %reduce_sum3A_679 : f32 to vector<16xf32>
              %max3A_1192 = arith.maximumf %get3A_1184, %max3A_1191 : vector<16xf32>
              %min3A_1193 = vector.broadcast %reduce_sum3A_688 : f32 to vector<16xf32>
              %min3A_1194 = arith.minimumf %get3A_1186, %min3A_1193 : vector<16xf32>
              %min3A_1195 = vector.broadcast %reduce_sum3A_697 : f32 to vector<16xf32>
              %min3A_1196 = arith.minimumf %get3A_1188, %min3A_1195 : vector<16xf32>
              %sub3A_1197 = arith.subf %min3A_1194, %max3A_1190 : vector<16xf32>
              %max3A_1198 = arith.constant 0.000000e+00 : f32
              %max3A_1199 = vector.broadcast %max3A_1198 : f32 to vector<16xf32>
              %max3A_1200 = arith.maximumf %sub3A_1197, %max3A_1199 : vector<16xf32>
              %sub3A_1201 = arith.subf %min3A_1196, %max3A_1192 : vector<16xf32>
              %max3A_1202 = arith.constant 0.000000e+00 : f32
              %max3A_1203 = vector.broadcast %max3A_1202 : f32 to vector<16xf32>
              %max3A_1204 = arith.maximumf %sub3A_1201, %max3A_1203 : vector<16xf32>
              %mul3A_1205 = arith.mulf %max3A_1200, %max3A_1204 : vector<16xf32>
              %sub3A_1206 = arith.subf %get3A_1186, %get3A_1182 : vector<16xf32>
              %sub3A_1207 = arith.subf %get3A_1188, %get3A_1184 : vector<16xf32>
              %mul3A_1208 = arith.mulf %sub3A_1206, %sub3A_1207 : vector<16xf32>
              %add3A_1209 = vector.broadcast %mul3A_700 : f32 to vector<16xf32>
              %add3A_1210 = arith.addf %mul3A_1208, %add3A_1209 : vector<16xf32>
              %sub3A_1211 = arith.subf %add3A_1210, %mul3A_1205 : vector<16xf32>
              %add3A_1212 = arith.constant 9.99999971E-10 : f32
              %add3A_1213 = vector.broadcast %add3A_1212 : f32 to vector<16xf32>
              %add3A_1214 = arith.addf %sub3A_1211, %add3A_1213 : vector<16xf32>
              %div3A_1215 = arith.divf %mul3A_1205, %add3A_1214 : vector<16xf32>
              %get3A_1216 = arith.constant 112 : index
              %get3A_1217 = tpu.vector_load %arg21[%get3A_1216] {strides = array<i32>} : memref<304xf32, #tpu.memory_space<vmem>>, vector<16xf32>,
              %get3A_1218 = arith.constant 112 : index
              %get3A_1219 = tpu.vector_load %arg22[%get3A_1218] {strides = array<i32>} : memref<304xf32, #tpu.memory_space<vmem>>, vector<16xf32>,
              %get3A_1220 = arith.constant 112 : index
              %get3A_1221 = tpu.vector_load %arg23[%get3A_1220] {strides = array<i32>} : memref<304xf32, #tpu.memory_space<vmem>>, vector<16xf32>,
              %get3A_1222 = arith.constant 112 : index
              %get3A_1223 = tpu.vector_load %arg24[%get3A_1222] {strides = array<i32>} : memref<304xf32, #tpu.memory_space<vmem>>, vector<16xf32>,
              %max3A_1224 = vector.broadcast %reduce_sum3A_670 : f32 to vector<16xf32>
              %max3A_1225 = arith.maximumf %get3A_1217, %max3A_1224 : vector<16xf32>
              %max3A_1226 = vector.broadcast %reduce_sum3A_679 : f32 to vector<16xf32>
              %max3A_1227 = arith.maximumf %get3A_1219, %max3A_1226 : vector<16xf32>
              %min3A_1228 = vector.broadcast %reduce_sum3A_688 : f32 to vector<16xf32>
              %min3A_1229 = arith.minimumf %get3A_1221, %min3A_1228 : vector<16xf32>
              %min3A_1230 = vector.broadcast %reduce_sum3A_697 : f32 to vector<16xf32>
              %min3A_1231 = arith.minimumf %get3A_1223, %min3A_1230 : vector<16xf32>
              %sub3A_1232 = arith.subf %min3A_1229, %max3A_1225 : vector<16xf32>
              %max3A_1233 = arith.constant 0.000000e+00 : f32
              %max3A_1234 = vector.broadcast %max3A_1233 : f32 to vector<16xf32>
              %max3A_1235 = arith.maximumf %sub3A_1232, %max3A_1234 : vector<16xf32>
              %sub3A_1236 = arith.subf %min3A_1231, %max3A_1227 : vector<16xf32>
              %max3A_1237 = arith.constant 0.000000e+00 : f32
              %max3A_1238 = vector.broadcast %max3A_1237 : f32 to vector<16xf32>
              %max3A_1239 = arith.maximumf %sub3A_1236, %max3A_1238 : vector<16xf32>
              %mul3A_1240 = arith.mulf %max3A_1235, %max3A_1239 : vector<16xf32>
              %sub3A_1241 = arith.subf %get3A_1221, %get3A_1217 : vector<16xf32>
              %sub3A_1242 = arith.subf %get3A_1223, %get3A_1219 : vector<16xf32>
              %mul3A_1243 = arith.mulf %sub3A_1241, %sub3A_1242 : vector<16xf32>
              %add3A_1244 = vector.broadcast %mul3A_700 : f32 to vector<16xf32>
              %add3A_1245 = arith.addf %mul3A_1243, %add3A_1244 : vector<16xf32>
              %sub3A_1246 = arith.subf %add3A_1245, %mul3A_1240 : vector<16xf32>
              %add3A_1247 = arith.constant 9.99999971E-10 : f32
              %add3A_1248 = vector.broadcast %add3A_1247 : f32 to vector<16xf32>
              %add3A_1249 = arith.addf %sub3A_1246, %add3A_1248 : vector<16xf32>
              %div3A_1250 = arith.divf %mul3A_1240, %add3A_1249 : vector<16xf32>
              %get3A_1251 = arith.constant 128 : index
              %get3A_1252 = tpu.vector_load %arg21[%get3A_1251] {strides = array<i32>} : memref<304xf32, #tpu.memory_space<vmem>>, vector<16xf32>,
              %get3A_1253 = arith.constant 128 : index
              %get3A_1254 = tpu.vector_load %arg22[%get3A_1253] {strides = array<i32>} : memref<304xf32, #tpu.memory_space<vmem>>, vector<16xf32>,
              %get3A_1255 = arith.constant 128 : index
              %get3A_1256 = tpu.vector_load %arg23[%get3A_1255] {strides = array<i32>} : memref<304xf32, #tpu.memory_space<vmem>>, vector<16xf32>,
              %get3A_1257 = arith.constant 128 : index
              %get3A_1258 = tpu.vector_load %arg24[%get3A_1257] {strides = array<i32>} : memref<304xf32, #tpu.memory_space<vmem>>, vector<16xf32>,
              %max3A_1259 = vector.broadcast %reduce_sum3A_670 : f32 to vector<16xf32>
              %max3A_1260 = arith.maximumf %get3A_1252, %max3A_1259 : vector<16xf32>
              %max3A_1261 = vector.broadcast %reduce_sum3A_679 : f32 to vector<16xf32>
              %max3A_1262 = arith.maximumf %get3A_1254, %max3A_1261 : vector<16xf32>
              %min3A_1263 = vector.broadcast %reduce_sum3A_688 : f32 to vector<16xf32>
              %min3A_1264 = arith.minimumf %get3A_1256, %min3A_1263 : vector<16xf32>
              %min3A_1265 = vector.broadcast %reduce_sum3A_697 : f32 to vector<16xf32>
              %min3A_1266 = arith.minimumf %get3A_1258, %min3A_1265 : vector<16xf32>
              %sub3A_1267 = arith.subf %min3A_1264, %max3A_1260 : vector<16xf32>
              %max3A_1268 = arith.constant 0.000000e+00 : f32
              %max3A_1269 = vector.broadcast %max3A_1268 : f32 to vector<16xf32>
              %max3A_1270 = arith.maximumf %sub3A_1267, %max3A_1269 : vector<16xf32>
              %sub3A_1271 = arith.subf %min3A_1266, %max3A_1262 : vector<16xf32>
              %max3A_1272 = arith.constant 0.000000e+00 : f32
              %max3A_1273 = vector.broadcast %max3A_1272 : f32 to vector<16xf32>
              %max3A_1274 = arith.maximumf %sub3A_1271, %max3A_1273 : vector<16xf32>
              %mul3A_1275 = arith.mulf %max3A_1270, %max3A_1274 : vector<16xf32>
              %sub3A_1276 = arith.subf %get3A_1256, %get3A_1252 : vector<16xf32>
              %sub3A_1277 = arith.subf %get3A_1258, %get3A_1254 : vector<16xf32>
              %mul3A_1278 = arith.mulf %sub3A_1276, %sub3A_1277 : vector<16xf32>
              %add3A_1279 = vector.broadcast %mul3A_700 : f32 to vector<16xf32>
              %add3A_1280 = arith.addf %mul3A_1278, %add3A_1279 : vector<16xf32>
              %sub3A_1281 = arith.subf %add3A_1280, %mul3A_1275 : vector<16xf32>
              %add3A_1282 = arith.constant 9.99999971E-10 : f32
              %add3A_1283 = vector.broadcast %add3A_1282 : f32 to vector<16xf32>
              %add3A_1284 = arith.addf %sub3A_1281, %add3A_1283 : vector<16xf32>
              %div3A_1285 = arith.divf %mul3A_1275, %add3A_1284 : vector<16xf32>
              %get3A_1286 = arith.constant 144 : index
              %get3A_1287 = tpu.vector_load %arg21[%get3A_1286] {strides = array<i32>} : memref<304xf32, #tpu.memory_space<vmem>>, vector<16xf32>,
              %get3A_1288 = arith.constant 144 : index
              %get3A_1289 = tpu.vector_load %arg22[%get3A_1288] {strides = array<i32>} : memref<304xf32, #tpu.memory_space<vmem>>, vector<16xf32>,
              %get3A_1290 = arith.constant 144 : index
              %get3A_1291 = tpu.vector_load %arg23[%get3A_1290] {strides = array<i32>} : memref<304xf32, #tpu.memory_space<vmem>>, vector<16xf32>,
              %get3A_1292 = arith.constant 144 : index
              %get3A_1293 = tpu.vector_load %arg24[%get3A_1292] {strides = array<i32>} : memref<304xf32, #tpu.memory_space<vmem>>, vector<16xf32>,
              %max3A_1294 = vector.broadcast %reduce_sum3A_670 : f32 to vector<16xf32>
              %max3A_1295 = arith.maximumf %get3A_1287, %max3A_1294 : vector<16xf32>
              %max3A_1296 = vector.broadcast %reduce_sum3A_679 : f32 to vector<16xf32>
              %max3A_1297 = arith.maximumf %get3A_1289, %max3A_1296 : vector<16xf32>
              %min3A_1298 = vector.broadcast %reduce_sum3A_688 : f32 to vector<16xf32>
              %min3A_1299 = arith.minimumf %get3A_1291, %min3A_1298 : vector<16xf32>
              %min3A_1300 = vector.broadcast %reduce_sum3A_697 : f32 to vector<16xf32>
              %min3A_1301 = arith.minimumf %get3A_1293, %min3A_1300 : vector<16xf32>
              %sub3A_1302 = arith.subf %min3A_1299, %max3A_1295 : vector<16xf32>
              %max3A_1303 = arith.constant 0.000000e+00 : f32
              %max3A_1304 = vector.broadcast %max3A_1303 : f32 to vector<16xf32>
              %max3A_1305 = arith.maximumf %sub3A_1302, %max3A_1304 : vector<16xf32>
              %sub3A_1306 = arith.subf %min3A_1301, %max3A_1297 : vector<16xf32>
              %max3A_1307 = arith.constant 0.000000e+00 : f32
              %max3A_1308 = vector.broadcast %max3A_1307 : f32 to vector<16xf32>
              %max3A_1309 = arith.maximumf %sub3A_1306, %max3A_1308 : vector<16xf32>
              %mul3A_1310 = arith.mulf %max3A_1305, %max3A_1309 : vector<16xf32>
              %sub3A_1311 = arith.subf %get3A_1291, %get3A_1287 : vector<16xf32>
              %sub3A_1312 = arith.subf %get3A_1293, %get3A_1289 : vector<16xf32>
              %mul3A_1313 = arith.mulf %sub3A_1311, %sub3A_1312 : vector<16xf32>
              %add3A_1314 = vector.broadcast %mul3A_700 : f32 to vector<16xf32>
              %add3A_1315 = arith.addf %mul3A_1313, %add3A_1314 : vector<16xf32>
              %sub3A_1316 = arith.subf %add3A_1315, %mul3A_1310 : vector<16xf32>
              %add3A_1317 = arith.constant 9.99999971E-10 : f32
              %add3A_1318 = vector.broadcast %add3A_1317 : f32 to vector<16xf32>
              %add3A_1319 = arith.addf %sub3A_1316, %add3A_1318 : vector<16xf32>
              %div3A_1320 = arith.divf %mul3A_1310, %add3A_1319 : vector<16xf32>
              %max3A_1321 = arith.maximumf %div3A_1180, %div3A_1215 : vector<16xf32>
              %max3A_1322 = arith.maximumf %div3A_1250, %div3A_1285 : vector<16xf32>
              %max3A_1323 = arith.maximumf %max3A_1321, %max3A_1322 : vector<16xf32>
              %max3A_1324 = arith.maximumf %max3A_1323, %div3A_1320 : vector<16xf32>
              %reduce_max3A_1325 = arith.constant true
              %reduce_max3A_1326 = vector.broadcast %reduce_max3A_1325 : i1 to vector<16xi1>
              %reduce_max3A_1327 = tpu.scan <max>, %max3A_1324 masked %reduce_max3A_1326 : vector<16xf32>, vector<16xi1> -> vector<16xf32>
              %reduce_max3A_1328 = vector.extract %reduce_max3A_1327[15] : f32 from vector<16xf32>
              %max3A_1329 = arith.maximumf %reduce_max3A_1113, %reduce_max3A_1328 : f32
              scf.yield %max3A_1329 : f32
            } else {
              scf.yield %reduce_max3A_1113 : f32
            }
            %gt3A_1120 = arith.constant 160 : i32
            %gt3A_1121 = arith.cmpi sgt, %scan3A_236, %gt3A_1120 : i32
            %convert_element_type3A_1122 = arith.extui %gt3A_1121 : i1 to i32
            %cond3A_1123 = arith.constant 0 : i32
            %cond3A_1124 = arith.cmpi ne, %convert_element_type3A_1122, %cond3A_1123 : i32
            %cond3A_1125 = scf.if %cond3A_1124 -> (f32) {
              %get3A_1146 = arith.constant 160 : index
              %get3A_1147 = tpu.vector_load %arg21[%get3A_1146] {strides = array<i32>} : memref<304xf32, #tpu.memory_space<vmem>>, vector<16xf32>,
              %get3A_1148 = arith.constant 160 : index
              %get3A_1149 = tpu.vector_load %arg22[%get3A_1148] {strides = array<i32>} : memref<304xf32, #tpu.memory_space<vmem>>, vector<16xf32>,
              %get3A_1150 = arith.constant 160 : index
              %get3A_1151 = tpu.vector_load %arg23[%get3A_1150] {strides = array<i32>} : memref<304xf32, #tpu.memory_space<vmem>>, vector<16xf32>,
              %get3A_1152 = arith.constant 160 : index
              %get3A_1153 = tpu.vector_load %arg24[%get3A_1152] {strides = array<i32>} : memref<304xf32, #tpu.memory_space<vmem>>, vector<16xf32>,
              %max3A_1154 = vector.broadcast %reduce_sum3A_670 : f32 to vector<16xf32>
              %max3A_1155 = arith.maximumf %get3A_1147, %max3A_1154 : vector<16xf32>
              %max3A_1156 = vector.broadcast %reduce_sum3A_679 : f32 to vector<16xf32>
              %max3A_1157 = arith.maximumf %get3A_1149, %max3A_1156 : vector<16xf32>
              %min3A_1158 = vector.broadcast %reduce_sum3A_688 : f32 to vector<16xf32>
              %min3A_1159 = arith.minimumf %get3A_1151, %min3A_1158 : vector<16xf32>
              %min3A_1160 = vector.broadcast %reduce_sum3A_697 : f32 to vector<16xf32>
              %min3A_1161 = arith.minimumf %get3A_1153, %min3A_1160 : vector<16xf32>
              %sub3A_1162 = arith.subf %min3A_1159, %max3A_1155 : vector<16xf32>
              %max3A_1163 = arith.constant 0.000000e+00 : f32
              %max3A_1164 = vector.broadcast %max3A_1163 : f32 to vector<16xf32>
              %max3A_1165 = arith.maximumf %sub3A_1162, %max3A_1164 : vector<16xf32>
              %sub3A_1166 = arith.subf %min3A_1161, %max3A_1157 : vector<16xf32>
              %max3A_1167 = arith.constant 0.000000e+00 : f32
              %max3A_1168 = vector.broadcast %max3A_1167 : f32 to vector<16xf32>
              %max3A_1169 = arith.maximumf %sub3A_1166, %max3A_1168 : vector<16xf32>
              %mul3A_1170 = arith.mulf %max3A_1165, %max3A_1169 : vector<16xf32>
              %sub3A_1171 = arith.subf %get3A_1151, %get3A_1147 : vector<16xf32>
              %sub3A_1172 = arith.subf %get3A_1153, %get3A_1149 : vector<16xf32>
              %mul3A_1173 = arith.mulf %sub3A_1171, %sub3A_1172 : vector<16xf32>
              %add3A_1174 = vector.broadcast %mul3A_700 : f32 to vector<16xf32>
              %add3A_1175 = arith.addf %mul3A_1173, %add3A_1174 : vector<16xf32>
              %sub3A_1176 = arith.subf %add3A_1175, %mul3A_1170 : vector<16xf32>
              %add3A_1177 = arith.constant 9.99999971E-10 : f32
              %add3A_1178 = vector.broadcast %add3A_1177 : f32 to vector<16xf32>
              %add3A_1179 = arith.addf %sub3A_1176, %add3A_1178 : vector<16xf32>
              %div3A_1180 = arith.divf %mul3A_1170, %add3A_1179 : vector<16xf32>
              %get3A_1181 = arith.constant 176 : index
              %get3A_1182 = tpu.vector_load %arg21[%get3A_1181] {strides = array<i32>} : memref<304xf32, #tpu.memory_space<vmem>>, vector<16xf32>,
              %get3A_1183 = arith.constant 176 : index
              %get3A_1184 = tpu.vector_load %arg22[%get3A_1183] {strides = array<i32>} : memref<304xf32, #tpu.memory_space<vmem>>, vector<16xf32>,
              %get3A_1185 = arith.constant 176 : index
              %get3A_1186 = tpu.vector_load %arg23[%get3A_1185] {strides = array<i32>} : memref<304xf32, #tpu.memory_space<vmem>>, vector<16xf32>,
              %get3A_1187 = arith.constant 176 : index
              %get3A_1188 = tpu.vector_load %arg24[%get3A_1187] {strides = array<i32>} : memref<304xf32, #tpu.memory_space<vmem>>, vector<16xf32>,
              %max3A_1189 = vector.broadcast %reduce_sum3A_670 : f32 to vector<16xf32>
              %max3A_1190 = arith.maximumf %get3A_1182, %max3A_1189 : vector<16xf32>
              %max3A_1191 = vector.broadcast %reduce_sum3A_679 : f32 to vector<16xf32>
              %max3A_1192 = arith.maximumf %get3A_1184, %max3A_1191 : vector<16xf32>
              %min3A_1193 = vector.broadcast %reduce_sum3A_688 : f32 to vector<16xf32>
              %min3A_1194 = arith.minimumf %get3A_1186, %min3A_1193 : vector<16xf32>
              %min3A_1195 = vector.broadcast %reduce_sum3A_697 : f32 to vector<16xf32>
              %min3A_1196 = arith.minimumf %get3A_1188, %min3A_1195 : vector<16xf32>
              %sub3A_1197 = arith.subf %min3A_1194, %max3A_1190 : vector<16xf32>
              %max3A_1198 = arith.constant 0.000000e+00 : f32
              %max3A_1199 = vector.broadcast %max3A_1198 : f32 to vector<16xf32>
              %max3A_1200 = arith.maximumf %sub3A_1197, %max3A_1199 : vector<16xf32>
              %sub3A_1201 = arith.subf %min3A_1196, %max3A_1192 : vector<16xf32>
              %max3A_1202 = arith.constant 0.000000e+00 : f32
              %max3A_1203 = vector.broadcast %max3A_1202 : f32 to vector<16xf32>
              %max3A_1204 = arith.maximumf %sub3A_1201, %max3A_1203 : vector<16xf32>
              %mul3A_1205 = arith.mulf %max3A_1200, %max3A_1204 : vector<16xf32>
              %sub3A_1206 = arith.subf %get3A_1186, %get3A_1182 : vector<16xf32>
              %sub3A_1207 = arith.subf %get3A_1188, %get3A_1184 : vector<16xf32>
              %mul3A_1208 = arith.mulf %sub3A_1206, %sub3A_1207 : vector<16xf32>
              %add3A_1209 = vector.broadcast %mul3A_700 : f32 to vector<16xf32>
              %add3A_1210 = arith.addf %mul3A_1208, %add3A_1209 : vector<16xf32>
              %sub3A_1211 = arith.subf %add3A_1210, %mul3A_1205 : vector<16xf32>
              %add3A_1212 = arith.constant 9.99999971E-10 : f32
              %add3A_1213 = vector.broadcast %add3A_1212 : f32 to vector<16xf32>
              %add3A_1214 = arith.addf %sub3A_1211, %add3A_1213 : vector<16xf32>
              %div3A_1215 = arith.divf %mul3A_1205, %add3A_1214 : vector<16xf32>
              %get3A_1216 = arith.constant 192 : index
              %get3A_1217 = tpu.vector_load %arg21[%get3A_1216] {strides = array<i32>} : memref<304xf32, #tpu.memory_space<vmem>>, vector<16xf32>,
              %get3A_1218 = arith.constant 192 : index
              %get3A_1219 = tpu.vector_load %arg22[%get3A_1218] {strides = array<i32>} : memref<304xf32, #tpu.memory_space<vmem>>, vector<16xf32>,
              %get3A_1220 = arith.constant 192 : index
              %get3A_1221 = tpu.vector_load %arg23[%get3A_1220] {strides = array<i32>} : memref<304xf32, #tpu.memory_space<vmem>>, vector<16xf32>,
              %get3A_1222 = arith.constant 192 : index
              %get3A_1223 = tpu.vector_load %arg24[%get3A_1222] {strides = array<i32>} : memref<304xf32, #tpu.memory_space<vmem>>, vector<16xf32>,
              %max3A_1224 = vector.broadcast %reduce_sum3A_670 : f32 to vector<16xf32>
              %max3A_1225 = arith.maximumf %get3A_1217, %max3A_1224 : vector<16xf32>
              %max3A_1226 = vector.broadcast %reduce_sum3A_679 : f32 to vector<16xf32>
              %max3A_1227 = arith.maximumf %get3A_1219, %max3A_1226 : vector<16xf32>
              %min3A_1228 = vector.broadcast %reduce_sum3A_688 : f32 to vector<16xf32>
              %min3A_1229 = arith.minimumf %get3A_1221, %min3A_1228 : vector<16xf32>
              %min3A_1230 = vector.broadcast %reduce_sum3A_697 : f32 to vector<16xf32>
              %min3A_1231 = arith.minimumf %get3A_1223, %min3A_1230 : vector<16xf32>
              %sub3A_1232 = arith.subf %min3A_1229, %max3A_1225 : vector<16xf32>
              %max3A_1233 = arith.constant 0.000000e+00 : f32
              %max3A_1234 = vector.broadcast %max3A_1233 : f32 to vector<16xf32>
              %max3A_1235 = arith.maximumf %sub3A_1232, %max3A_1234 : vector<16xf32>
              %sub3A_1236 = arith.subf %min3A_1231, %max3A_1227 : vector<16xf32>
              %max3A_1237 = arith.constant 0.000000e+00 : f32
              %max3A_1238 = vector.broadcast %max3A_1237 : f32 to vector<16xf32>
              %max3A_1239 = arith.maximumf %sub3A_1236, %max3A_1238 : vector<16xf32>
              %mul3A_1240 = arith.mulf %max3A_1235, %max3A_1239 : vector<16xf32>
              %sub3A_1241 = arith.subf %get3A_1221, %get3A_1217 : vector<16xf32>
              %sub3A_1242 = arith.subf %get3A_1223, %get3A_1219 : vector<16xf32>
              %mul3A_1243 = arith.mulf %sub3A_1241, %sub3A_1242 : vector<16xf32>
              %add3A_1244 = vector.broadcast %mul3A_700 : f32 to vector<16xf32>
              %add3A_1245 = arith.addf %mul3A_1243, %add3A_1244 : vector<16xf32>
              %sub3A_1246 = arith.subf %add3A_1245, %mul3A_1240 : vector<16xf32>
              %add3A_1247 = arith.constant 9.99999971E-10 : f32
              %add3A_1248 = vector.broadcast %add3A_1247 : f32 to vector<16xf32>
              %add3A_1249 = arith.addf %sub3A_1246, %add3A_1248 : vector<16xf32>
              %div3A_1250 = arith.divf %mul3A_1240, %add3A_1249 : vector<16xf32>
              %get3A_1251 = arith.constant 208 : index
              %get3A_1252 = tpu.vector_load %arg21[%get3A_1251] {strides = array<i32>} : memref<304xf32, #tpu.memory_space<vmem>>, vector<16xf32>,
              %get3A_1253 = arith.constant 208 : index
              %get3A_1254 = tpu.vector_load %arg22[%get3A_1253] {strides = array<i32>} : memref<304xf32, #tpu.memory_space<vmem>>, vector<16xf32>,
              %get3A_1255 = arith.constant 208 : index
              %get3A_1256 = tpu.vector_load %arg23[%get3A_1255] {strides = array<i32>} : memref<304xf32, #tpu.memory_space<vmem>>, vector<16xf32>,
              %get3A_1257 = arith.constant 208 : index
              %get3A_1258 = tpu.vector_load %arg24[%get3A_1257] {strides = array<i32>} : memref<304xf32, #tpu.memory_space<vmem>>, vector<16xf32>,
              %max3A_1259 = vector.broadcast %reduce_sum3A_670 : f32 to vector<16xf32>
              %max3A_1260 = arith.maximumf %get3A_1252, %max3A_1259 : vector<16xf32>
              %max3A_1261 = vector.broadcast %reduce_sum3A_679 : f32 to vector<16xf32>
              %max3A_1262 = arith.maximumf %get3A_1254, %max3A_1261 : vector<16xf32>
              %min3A_1263 = vector.broadcast %reduce_sum3A_688 : f32 to vector<16xf32>
              %min3A_1264 = arith.minimumf %get3A_1256, %min3A_1263 : vector<16xf32>
              %min3A_1265 = vector.broadcast %reduce_sum3A_697 : f32 to vector<16xf32>
              %min3A_1266 = arith.minimumf %get3A_1258, %min3A_1265 : vector<16xf32>
              %sub3A_1267 = arith.subf %min3A_1264, %max3A_1260 : vector<16xf32>
              %max3A_1268 = arith.constant 0.000000e+00 : f32
              %max3A_1269 = vector.broadcast %max3A_1268 : f32 to vector<16xf32>
              %max3A_1270 = arith.maximumf %sub3A_1267, %max3A_1269 : vector<16xf32>
              %sub3A_1271 = arith.subf %min3A_1266, %max3A_1262 : vector<16xf32>
              %max3A_1272 = arith.constant 0.000000e+00 : f32
              %max3A_1273 = vector.broadcast %max3A_1272 : f32 to vector<16xf32>
              %max3A_1274 = arith.maximumf %sub3A_1271, %max3A_1273 : vector<16xf32>
              %mul3A_1275 = arith.mulf %max3A_1270, %max3A_1274 : vector<16xf32>
              %sub3A_1276 = arith.subf %get3A_1256, %get3A_1252 : vector<16xf32>
              %sub3A_1277 = arith.subf %get3A_1258, %get3A_1254 : vector<16xf32>
              %mul3A_1278 = arith.mulf %sub3A_1276, %sub3A_1277 : vector<16xf32>
              %add3A_1279 = vector.broadcast %mul3A_700 : f32 to vector<16xf32>
              %add3A_1280 = arith.addf %mul3A_1278, %add3A_1279 : vector<16xf32>
              %sub3A_1281 = arith.subf %add3A_1280, %mul3A_1275 : vector<16xf32>
              %add3A_1282 = arith.constant 9.99999971E-10 : f32
              %add3A_1283 = vector.broadcast %add3A_1282 : f32 to vector<16xf32>
              %add3A_1284 = arith.addf %sub3A_1281, %add3A_1283 : vector<16xf32>
              %div3A_1285 = arith.divf %mul3A_1275, %add3A_1284 : vector<16xf32>
              %get3A_1286 = arith.constant 224 : index
              %get3A_1287 = tpu.vector_load %arg21[%get3A_1286] {strides = array<i32>} : memref<304xf32, #tpu.memory_space<vmem>>, vector<16xf32>,
              %get3A_1288 = arith.constant 224 : index
              %get3A_1289 = tpu.vector_load %arg22[%get3A_1288] {strides = array<i32>} : memref<304xf32, #tpu.memory_space<vmem>>, vector<16xf32>,
              %get3A_1290 = arith.constant 224 : index
              %get3A_1291 = tpu.vector_load %arg23[%get3A_1290] {strides = array<i32>} : memref<304xf32, #tpu.memory_space<vmem>>, vector<16xf32>,
              %get3A_1292 = arith.constant 224 : index
              %get3A_1293 = tpu.vector_load %arg24[%get3A_1292] {strides = array<i32>} : memref<304xf32, #tpu.memory_space<vmem>>, vector<16xf32>,
              %max3A_1294 = vector.broadcast %reduce_sum3A_670 : f32 to vector<16xf32>
              %max3A_1295 = arith.maximumf %get3A_1287, %max3A_1294 : vector<16xf32>
              %max3A_1296 = vector.broadcast %reduce_sum3A_679 : f32 to vector<16xf32>
              %max3A_1297 = arith.maximumf %get3A_1289, %max3A_1296 : vector<16xf32>
              %min3A_1298 = vector.broadcast %reduce_sum3A_688 : f32 to vector<16xf32>
              %min3A_1299 = arith.minimumf %get3A_1291, %min3A_1298 : vector<16xf32>
              %min3A_1300 = vector.broadcast %reduce_sum3A_697 : f32 to vector<16xf32>
              %min3A_1301 = arith.minimumf %get3A_1293, %min3A_1300 : vector<16xf32>
              %sub3A_1302 = arith.subf %min3A_1299, %max3A_1295 : vector<16xf32>
              %max3A_1303 = arith.constant 0.000000e+00 : f32
              %max3A_1304 = vector.broadcast %max3A_1303 : f32 to vector<16xf32>
              %max3A_1305 = arith.maximumf %sub3A_1302, %max3A_1304 : vector<16xf32>
              %sub3A_1306 = arith.subf %min3A_1301, %max3A_1297 : vector<16xf32>
              %max3A_1307 = arith.constant 0.000000e+00 : f32
              %max3A_1308 = vector.broadcast %max3A_1307 : f32 to vector<16xf32>
              %max3A_1309 = arith.maximumf %sub3A_1306, %max3A_1308 : vector<16xf32>
              %mul3A_1310 = arith.mulf %max3A_1305, %max3A_1309 : vector<16xf32>
              %sub3A_1311 = arith.subf %get3A_1291, %get3A_1287 : vector<16xf32>
              %sub3A_1312 = arith.subf %get3A_1293, %get3A_1289 : vector<16xf32>
              %mul3A_1313 = arith.mulf %sub3A_1311, %sub3A_1312 : vector<16xf32>
              %add3A_1314 = vector.broadcast %mul3A_700 : f32 to vector<16xf32>
              %add3A_1315 = arith.addf %mul3A_1313, %add3A_1314 : vector<16xf32>
              %sub3A_1316 = arith.subf %add3A_1315, %mul3A_1310 : vector<16xf32>
              %add3A_1317 = arith.constant 9.99999971E-10 : f32
              %add3A_1318 = vector.broadcast %add3A_1317 : f32 to vector<16xf32>
              %add3A_1319 = arith.addf %sub3A_1316, %add3A_1318 : vector<16xf32>
              %div3A_1320 = arith.divf %mul3A_1310, %add3A_1319 : vector<16xf32>
              %max3A_1321 = arith.maximumf %div3A_1180, %div3A_1215 : vector<16xf32>
              %max3A_1322 = arith.maximumf %div3A_1250, %div3A_1285 : vector<16xf32>
              %max3A_1323 = arith.maximumf %max3A_1321, %max3A_1322 : vector<16xf32>
              %max3A_1324 = arith.maximumf %max3A_1323, %div3A_1320 : vector<16xf32>
              %reduce_max3A_1325 = arith.constant true
              %reduce_max3A_1326 = vector.broadcast %reduce_max3A_1325 : i1 to vector<16xi1>
              %reduce_max3A_1327 = tpu.scan <max>, %max3A_1324 masked %reduce_max3A_1326 : vector<16xf32>, vector<16xi1> -> vector<16xf32>
              %reduce_max3A_1328 = vector.extract %reduce_max3A_1327[15] : f32 from vector<16xf32>
              %max3A_1329 = arith.maximumf %cond3A_1119, %reduce_max3A_1328 : f32
              scf.yield %max3A_1329 : f32
            } else {
              scf.yield %cond3A_1119 : f32
            }
            %gt3A_1126 = arith.constant 240 : i32
            %gt3A_1127 = arith.cmpi sgt, %scan3A_236, %gt3A_1126 : i32
            %convert_element_type3A_1128 = arith.extui %gt3A_1127 : i1 to i32
            %cond3A_1129 = arith.constant 0 : i32
            %cond3A_1130 = arith.cmpi ne, %convert_element_type3A_1128, %cond3A_1129 : i32
            %cond3A_1131 = scf.if %cond3A_1130 -> (f32) {
              %get3A_1146 = arith.constant 240 : index
              %get3A_1147 = tpu.vector_load %arg21[%get3A_1146] {strides = array<i32>} : memref<304xf32, #tpu.memory_space<vmem>>, vector<16xf32>,
              %get3A_1148 = arith.constant 240 : index
              %get3A_1149 = tpu.vector_load %arg22[%get3A_1148] {strides = array<i32>} : memref<304xf32, #tpu.memory_space<vmem>>, vector<16xf32>,
              %get3A_1150 = arith.constant 240 : index
              %get3A_1151 = tpu.vector_load %arg23[%get3A_1150] {strides = array<i32>} : memref<304xf32, #tpu.memory_space<vmem>>, vector<16xf32>,
              %get3A_1152 = arith.constant 240 : index
              %get3A_1153 = tpu.vector_load %arg24[%get3A_1152] {strides = array<i32>} : memref<304xf32, #tpu.memory_space<vmem>>, vector<16xf32>,
              %max3A_1154 = vector.broadcast %reduce_sum3A_670 : f32 to vector<16xf32>
              %max3A_1155 = arith.maximumf %get3A_1147, %max3A_1154 : vector<16xf32>
              %max3A_1156 = vector.broadcast %reduce_sum3A_679 : f32 to vector<16xf32>
              %max3A_1157 = arith.maximumf %get3A_1149, %max3A_1156 : vector<16xf32>
              %min3A_1158 = vector.broadcast %reduce_sum3A_688 : f32 to vector<16xf32>
              %min3A_1159 = arith.minimumf %get3A_1151, %min3A_1158 : vector<16xf32>
              %min3A_1160 = vector.broadcast %reduce_sum3A_697 : f32 to vector<16xf32>
              %min3A_1161 = arith.minimumf %get3A_1153, %min3A_1160 : vector<16xf32>
              %sub3A_1162 = arith.subf %min3A_1159, %max3A_1155 : vector<16xf32>
              %max3A_1163 = arith.constant 0.000000e+00 : f32
              %max3A_1164 = vector.broadcast %max3A_1163 : f32 to vector<16xf32>
              %max3A_1165 = arith.maximumf %sub3A_1162, %max3A_1164 : vector<16xf32>
              %sub3A_1166 = arith.subf %min3A_1161, %max3A_1157 : vector<16xf32>
              %max3A_1167 = arith.constant 0.000000e+00 : f32
              %max3A_1168 = vector.broadcast %max3A_1167 : f32 to vector<16xf32>
              %max3A_1169 = arith.maximumf %sub3A_1166, %max3A_1168 : vector<16xf32>
              %mul3A_1170 = arith.mulf %max3A_1165, %max3A_1169 : vector<16xf32>
              %sub3A_1171 = arith.subf %get3A_1151, %get3A_1147 : vector<16xf32>
              %sub3A_1172 = arith.subf %get3A_1153, %get3A_1149 : vector<16xf32>
              %mul3A_1173 = arith.mulf %sub3A_1171, %sub3A_1172 : vector<16xf32>
              %add3A_1174 = vector.broadcast %mul3A_700 : f32 to vector<16xf32>
              %add3A_1175 = arith.addf %mul3A_1173, %add3A_1174 : vector<16xf32>
              %sub3A_1176 = arith.subf %add3A_1175, %mul3A_1170 : vector<16xf32>
              %add3A_1177 = arith.constant 9.99999971E-10 : f32
              %add3A_1178 = vector.broadcast %add3A_1177 : f32 to vector<16xf32>
              %add3A_1179 = arith.addf %sub3A_1176, %add3A_1178 : vector<16xf32>
              %div3A_1180 = arith.divf %mul3A_1170, %add3A_1179 : vector<16xf32>
              %get3A_1181 = arith.constant 256 : index
              %get3A_1182 = tpu.vector_load %arg21[%get3A_1181] {strides = array<i32>} : memref<304xf32, #tpu.memory_space<vmem>>, vector<16xf32>,
              %get3A_1183 = arith.constant 256 : index
              %get3A_1184 = tpu.vector_load %arg22[%get3A_1183] {strides = array<i32>} : memref<304xf32, #tpu.memory_space<vmem>>, vector<16xf32>,
              %get3A_1185 = arith.constant 256 : index
              %get3A_1186 = tpu.vector_load %arg23[%get3A_1185] {strides = array<i32>} : memref<304xf32, #tpu.memory_space<vmem>>, vector<16xf32>,
              %get3A_1187 = arith.constant 256 : index
              %get3A_1188 = tpu.vector_load %arg24[%get3A_1187] {strides = array<i32>} : memref<304xf32, #tpu.memory_space<vmem>>, vector<16xf32>,
              %max3A_1189 = vector.broadcast %reduce_sum3A_670 : f32 to vector<16xf32>
              %max3A_1190 = arith.maximumf %get3A_1182, %max3A_1189 : vector<16xf32>
              %max3A_1191 = vector.broadcast %reduce_sum3A_679 : f32 to vector<16xf32>
              %max3A_1192 = arith.maximumf %get3A_1184, %max3A_1191 : vector<16xf32>
              %min3A_1193 = vector.broadcast %reduce_sum3A_688 : f32 to vector<16xf32>
              %min3A_1194 = arith.minimumf %get3A_1186, %min3A_1193 : vector<16xf32>
              %min3A_1195 = vector.broadcast %reduce_sum3A_697 : f32 to vector<16xf32>
              %min3A_1196 = arith.minimumf %get3A_1188, %min3A_1195 : vector<16xf32>
              %sub3A_1197 = arith.subf %min3A_1194, %max3A_1190 : vector<16xf32>
              %max3A_1198 = arith.constant 0.000000e+00 : f32
              %max3A_1199 = vector.broadcast %max3A_1198 : f32 to vector<16xf32>
              %max3A_1200 = arith.maximumf %sub3A_1197, %max3A_1199 : vector<16xf32>
              %sub3A_1201 = arith.subf %min3A_1196, %max3A_1192 : vector<16xf32>
              %max3A_1202 = arith.constant 0.000000e+00 : f32
              %max3A_1203 = vector.broadcast %max3A_1202 : f32 to vector<16xf32>
              %max3A_1204 = arith.maximumf %sub3A_1201, %max3A_1203 : vector<16xf32>
              %mul3A_1205 = arith.mulf %max3A_1200, %max3A_1204 : vector<16xf32>
              %sub3A_1206 = arith.subf %get3A_1186, %get3A_1182 : vector<16xf32>
              %sub3A_1207 = arith.subf %get3A_1188, %get3A_1184 : vector<16xf32>
              %mul3A_1208 = arith.mulf %sub3A_1206, %sub3A_1207 : vector<16xf32>
              %add3A_1209 = vector.broadcast %mul3A_700 : f32 to vector<16xf32>
              %add3A_1210 = arith.addf %mul3A_1208, %add3A_1209 : vector<16xf32>
              %sub3A_1211 = arith.subf %add3A_1210, %mul3A_1205 : vector<16xf32>
              %add3A_1212 = arith.constant 9.99999971E-10 : f32
              %add3A_1213 = vector.broadcast %add3A_1212 : f32 to vector<16xf32>
              %add3A_1214 = arith.addf %sub3A_1211, %add3A_1213 : vector<16xf32>
              %div3A_1215 = arith.divf %mul3A_1205, %add3A_1214 : vector<16xf32>
              %get3A_1216 = arith.constant 272 : index
              %get3A_1217 = tpu.vector_load %arg21[%get3A_1216] {strides = array<i32>} : memref<304xf32, #tpu.memory_space<vmem>>, vector<16xf32>,
              %get3A_1218 = arith.constant 272 : index
              %get3A_1219 = tpu.vector_load %arg22[%get3A_1218] {strides = array<i32>} : memref<304xf32, #tpu.memory_space<vmem>>, vector<16xf32>,
              %get3A_1220 = arith.constant 272 : index
              %get3A_1221 = tpu.vector_load %arg23[%get3A_1220] {strides = array<i32>} : memref<304xf32, #tpu.memory_space<vmem>>, vector<16xf32>,
              %get3A_1222 = arith.constant 272 : index
              %get3A_1223 = tpu.vector_load %arg24[%get3A_1222] {strides = array<i32>} : memref<304xf32, #tpu.memory_space<vmem>>, vector<16xf32>,
              %max3A_1224 = vector.broadcast %reduce_sum3A_670 : f32 to vector<16xf32>
              %max3A_1225 = arith.maximumf %get3A_1217, %max3A_1224 : vector<16xf32>
              %max3A_1226 = vector.broadcast %reduce_sum3A_679 : f32 to vector<16xf32>
              %max3A_1227 = arith.maximumf %get3A_1219, %max3A_1226 : vector<16xf32>
              %min3A_1228 = vector.broadcast %reduce_sum3A_688 : f32 to vector<16xf32>
              %min3A_1229 = arith.minimumf %get3A_1221, %min3A_1228 : vector<16xf32>
              %min3A_1230 = vector.broadcast %reduce_sum3A_697 : f32 to vector<16xf32>
              %min3A_1231 = arith.minimumf %get3A_1223, %min3A_1230 : vector<16xf32>
              %sub3A_1232 = arith.subf %min3A_1229, %max3A_1225 : vector<16xf32>
              %max3A_1233 = arith.constant 0.000000e+00 : f32
              %max3A_1234 = vector.broadcast %max3A_1233 : f32 to vector<16xf32>
              %max3A_1235 = arith.maximumf %sub3A_1232, %max3A_1234 : vector<16xf32>
              %sub3A_1236 = arith.subf %min3A_1231, %max3A_1227 : vector<16xf32>
              %max3A_1237 = arith.constant 0.000000e+00 : f32
              %max3A_1238 = vector.broadcast %max3A_1237 : f32 to vector<16xf32>
              %max3A_1239 = arith.maximumf %sub3A_1236, %max3A_1238 : vector<16xf32>
              %mul3A_1240 = arith.mulf %max3A_1235, %max3A_1239 : vector<16xf32>
              %sub3A_1241 = arith.subf %get3A_1221, %get3A_1217 : vector<16xf32>
              %sub3A_1242 = arith.subf %get3A_1223, %get3A_1219 : vector<16xf32>
              %mul3A_1243 = arith.mulf %sub3A_1241, %sub3A_1242 : vector<16xf32>
              %add3A_1244 = vector.broadcast %mul3A_700 : f32 to vector<16xf32>
              %add3A_1245 = arith.addf %mul3A_1243, %add3A_1244 : vector<16xf32>
              %sub3A_1246 = arith.subf %add3A_1245, %mul3A_1240 : vector<16xf32>
              %add3A_1247 = arith.constant 9.99999971E-10 : f32
              %add3A_1248 = vector.broadcast %add3A_1247 : f32 to vector<16xf32>
              %add3A_1249 = arith.addf %sub3A_1246, %add3A_1248 : vector<16xf32>
              %div3A_1250 = arith.divf %mul3A_1240, %add3A_1249 : vector<16xf32>
              %get3A_1251 = arith.constant 288 : index
              %get3A_1252 = tpu.vector_load %arg21[%get3A_1251] {strides = array<i32>} : memref<304xf32, #tpu.memory_space<vmem>>, vector<16xf32>,
              %get3A_1253 = arith.constant 288 : index
              %get3A_1254 = tpu.vector_load %arg22[%get3A_1253] {strides = array<i32>} : memref<304xf32, #tpu.memory_space<vmem>>, vector<16xf32>,
              %get3A_1255 = arith.constant 288 : index
              %get3A_1256 = tpu.vector_load %arg23[%get3A_1255] {strides = array<i32>} : memref<304xf32, #tpu.memory_space<vmem>>, vector<16xf32>,
              %get3A_1257 = arith.constant 288 : index
              %get3A_1258 = tpu.vector_load %arg24[%get3A_1257] {strides = array<i32>} : memref<304xf32, #tpu.memory_space<vmem>>, vector<16xf32>,
              %max3A_1259 = vector.broadcast %reduce_sum3A_670 : f32 to vector<16xf32>
              %max3A_1260 = arith.maximumf %get3A_1252, %max3A_1259 : vector<16xf32>
              %max3A_1261 = vector.broadcast %reduce_sum3A_679 : f32 to vector<16xf32>
              %max3A_1262 = arith.maximumf %get3A_1254, %max3A_1261 : vector<16xf32>
              %min3A_1263 = vector.broadcast %reduce_sum3A_688 : f32 to vector<16xf32>
              %min3A_1264 = arith.minimumf %get3A_1256, %min3A_1263 : vector<16xf32>
              %min3A_1265 = vector.broadcast %reduce_sum3A_697 : f32 to vector<16xf32>
              %min3A_1266 = arith.minimumf %get3A_1258, %min3A_1265 : vector<16xf32>
              %sub3A_1267 = arith.subf %min3A_1264, %max3A_1260 : vector<16xf32>
              %max3A_1268 = arith.constant 0.000000e+00 : f32
              %max3A_1269 = vector.broadcast %max3A_1268 : f32 to vector<16xf32>
              %max3A_1270 = arith.maximumf %sub3A_1267, %max3A_1269 : vector<16xf32>
              %sub3A_1271 = arith.subf %min3A_1266, %max3A_1262 : vector<16xf32>
              %max3A_1272 = arith.constant 0.000000e+00 : f32
              %max3A_1273 = vector.broadcast %max3A_1272 : f32 to vector<16xf32>
              %max3A_1274 = arith.maximumf %sub3A_1271, %max3A_1273 : vector<16xf32>
              %mul3A_1275 = arith.mulf %max3A_1270, %max3A_1274 : vector<16xf32>
              %sub3A_1276 = arith.subf %get3A_1256, %get3A_1252 : vector<16xf32>
              %sub3A_1277 = arith.subf %get3A_1258, %get3A_1254 : vector<16xf32>
              %mul3A_1278 = arith.mulf %sub3A_1276, %sub3A_1277 : vector<16xf32>
              %add3A_1279 = vector.broadcast %mul3A_700 : f32 to vector<16xf32>
              %add3A_1280 = arith.addf %mul3A_1278, %add3A_1279 : vector<16xf32>
              %sub3A_1281 = arith.subf %add3A_1280, %mul3A_1275 : vector<16xf32>
              %add3A_1282 = arith.constant 9.99999971E-10 : f32
              %add3A_1283 = vector.broadcast %add3A_1282 : f32 to vector<16xf32>
              %add3A_1284 = arith.addf %sub3A_1281, %add3A_1283 : vector<16xf32>
              %div3A_1285 = arith.divf %mul3A_1275, %add3A_1284 : vector<16xf32>
              %max3A_1286 = arith.maximumf %div3A_1180, %div3A_1215 : vector<16xf32>
              %max3A_1287 = arith.maximumf %div3A_1250, %div3A_1285 : vector<16xf32>
              %max3A_1288 = arith.maximumf %max3A_1286, %max3A_1287 : vector<16xf32>
              %reduce_max3A_1289 = arith.constant true
              %reduce_max3A_1290 = vector.broadcast %reduce_max3A_1289 : i1 to vector<16xi1>
              %reduce_max3A_1291 = tpu.scan <max>, %max3A_1288 masked %reduce_max3A_1290 : vector<16xf32>, vector<16xi1> -> vector<16xf32>
              %reduce_max3A_1292 = vector.extract %reduce_max3A_1291[15] : f32 from vector<16xf32>
              %max3A_1293 = arith.maximumf %cond3A_1125, %reduce_max3A_1292 : f32
              scf.yield %max3A_1293 : f32
            } else {
              scf.yield %cond3A_1125 : f32
            }
            %eq3A_1132 = arith.constant 1 : i32
            %eq3A_1133 = arith.cmpi eq, %select_n3A, %eq3A_1132 : i32
            %gt3A_1134 = arith.constant 0.699999988 : f32
            %gt3A_1135 = arith.cmpf ogt, %cond3A_1131, %gt3A_1134 : f32
            %not3A = arith.constant true
            %not3A_1136 = arith.xori %gt3A_1135, %not3A : i1
            %and3A_1137 = arith.andi %eq3A_1133, %not3A_1136 : i1
            %and3A_1138 = arith.andi %and3A_1137, %lt3A_259 : i1
            %convert_element_type3A_1139 = arith.extui %and3A_1138 : i1 to i32
            %cond3A_1140 = arith.constant 0 : i32
            %cond3A_1141 = arith.cmpi ne, %convert_element_type3A_1139, %cond3A_1140 : i32
            scf.if %cond3A_1141 {
              %jit3A_1146 = arith.constant 16 : i32
              %div3A_1147 = arith.divsi %scan3A_236, %jit3A_1146 : i32
              %sign3A_1148 = arith.constant 0 : i32
              %sign3A_1149 = arith.cmpi sgt, %scan3A_236, %sign3A_1148 : i32
              %sign3A_1150 = arith.extui %sign3A_1149 : i1 to i32
              %sign3A_1151 = arith.constant 0 : i32
              %sign3A_1152 = arith.cmpi slt, %scan3A_236, %sign3A_1151 : i32
              %sign3A_1153 = arith.extui %sign3A_1152 : i1 to i32
              %sign3A_1154 = arith.subi %sign3A_1150, %sign3A_1153 : i32
              %sign3A_1155 = arith.constant 0 : i32
              %sign3A_1156 = arith.cmpi sgt, %jit3A_1146, %sign3A_1155 : i32
              %sign3A_1157 = arith.extui %sign3A_1156 : i1 to i32
              %sign3A_1158 = arith.constant 0 : i32
              %sign3A_1159 = arith.cmpi slt, %jit3A_1146, %sign3A_1158 : i32
              %sign3A_1160 = arith.extui %sign3A_1159 : i1 to i32
              %sign3A_1161 = arith.subi %sign3A_1157, %sign3A_1160 : i32
              %ne3A_1162 = arith.cmpi ne, %sign3A_1154, %sign3A_1161 : i32
              %rem3A_1163 = arith.remsi %scan3A_236, %jit3A_1146 : i32
              %ne3A_1164 = arith.constant 0 : i32
              %ne3A_1165 = arith.cmpi ne, %rem3A_1163, %ne3A_1164 : i32
              %and3A_1166 = arith.andi %ne3A_1162, %ne3A_1165 : i1
              %sub3A_1167 = arith.constant 1 : i32
              %sub3A_1168 = arith.subi %div3A_1147, %sub3A_1167 : i32
              %select_n3A_1169 = arith.select %and3A_1166, %sub3A_1168, %div3A_1147 : i32
              %mul3A_1170 = arith.constant 16 : i32
              %mul3A_1171 = arith.muli %select_n3A_1169, %mul3A_1170 : i32
              %sub3A_1172 = arith.subi %scan3A_236, %mul3A_1171 : i32
              %eq3A_1173 = vector.broadcast %sub3A_1172 : i32 to vector<16xi32>
              %eq3A_1174 = arith.cmpi eq, %iota3A, %eq3A_1173 : vector<16xi32>
              %get3A_1175 = arith.index_cast %mul3A_1171 : i32 to index
              %get3A_1176 = tpu.vector_load %arg21[%get3A_1175] {strides = array<i32>} : memref<304xf32, #tpu.memory_space<vmem>>, vector<16xf32>,
              %broadcast_in_dim3A_1177 = vector.broadcast %reduce_sum3A_670 : f32 to vector<16xf32>
              %select_n3A_1178 = arith.select %eq3A_1174, %broadcast_in_dim3A_1177, %get3A_1176 : vector<16xi1>, vector<16xf32>
              %swap3A_1179 = arith.index_cast %mul3A_1171 : i32 to index
              %swap3A_1180 = tpu.vector_load %arg21[%swap3A_1179] {strides = array<i32>} : memref<304xf32, #tpu.memory_space<vmem>>, vector<16xf32>,
              tpu.vector_store %arg21[%swap3A_1179], %select_n3A_1178 {strides = array<i32>} : memref<304xf32, #tpu.memory_space<vmem>>, vector<16xf32>,
              %get3A_1181 = arith.index_cast %mul3A_1171 : i32 to index
              %get3A_1182 = tpu.vector_load %arg22[%get3A_1181] {strides = array<i32>} : memref<304xf32, #tpu.memory_space<vmem>>, vector<16xf32>,
              %broadcast_in_dim3A_1183 = vector.broadcast %reduce_sum3A_679 : f32 to vector<16xf32>
              %select_n3A_1184 = arith.select %eq3A_1174, %broadcast_in_dim3A_1183, %get3A_1182 : vector<16xi1>, vector<16xf32>
              %swap3A_1185 = arith.index_cast %mul3A_1171 : i32 to index
              %swap3A_1186 = tpu.vector_load %arg22[%swap3A_1185] {strides = array<i32>} : memref<304xf32, #tpu.memory_space<vmem>>, vector<16xf32>,
              tpu.vector_store %arg22[%swap3A_1185], %select_n3A_1184 {strides = array<i32>} : memref<304xf32, #tpu.memory_space<vmem>>, vector<16xf32>,
              %get3A_1187 = arith.index_cast %mul3A_1171 : i32 to index
              %get3A_1188 = tpu.vector_load %arg23[%get3A_1187] {strides = array<i32>} : memref<304xf32, #tpu.memory_space<vmem>>, vector<16xf32>,
              %broadcast_in_dim3A_1189 = vector.broadcast %reduce_sum3A_688 : f32 to vector<16xf32>
              %select_n3A_1190 = arith.select %eq3A_1174, %broadcast_in_dim3A_1189, %get3A_1188 : vector<16xi1>, vector<16xf32>
              %swap3A_1191 = arith.index_cast %mul3A_1171 : i32 to index
              %swap3A_1192 = tpu.vector_load %arg23[%swap3A_1191] {strides = array<i32>} : memref<304xf32, #tpu.memory_space<vmem>>, vector<16xf32>,
              tpu.vector_store %arg23[%swap3A_1191], %select_n3A_1190 {strides = array<i32>} : memref<304xf32, #tpu.memory_space<vmem>>, vector<16xf32>,
              %get3A_1193 = arith.index_cast %mul3A_1171 : i32 to index
              %get3A_1194 = tpu.vector_load %arg24[%get3A_1193] {strides = array<i32>} : memref<304xf32, #tpu.memory_space<vmem>>, vector<16xf32>,
              %broadcast_in_dim3A_1195 = vector.broadcast %reduce_sum3A_697 : f32 to vector<16xf32>
              %select_n3A_1196 = arith.select %eq3A_1174, %broadcast_in_dim3A_1195, %get3A_1194 : vector<16xi1>, vector<16xf32>
              %swap3A_1197 = arith.index_cast %mul3A_1171 : i32 to index
              %swap3A_1198 = tpu.vector_load %arg24[%swap3A_1197] {strides = array<i32>} : memref<304xf32, #tpu.memory_space<vmem>>, vector<16xf32>,
              tpu.vector_store %arg24[%swap3A_1197], %select_n3A_1196 {strides = array<i32>} : memref<304xf32, #tpu.memory_space<vmem>>, vector<16xf32>,
              %get3A_1199 = arith.index_cast %mul3A_659 : i32 to index
              %get3A_1200 = tpu.vector_load %arg11[%get3A_1199] {strides = array<i32>} : memref<5120xf32, #tpu.memory_space<vmem>>, vector<16xf32>,
              %jit3A_1201 = arith.constant 0.000000e+00 : f32
              %broadcast_in_dim3A_1202 = vector.broadcast %jit3A_1201 : f32 to vector<16xf32>
              %select_n3A_1203 = arith.select %eq3A_662, %get3A_1200, %broadcast_in_dim3A_1202 : vector<16xi1>, vector<16xf32>
              %reduce_sum3A_1204 = arith.constant true
              %reduce_sum3A_1205 = vector.broadcast %reduce_sum3A_1204 : i1 to vector<16xi1>
              %reduce_sum3A_1206 = tpu.scan <sum>, %select_n3A_1203 masked %reduce_sum3A_1205 : vector<16xf32>, vector<16xi1> -> vector<16xf32>
              %reduce_sum3A_1207 = vector.extract %reduce_sum3A_1206[15] : f32 from vector<16xf32>
              %get3A_1208 = arith.index_cast %mul3A_1171 : i32 to index
              %get3A_1209 = tpu.vector_load %arg25[%get3A_1208] {strides = array<i32>} : memref<304xf32, #tpu.memory_space<vmem>>, vector<16xf32>,
              %broadcast_in_dim3A_1210 = vector.broadcast %reduce_sum3A_1207 : f32 to vector<16xf32>
              %select_n3A_1211 = arith.select %eq3A_1174, %broadcast_in_dim3A_1210, %get3A_1209 : vector<16xi1>, vector<16xf32>
              %swap3A_1212 = arith.index_cast %mul3A_1171 : i32 to index
              %swap3A_1213 = tpu.vector_load %arg25[%swap3A_1212] {strides = array<i32>} : memref<304xf32, #tpu.memory_space<vmem>>, vector<16xf32>,
              tpu.vector_store %arg25[%swap3A_1212], %select_n3A_1211 {strides = array<i32>} : memref<304xf32, #tpu.memory_space<vmem>>, vector<16xf32>,
              %get3A_1214 = arith.index_cast %mul3A_659 : i32 to index
              %get3A_1215 = tpu.vector_load %arg16[%get3A_1214] {strides = array<i32>} : memref<5120xf32, #tpu.memory_space<vmem>>, vector<16xf32>,
              %jit3A_1216 = arith.constant 0.000000e+00 : f32
              %broadcast_in_dim3A_1217 = vector.broadcast %jit3A_1216 : f32 to vector<16xf32>
              %select_n3A_1218 = arith.select %eq3A_662, %get3A_1215, %broadcast_in_dim3A_1217 : vector<16xi1>, vector<16xf32>
              %reduce_sum3A_1219 = arith.constant true
              %reduce_sum3A_1220 = vector.broadcast %reduce_sum3A_1219 : i1 to vector<16xi1>
              %reduce_sum3A_1221 = tpu.scan <sum>, %select_n3A_1218 masked %reduce_sum3A_1220 : vector<16xf32>, vector<16xi1> -> vector<16xf32>
              %reduce_sum3A_1222 = vector.extract %reduce_sum3A_1221[15] : f32 from vector<16xf32>
              %get3A_1223 = arith.index_cast %mul3A_1171 : i32 to index
              %get3A_1224 = tpu.vector_load %arg26[%get3A_1223] {strides = array<i32>} : memref<304xf32, #tpu.memory_space<vmem>>, vector<16xf32>,
              %broadcast_in_dim3A_1225 = vector.broadcast %reduce_sum3A_1222 : f32 to vector<16xf32>
              %select_n3A_1226 = arith.select %eq3A_1174, %broadcast_in_dim3A_1225, %get3A_1224 : vector<16xi1>, vector<16xf32>
              %swap3A_1227 = arith.index_cast %mul3A_1171 : i32 to index
              %swap3A_1228 = tpu.vector_load %arg26[%swap3A_1227] {strides = array<i32>} : memref<304xf32, #tpu.memory_space<vmem>>, vector<16xf32>,
              tpu.vector_store %arg26[%swap3A_1227], %select_n3A_1226 {strides = array<i32>} : memref<304xf32, #tpu.memory_space<vmem>>, vector<16xf32>,
              %get3A_1229 = arith.index_cast %mul3A_659 : i32 to index
              %get3A_1230 = tpu.vector_load %arg17[%get3A_1229] {strides = array<i32>} : memref<5120xf32, #tpu.memory_space<vmem>>, vector<16xf32>,
              %jit3A_1231 = arith.constant 0.000000e+00 : f32
              %broadcast_in_dim3A_1232 = vector.broadcast %jit3A_1231 : f32 to vector<16xf32>
              %select_n3A_1233 = arith.select %eq3A_662, %get3A_1230, %broadcast_in_dim3A_1232 : vector<16xi1>, vector<16xf32>
              %reduce_sum3A_1234 = arith.constant true
              %reduce_sum3A_1235 = vector.broadcast %reduce_sum3A_1234 : i1 to vector<16xi1>
              %reduce_sum3A_1236 = tpu.scan <sum>, %select_n3A_1233 masked %reduce_sum3A_1235 : vector<16xf32>, vector<16xi1> -> vector<16xf32>
              %reduce_sum3A_1237 = vector.extract %reduce_sum3A_1236[15] : f32 from vector<16xf32>
              %get3A_1238 = arith.index_cast %mul3A_1171 : i32 to index
              %get3A_1239 = tpu.vector_load %arg27[%get3A_1238] {strides = array<i32>} : memref<304xf32, #tpu.memory_space<vmem>>, vector<16xf32>,
              %broadcast_in_dim3A_1240 = vector.broadcast %reduce_sum3A_1237 : f32 to vector<16xf32>
              %select_n3A_1241 = arith.select %eq3A_1174, %broadcast_in_dim3A_1240, %get3A_1239 : vector<16xi1>, vector<16xf32>
              %swap3A_1242 = arith.index_cast %mul3A_1171 : i32 to index
              %swap3A_1243 = tpu.vector_load %arg27[%swap3A_1242] {strides = array<i32>} : memref<304xf32, #tpu.memory_space<vmem>>, vector<16xf32>,
              tpu.vector_store %arg27[%swap3A_1242], %select_n3A_1241 {strides = array<i32>} : memref<304xf32, #tpu.memory_space<vmem>>, vector<16xf32>,
              %get3A_1244 = arith.index_cast %mul3A_659 : i32 to index
              %get3A_1245 = tpu.vector_load %arg18[%get3A_1244] {strides = array<i32>} : memref<5120xf32, #tpu.memory_space<vmem>>, vector<16xf32>,
              %jit3A_1246 = arith.constant 0.000000e+00 : f32
              %broadcast_in_dim3A_1247 = vector.broadcast %jit3A_1246 : f32 to vector<16xf32>
              %select_n3A_1248 = arith.select %eq3A_662, %get3A_1245, %broadcast_in_dim3A_1247 : vector<16xi1>, vector<16xf32>
              %reduce_sum3A_1249 = arith.constant true
              %reduce_sum3A_1250 = vector.broadcast %reduce_sum3A_1249 : i1 to vector<16xi1>
              %reduce_sum3A_1251 = tpu.scan <sum>, %select_n3A_1248 masked %reduce_sum3A_1250 : vector<16xf32>, vector<16xi1> -> vector<16xf32>
              %reduce_sum3A_1252 = vector.extract %reduce_sum3A_1251[15] : f32 from vector<16xf32>
              %get3A_1253 = arith.index_cast %mul3A_1171 : i32 to index
              %get3A_1254 = tpu.vector_load %arg28[%get3A_1253] {strides = array<i32>} : memref<304xf32, #tpu.memory_space<vmem>>, vector<16xf32>,
              %broadcast_in_dim3A_1255 = vector.broadcast %reduce_sum3A_1252 : f32 to vector<16xf32>
              %select_n3A_1256 = arith.select %eq3A_1174, %broadcast_in_dim3A_1255, %get3A_1254 : vector<16xi1>, vector<16xf32>
              %swap3A_1257 = arith.index_cast %mul3A_1171 : i32 to index
              %swap3A_1258 = tpu.vector_load %arg28[%swap3A_1257] {strides = array<i32>} : memref<304xf32, #tpu.memory_space<vmem>>, vector<16xf32>,
              tpu.vector_store %arg28[%swap3A_1257], %select_n3A_1256 {strides = array<i32>} : memref<304xf32, #tpu.memory_space<vmem>>, vector<16xf32>,
              %get3A_1259 = arith.index_cast %mul3A_659 : i32 to index
              %get3A_1260 = tpu.vector_load %arg19[%get3A_1259] {strides = array<i32>} : memref<5120xf32, #tpu.memory_space<vmem>>, vector<16xf32>,
              %jit3A_1261 = arith.constant 0.000000e+00 : f32
              %broadcast_in_dim3A_1262 = vector.broadcast %jit3A_1261 : f32 to vector<16xf32>
              %select_n3A_1263 = arith.select %eq3A_662, %get3A_1260, %broadcast_in_dim3A_1262 : vector<16xi1>, vector<16xf32>
              %reduce_sum3A_1264 = arith.constant true
              %reduce_sum3A_1265 = vector.broadcast %reduce_sum3A_1264 : i1 to vector<16xi1>
              %reduce_sum3A_1266 = tpu.scan <sum>, %select_n3A_1263 masked %reduce_sum3A_1265 : vector<16xf32>, vector<16xi1> -> vector<16xf32>
              %reduce_sum3A_1267 = vector.extract %reduce_sum3A_1266[15] : f32 from vector<16xf32>
              %get3A_1268 = arith.index_cast %mul3A_1171 : i32 to index
              %get3A_1269 = tpu.vector_load %arg29[%get3A_1268] {strides = array<i32>} : memref<304xf32, #tpu.memory_space<vmem>>, vector<16xf32>,
              %broadcast_in_dim3A_1270 = vector.broadcast %reduce_sum3A_1267 : f32 to vector<16xf32>
              %select_n3A_1271 = arith.select %eq3A_1174, %broadcast_in_dim3A_1270, %get3A_1269 : vector<16xi1>, vector<16xf32>
              %swap3A_1272 = arith.index_cast %mul3A_1171 : i32 to index
              %swap3A_1273 = tpu.vector_load %arg29[%swap3A_1272] {strides = array<i32>} : memref<304xf32, #tpu.memory_space<vmem>>, vector<16xf32>,
              tpu.vector_store %arg29[%swap3A_1272], %select_n3A_1271 {strides = array<i32>} : memref<304xf32, #tpu.memory_space<vmem>>, vector<16xf32>,
              %get3A_1274 = arith.index_cast %mul3A_1171 : i32 to index
              %get3A_1275 = tpu.vector_load %arg30[%get3A_1274] {strides = array<i32>} : memref<304xf32, #tpu.memory_space<vmem>>, vector<16xf32>,
              %broadcast_in_dim3A_1276 = vector.broadcast %reduce_max3A_280 : f32 to vector<16xf32>
              %select_n3A_1277 = arith.select %eq3A_1174, %broadcast_in_dim3A_1276, %get3A_1275 : vector<16xi1>, vector<16xf32>
              %swap3A_1278 = arith.index_cast %mul3A_1171 : i32 to index
              %swap3A_1279 = tpu.vector_load %arg30[%swap3A_1278] {strides = array<i32>} : memref<304xf32, #tpu.memory_space<vmem>>, vector<16xf32>,
              tpu.vector_store %arg30[%swap3A_1278], %select_n3A_1277 {strides = array<i32>} : memref<304xf32, #tpu.memory_space<vmem>>, vector<16xf32>,
            } else {
            }
            %jit3A_1142 = arith.constant 1 : i32
            %jit3A_1143 = arith.constant 0 : i32
            %select_n3A_1144 = arith.select %and3A_1138, %jit3A_1142, %jit3A_1143 : i32
            %add3A_1145 = arith.addi %scan3A_236, %select_n3A_1144 : i32
            scf.yield %add3A_1145, %select_n3A, %select_n3A_873, %select_n3A_876, %select_n3A_879, %select_n3A_882, %select_n3A_885, %select_n3A_888, %select_n3A_891, %select_n3A_894, %select_n3A_897, %select_n3A_900, %select_n3A_903, %select_n3A_906, %select_n3A_909, %select_n3A_912, %select_n3A_915, %select_n3A_918, %select_n3A_921, %select_n3A_924, %select_n3A_927, %select_n3A_930 : i32, i32, vector<16xf32>, vector<16xf32>, vector<16xf32>, vector<16xf32>, vector<16xf32>, vector<16xf32>, vector<16xf32>, vector<16xf32>, vector<16xf32>, vector<16xf32>, vector<16xf32>, vector<16xf32>, vector<16xf32>, vector<16xf32>, vector<16xf32>, vector<16xf32>, vector<16xf32>, vector<16xf32>, vector<16xf32>, vector<16xf32>
          }
          %scan3A_234 = arith.constant 16 : i32
          scf.yield %scan3A_233#0, %scan3A_233#1, %scan3A_233#2, %scan3A_233#3, %scan3A_233#4, %scan3A_233#5, %scan3A_233#6, %scan3A_233#7, %scan3A_233#8, %scan3A_233#9, %scan3A_233#10, %scan3A_233#11, %scan3A_233#12, %scan3A_233#13, %scan3A_233#14, %scan3A_233#15, %scan3A_233#16, %scan3A_233#17, %scan3A_233#18, %scan3A_233#19, %scan3A_233#20, %scan3A_233#21 : i32, i32, vector<16xf32>, vector<16xf32>, vector<16xf32>, vector<16xf32>, vector<16xf32>, vector<16xf32>, vector<16xf32>, vector<16xf32>, vector<16xf32>, vector<16xf32>, vector<16xf32>, vector<16xf32>, vector<16xf32>, vector<16xf32>, vector<16xf32>, vector<16xf32>, vector<16xf32>, vector<16xf32>, vector<16xf32>, vector<16xf32>
        } else {
          scf.yield %scan3A_200, %scan3A_201, %scan3A_202, %scan3A_203, %scan3A_204, %scan3A_205, %scan3A_206, %scan3A_207, %scan3A_208, %scan3A_209, %scan3A_210, %scan3A_211, %scan3A_212, %scan3A_213, %scan3A_214, %scan3A_215, %scan3A_216, %scan3A_217, %scan3A_218, %scan3A_219, %scan3A_220, %scan3A_221 : i32, i32, vector<16xf32>, vector<16xf32>, vector<16xf32>, vector<16xf32>, vector<16xf32>, vector<16xf32>, vector<16xf32>, vector<16xf32>, vector<16xf32>, vector<16xf32>, vector<16xf32>, vector<16xf32>, vector<16xf32>, vector<16xf32>, vector<16xf32>, vector<16xf32>, vector<16xf32>, vector<16xf32>, vector<16xf32>, vector<16xf32>
        }
        scf.yield %cond3A_228#0, %cond3A_228#1, %cond3A_228#2, %cond3A_228#3, %cond3A_228#4, %cond3A_228#5, %cond3A_228#6, %cond3A_228#7, %cond3A_228#8, %cond3A_228#9, %cond3A_228#10, %cond3A_228#11, %cond3A_228#12, %cond3A_228#13, %cond3A_228#14, %cond3A_228#15, %cond3A_228#16, %cond3A_228#17, %cond3A_228#18, %cond3A_228#19, %cond3A_228#20, %cond3A_228#21 : i32, i32, vector<16xf32>, vector<16xf32>, vector<16xf32>, vector<16xf32>, vector<16xf32>, vector<16xf32>, vector<16xf32>, vector<16xf32>, vector<16xf32>, vector<16xf32>, vector<16xf32>, vector<16xf32>, vector<16xf32>, vector<16xf32>, vector<16xf32>, vector<16xf32>, vector<16xf32>, vector<16xf32>, vector<16xf32>, vector<16xf32>
      }
      %scan3A_198 = arith.constant 339 : i32
      "tpu.region"() ({
        %run_scoped3A = tpu.sem_alloc : memref<!tpu.dma_semaphore, #tpu.memory_space<semaphore_mem>>
        %dma_start3A_199 = arith.constant 0 : i32
        %dma_start3A_200 = tpu.memref_slice %arg4[%add3A, %dma_start3A_199] : memref<8x304xf32, #tpu.memory_space<hbm>> -> memref<1x304xf32, #tpu.memory_space<hbm>>
        %dma_start3A_201 = tpu.memref_squeeze %dma_start3A_200 : memref<1x304xf32, #tpu.memory_space<hbm>> -> memref<304xf32, #tpu.memory_space<hbm>>
        %dma_start3A_202 = arith.constant 0 : i32
        %dma_start3A_203 = tpu.memref_slice %arg4[%add3A, %dma_start3A_202] : memref<8x304xf32, #tpu.memory_space<hbm>> -> memref<1x304xf32, #tpu.memory_space<hbm>>
        %dma_start3A_204 = tpu.memref_squeeze %dma_start3A_203 : memref<1x304xf32, #tpu.memory_space<hbm>> -> memref<304xf32, #tpu.memory_space<hbm>>
        tpu.enqueue_dma source(%arg25 : memref<304xf32, #tpu.memory_space<vmem>>) target(%dma_start3A_204 : memref<304xf32, #tpu.memory_space<hbm>>) target_semaphore(%run_scoped3A : memref<!tpu.dma_semaphore, #tpu.memory_space<semaphore_mem>>)
        %dma_wait3A_205 = arith.constant 0 : i32
        %dma_wait3A_206 = tpu.memref_slice %arg4[%add3A, %dma_wait3A_205] : memref<8x304xf32, #tpu.memory_space<hbm>> -> memref<1x304xf32, #tpu.memory_space<hbm>>
        %dma_wait3A_207 = tpu.memref_squeeze %dma_wait3A_206 : memref<1x304xf32, #tpu.memory_space<hbm>> -> memref<304xf32, #tpu.memory_space<hbm>>
        %dma_wait3A_208 = arith.constant 0 : i32
        %dma_wait3A_209 = tpu.memref_slice %arg4[%add3A, %dma_wait3A_208] : memref<8x304xf32, #tpu.memory_space<hbm>> -> memref<1x304xf32, #tpu.memory_space<hbm>>
        %dma_wait3A_210 = tpu.memref_squeeze %dma_wait3A_209 : memref<1x304xf32, #tpu.memory_space<hbm>> -> memref<304xf32, #tpu.memory_space<hbm>>
        tpu.wait_dma2 semaphore(%run_scoped3A : memref<!tpu.dma_semaphore, #tpu.memory_space<semaphore_mem>>) src(%arg25 : memref<304xf32, #tpu.memory_space<vmem>>) dst(%dma_wait3A_210 : memref<304xf32, #tpu.memory_space<hbm>>)
        tpu.yield
      }) : () -> ()
      "tpu.region"() ({
        %run_scoped3A = tpu.sem_alloc : memref<!tpu.dma_semaphore, #tpu.memory_space<semaphore_mem>>
        %dma_start3A_199 = arith.constant 0 : i32
        %dma_start3A_200 = tpu.memref_slice %arg5[%add3A, %dma_start3A_199] : memref<8x304xf32, #tpu.memory_space<hbm>> -> memref<1x304xf32, #tpu.memory_space<hbm>>
        %dma_start3A_201 = tpu.memref_squeeze %dma_start3A_200 : memref<1x304xf32, #tpu.memory_space<hbm>> -> memref<304xf32, #tpu.memory_space<hbm>>
        %dma_start3A_202 = arith.constant 0 : i32
        %dma_start3A_203 = tpu.memref_slice %arg5[%add3A, %dma_start3A_202] : memref<8x304xf32, #tpu.memory_space<hbm>> -> memref<1x304xf32, #tpu.memory_space<hbm>>
        %dma_start3A_204 = tpu.memref_squeeze %dma_start3A_203 : memref<1x304xf32, #tpu.memory_space<hbm>> -> memref<304xf32, #tpu.memory_space<hbm>>
        tpu.enqueue_dma source(%arg26 : memref<304xf32, #tpu.memory_space<vmem>>) target(%dma_start3A_204 : memref<304xf32, #tpu.memory_space<hbm>>) target_semaphore(%run_scoped3A : memref<!tpu.dma_semaphore, #tpu.memory_space<semaphore_mem>>)
        %dma_wait3A_205 = arith.constant 0 : i32
        %dma_wait3A_206 = tpu.memref_slice %arg5[%add3A, %dma_wait3A_205] : memref<8x304xf32, #tpu.memory_space<hbm>> -> memref<1x304xf32, #tpu.memory_space<hbm>>
        %dma_wait3A_207 = tpu.memref_squeeze %dma_wait3A_206 : memref<1x304xf32, #tpu.memory_space<hbm>> -> memref<304xf32, #tpu.memory_space<hbm>>
        %dma_wait3A_208 = arith.constant 0 : i32
        %dma_wait3A_209 = tpu.memref_slice %arg5[%add3A, %dma_wait3A_208] : memref<8x304xf32, #tpu.memory_space<hbm>> -> memref<1x304xf32, #tpu.memory_space<hbm>>
        %dma_wait3A_210 = tpu.memref_squeeze %dma_wait3A_209 : memref<1x304xf32, #tpu.memory_space<hbm>> -> memref<304xf32, #tpu.memory_space<hbm>>
        tpu.wait_dma2 semaphore(%run_scoped3A : memref<!tpu.dma_semaphore, #tpu.memory_space<semaphore_mem>>) src(%arg26 : memref<304xf32, #tpu.memory_space<vmem>>) dst(%dma_wait3A_210 : memref<304xf32, #tpu.memory_space<hbm>>)
        tpu.yield
      }) : () -> ()
      "tpu.region"() ({
        %run_scoped3A = tpu.sem_alloc : memref<!tpu.dma_semaphore, #tpu.memory_space<semaphore_mem>>
        %dma_start3A_199 = arith.constant 0 : i32
        %dma_start3A_200 = tpu.memref_slice %arg6[%add3A, %dma_start3A_199] : memref<8x304xf32, #tpu.memory_space<hbm>> -> memref<1x304xf32, #tpu.memory_space<hbm>>
        %dma_start3A_201 = tpu.memref_squeeze %dma_start3A_200 : memref<1x304xf32, #tpu.memory_space<hbm>> -> memref<304xf32, #tpu.memory_space<hbm>>
        %dma_start3A_202 = arith.constant 0 : i32
        %dma_start3A_203 = tpu.memref_slice %arg6[%add3A, %dma_start3A_202] : memref<8x304xf32, #tpu.memory_space<hbm>> -> memref<1x304xf32, #tpu.memory_space<hbm>>
        %dma_start3A_204 = tpu.memref_squeeze %dma_start3A_203 : memref<1x304xf32, #tpu.memory_space<hbm>> -> memref<304xf32, #tpu.memory_space<hbm>>
        tpu.enqueue_dma source(%arg27 : memref<304xf32, #tpu.memory_space<vmem>>) target(%dma_start3A_204 : memref<304xf32, #tpu.memory_space<hbm>>) target_semaphore(%run_scoped3A : memref<!tpu.dma_semaphore, #tpu.memory_space<semaphore_mem>>)
        %dma_wait3A_205 = arith.constant 0 : i32
        %dma_wait3A_206 = tpu.memref_slice %arg6[%add3A, %dma_wait3A_205] : memref<8x304xf32, #tpu.memory_space<hbm>> -> memref<1x304xf32, #tpu.memory_space<hbm>>
        %dma_wait3A_207 = tpu.memref_squeeze %dma_wait3A_206 : memref<1x304xf32, #tpu.memory_space<hbm>> -> memref<304xf32, #tpu.memory_space<hbm>>
        %dma_wait3A_208 = arith.constant 0 : i32
        %dma_wait3A_209 = tpu.memref_slice %arg6[%add3A, %dma_wait3A_208] : memref<8x304xf32, #tpu.memory_space<hbm>> -> memref<1x304xf32, #tpu.memory_space<hbm>>
        %dma_wait3A_210 = tpu.memref_squeeze %dma_wait3A_209 : memref<1x304xf32, #tpu.memory_space<hbm>> -> memref<304xf32, #tpu.memory_space<hbm>>
        tpu.wait_dma2 semaphore(%run_scoped3A : memref<!tpu.dma_semaphore, #tpu.memory_space<semaphore_mem>>) src(%arg27 : memref<304xf32, #tpu.memory_space<vmem>>) dst(%dma_wait3A_210 : memref<304xf32, #tpu.memory_space<hbm>>)
        tpu.yield
      }) : () -> ()
      "tpu.region"() ({
        %run_scoped3A = tpu.sem_alloc : memref<!tpu.dma_semaphore, #tpu.memory_space<semaphore_mem>>
        %dma_start3A_199 = arith.constant 0 : i32
        %dma_start3A_200 = tpu.memref_slice %arg7[%add3A, %dma_start3A_199] : memref<8x304xf32, #tpu.memory_space<hbm>> -> memref<1x304xf32, #tpu.memory_space<hbm>>
        %dma_start3A_201 = tpu.memref_squeeze %dma_start3A_200 : memref<1x304xf32, #tpu.memory_space<hbm>> -> memref<304xf32, #tpu.memory_space<hbm>>
        %dma_start3A_202 = arith.constant 0 : i32
        %dma_start3A_203 = tpu.memref_slice %arg7[%add3A, %dma_start3A_202] : memref<8x304xf32, #tpu.memory_space<hbm>> -> memref<1x304xf32, #tpu.memory_space<hbm>>
        %dma_start3A_204 = tpu.memref_squeeze %dma_start3A_203 : memref<1x304xf32, #tpu.memory_space<hbm>> -> memref<304xf32, #tpu.memory_space<hbm>>
        tpu.enqueue_dma source(%arg28 : memref<304xf32, #tpu.memory_space<vmem>>) target(%dma_start3A_204 : memref<304xf32, #tpu.memory_space<hbm>>) target_semaphore(%run_scoped3A : memref<!tpu.dma_semaphore, #tpu.memory_space<semaphore_mem>>)
        %dma_wait3A_205 = arith.constant 0 : i32
        %dma_wait3A_206 = tpu.memref_slice %arg7[%add3A, %dma_wait3A_205] : memref<8x304xf32, #tpu.memory_space<hbm>> -> memref<1x304xf32, #tpu.memory_space<hbm>>
        %dma_wait3A_207 = tpu.memref_squeeze %dma_wait3A_206 : memref<1x304xf32, #tpu.memory_space<hbm>> -> memref<304xf32, #tpu.memory_space<hbm>>
        %dma_wait3A_208 = arith.constant 0 : i32
        %dma_wait3A_209 = tpu.memref_slice %arg7[%add3A, %dma_wait3A_208] : memref<8x304xf32, #tpu.memory_space<hbm>> -> memref<1x304xf32, #tpu.memory_space<hbm>>
        %dma_wait3A_210 = tpu.memref_squeeze %dma_wait3A_209 : memref<1x304xf32, #tpu.memory_space<hbm>> -> memref<304xf32, #tpu.memory_space<hbm>>
        tpu.wait_dma2 semaphore(%run_scoped3A : memref<!tpu.dma_semaphore, #tpu.memory_space<semaphore_mem>>) src(%arg28 : memref<304xf32, #tpu.memory_space<vmem>>) dst(%dma_wait3A_210 : memref<304xf32, #tpu.memory_space<hbm>>)
        tpu.yield
      }) : () -> ()
      "tpu.region"() ({
        %run_scoped3A = tpu.sem_alloc : memref<!tpu.dma_semaphore, #tpu.memory_space<semaphore_mem>>
        %dma_start3A_199 = arith.constant 0 : i32
        %dma_start3A_200 = tpu.memref_slice %arg8[%add3A, %dma_start3A_199] : memref<8x304xf32, #tpu.memory_space<hbm>> -> memref<1x304xf32, #tpu.memory_space<hbm>>
        %dma_start3A_201 = tpu.memref_squeeze %dma_start3A_200 : memref<1x304xf32, #tpu.memory_space<hbm>> -> memref<304xf32, #tpu.memory_space<hbm>>
        %dma_start3A_202 = arith.constant 0 : i32
        %dma_start3A_203 = tpu.memref_slice %arg8[%add3A, %dma_start3A_202] : memref<8x304xf32, #tpu.memory_space<hbm>> -> memref<1x304xf32, #tpu.memory_space<hbm>>
        %dma_start3A_204 = tpu.memref_squeeze %dma_start3A_203 : memref<1x304xf32, #tpu.memory_space<hbm>> -> memref<304xf32, #tpu.memory_space<hbm>>
        tpu.enqueue_dma source(%arg29 : memref<304xf32, #tpu.memory_space<vmem>>) target(%dma_start3A_204 : memref<304xf32, #tpu.memory_space<hbm>>) target_semaphore(%run_scoped3A : memref<!tpu.dma_semaphore, #tpu.memory_space<semaphore_mem>>)
        %dma_wait3A_205 = arith.constant 0 : i32
        %dma_wait3A_206 = tpu.memref_slice %arg8[%add3A, %dma_wait3A_205] : memref<8x304xf32, #tpu.memory_space<hbm>> -> memref<1x304xf32, #tpu.memory_space<hbm>>
        %dma_wait3A_207 = tpu.memref_squeeze %dma_wait3A_206 : memref<1x304xf32, #tpu.memory_space<hbm>> -> memref<304xf32, #tpu.memory_space<hbm>>
        %dma_wait3A_208 = arith.constant 0 : i32
        %dma_wait3A_209 = tpu.memref_slice %arg8[%add3A, %dma_wait3A_208] : memref<8x304xf32, #tpu.memory_space<hbm>> -> memref<1x304xf32, #tpu.memory_space<hbm>>
        %dma_wait3A_210 = tpu.memref_squeeze %dma_wait3A_209 : memref<1x304xf32, #tpu.memory_space<hbm>> -> memref<304xf32, #tpu.memory_space<hbm>>
        tpu.wait_dma2 semaphore(%run_scoped3A : memref<!tpu.dma_semaphore, #tpu.memory_space<semaphore_mem>>) src(%arg29 : memref<304xf32, #tpu.memory_space<vmem>>) dst(%dma_wait3A_210 : memref<304xf32, #tpu.memory_space<hbm>>)
        tpu.yield
      }) : () -> ()
      "tpu.region"() ({
        %run_scoped3A = tpu.sem_alloc : memref<!tpu.dma_semaphore, #tpu.memory_space<semaphore_mem>>
        %dma_start3A_199 = arith.constant 0 : i32
        %dma_start3A_200 = tpu.memref_slice %arg9[%add3A, %dma_start3A_199] : memref<8x304xf32, #tpu.memory_space<hbm>> -> memref<1x304xf32, #tpu.memory_space<hbm>>
        %dma_start3A_201 = tpu.memref_squeeze %dma_start3A_200 : memref<1x304xf32, #tpu.memory_space<hbm>> -> memref<304xf32, #tpu.memory_space<hbm>>
        %dma_start3A_202 = arith.constant 0 : i32
        %dma_start3A_203 = tpu.memref_slice %arg9[%add3A, %dma_start3A_202] : memref<8x304xf32, #tpu.memory_space<hbm>> -> memref<1x304xf32, #tpu.memory_space<hbm>>
        %dma_start3A_204 = tpu.memref_squeeze %dma_start3A_203 : memref<1x304xf32, #tpu.memory_space<hbm>> -> memref<304xf32, #tpu.memory_space<hbm>>
        tpu.enqueue_dma source(%arg30 : memref<304xf32, #tpu.memory_space<vmem>>) target(%dma_start3A_204 : memref<304xf32, #tpu.memory_space<hbm>>) target_semaphore(%run_scoped3A : memref<!tpu.dma_semaphore, #tpu.memory_space<semaphore_mem>>)
        %dma_wait3A_205 = arith.constant 0 : i32
        %dma_wait3A_206 = tpu.memref_slice %arg9[%add3A, %dma_wait3A_205] : memref<8x304xf32, #tpu.memory_space<hbm>> -> memref<1x304xf32, #tpu.memory_space<hbm>>
        %dma_wait3A_207 = tpu.memref_squeeze %dma_wait3A_206 : memref<1x304xf32, #tpu.memory_space<hbm>> -> memref<304xf32, #tpu.memory_space<hbm>>
        %dma_wait3A_208 = arith.constant 0 : i32
        %dma_wait3A_209 = tpu.memref_slice %arg9[%add3A, %dma_wait3A_208] : memref<8x304xf32, #tpu.memory_space<hbm>> -> memref<1x304xf32, #tpu.memory_space<hbm>>
        %dma_wait3A_210 = tpu.memref_squeeze %dma_wait3A_209 : memref<1x304xf32, #tpu.memory_space<hbm>> -> memref<304xf32, #tpu.memory_space<hbm>>
        tpu.wait_dma2 semaphore(%run_scoped3A : memref<!tpu.dma_semaphore, #tpu.memory_space<semaphore_mem>>) src(%arg30 : memref<304xf32, #tpu.memory_space<vmem>>) dst(%dma_wait3A_210 : memref<304xf32, #tpu.memory_space<hbm>>)
        tpu.yield
      }) : () -> ()
    } else {
    }
    return
  }
}

module attributes {stable_mosaic.version = 14 : i64} {
  func.func @_prep_body(%arg0: i32, %arg1: memref<1x91x5120xf32, #tpu.memory_space<vmem>>, %arg2: memref<1x4x5120xf32, #tpu.memory_space<vmem>>, %arg3: memref<8x4xf32, #tpu.memory_space<smem>>, %arg4: memref<1x16x5120xf32, #tpu.memory_space<vmem>>) attributes {dimension_semantics = [#tpu.dimension_semantics<arbitrary>], iteration_bounds = array<i64: 8>, scalar_prefetch = 0 : i64, scratch_operands = 0 : i64, tpu.core_type = #tpu.core_type<tc>, window_params = [{transform_indices = @transform_0, window_bounds = array<i64: 1, 91, 5120>}, {transform_indices = @transform_1, window_bounds = array<i64: 1, 4, 5120>}, {transform_indices = @transform_2, window_bounds = array<i64: 8, 4>}, {transform_indices = @transform_3, window_bounds = array<i64: 1, 16, 5120>}]} {
    %get3A = arith.constant 0 : index
    %get3A_0 = arith.constant 0 : index
    %get3A_1 = arith.constant 0 : index
    %get3A_2 = vector.load %arg1[%get3A, %get3A_0, %get3A_1] : memref<1x91x5120xf32, #tpu.memory_space<vmem>>, vector<1x91x5120xf32>
    %get3A_3 = vector.shape_cast %get3A_2 : vector<1x91x5120xf32> to vector<91x5120xf32>
    %reduce_max3A = arith.constant dense<0xFF800000> : vector<5120xf32>
    %reduce_max3A_4 = vector.multi_reduction <maximumf>, %get3A_3, %reduce_max3A [0] : vector<91x5120xf32> to vector<5120xf32>
    %broadcast_in_dim3A = vector.shape_cast %reduce_max3A_4 : vector<5120xf32> to vector<1x5120xf32>
    %iota3A = tpu.iota {dimensions = array<i32: 0>} : vector<91x5120xi32>
    %eq3A = vector.broadcast %broadcast_in_dim3A : vector<1x5120xf32> to vector<91x5120xf32>
    %eq3A_5 = arith.cmpf oeq, %get3A_3, %eq3A : vector<91x5120xf32>
    %jit3A = arith.constant 91 : i32
    %broadcast_in_dim3A_6 = vector.broadcast %jit3A : i32 to vector<91x5120xi32>
    %select_n3A = arith.select %eq3A_5, %iota3A, %broadcast_in_dim3A_6 : vector<91x5120xi1>, vector<91x5120xi32>
    %reduce_min3A = arith.constant dense<2147483647> : vector<5120xi32>
    %reduce_min3A_7 = vector.multi_reduction <minsi>, %select_n3A, %reduce_min3A [0] : vector<91x5120xi32> to vector<5120xi32>
    %broadcast_in_dim3A_8 = vector.shape_cast %reduce_min3A_7 : vector<5120xi32> to vector<1x5120xi32>
    %convert_element_type3A = arith.sitofp %broadcast_in_dim3A_8 : vector<1x5120xi32> to vector<1x5120xf32>
    %get3A_9 = arith.constant 0 : index
    %get3A_10 = arith.constant 0 : index
    %get3A_11 = arith.constant 0 : index
    %get3A_12 = vector.load %arg2[%get3A_9, %get3A_10, %get3A_11] : memref<1x4x5120xf32, #tpu.memory_space<vmem>>, vector<1x1x5120xf32>
    %get3A_13 = vector.shape_cast %get3A_12 : vector<1x1x5120xf32> to vector<1x5120xf32>
    %get3A_14 = arith.constant 0 : index
    %get3A_15 = arith.constant 1 : index
    %get3A_16 = arith.constant 0 : index
    %get3A_17 = vector.load %arg2[%get3A_14, %get3A_15, %get3A_16] : memref<1x4x5120xf32, #tpu.memory_space<vmem>>, vector<1x1x5120xf32>
    %get3A_18 = vector.shape_cast %get3A_17 : vector<1x1x5120xf32> to vector<1x5120xf32>
    %get3A_19 = arith.constant 0 : index
    %get3A_20 = arith.constant 2 : index
    %get3A_21 = arith.constant 0 : index
    %get3A_22 = vector.load %arg2[%get3A_19, %get3A_20, %get3A_21] : memref<1x4x5120xf32, #tpu.memory_space<vmem>>, vector<1x1x5120xf32>
    %get3A_23 = vector.shape_cast %get3A_22 : vector<1x1x5120xf32> to vector<1x5120xf32>
    %get3A_24 = arith.constant 0 : index
    %get3A_25 = arith.constant 3 : index
    %get3A_26 = arith.constant 0 : index
    %get3A_27 = vector.load %arg2[%get3A_24, %get3A_25, %get3A_26] : memref<1x4x5120xf32, #tpu.memory_space<vmem>>, vector<1x1x5120xf32>
    %get3A_28 = vector.shape_cast %get3A_27 : vector<1x1x5120xf32> to vector<1x5120xf32>
    %get3A_29 = arith.index_cast %arg0 : i32 to index
    %get3A_30 = arith.constant 0 : index
    %get3A_31 = memref.load %arg3[%get3A_29, %get3A_30] : memref<8x4xf32, #tpu.memory_space<smem>>
    %get3A_32 = arith.index_cast %arg0 : i32 to index
    %get3A_33 = arith.constant 1 : index
    %get3A_34 = memref.load %arg3[%get3A_32, %get3A_33] : memref<8x4xf32, #tpu.memory_space<smem>>
    %mul3A = arith.constant 5.000000e-01 : f32
    %mul3A_35 = vector.broadcast %mul3A : f32 to vector<1x5120xf32>
    %mul3A_36 = arith.mulf %mul3A_35, %get3A_23 : vector<1x5120xf32>
    %sub3A = arith.subf %get3A_13, %mul3A_36 : vector<1x5120xf32>
    %mul3A_37 = vector.broadcast %get3A_31 : f32 to vector<1x5120xf32>
    %mul3A_38 = arith.mulf %sub3A, %mul3A_37 : vector<1x5120xf32>
    %mul3A_39 = arith.constant 5.000000e-01 : f32
    %mul3A_40 = vector.broadcast %mul3A_39 : f32 to vector<1x5120xf32>
    %mul3A_41 = arith.mulf %mul3A_40, %get3A_28 : vector<1x5120xf32>
    %sub3A_42 = arith.subf %get3A_18, %mul3A_41 : vector<1x5120xf32>
    %mul3A_43 = vector.broadcast %get3A_34 : f32 to vector<1x5120xf32>
    %mul3A_44 = arith.mulf %sub3A_42, %mul3A_43 : vector<1x5120xf32>
    %mul3A_45 = arith.constant 5.000000e-01 : f32
    %mul3A_46 = vector.broadcast %mul3A_45 : f32 to vector<1x5120xf32>
    %mul3A_47 = arith.mulf %mul3A_46, %get3A_23 : vector<1x5120xf32>
    %add3A = arith.addf %get3A_13, %mul3A_47 : vector<1x5120xf32>
    %mul3A_48 = vector.broadcast %get3A_31 : f32 to vector<1x5120xf32>
    %mul3A_49 = arith.mulf %add3A, %mul3A_48 : vector<1x5120xf32>
    %mul3A_50 = arith.constant 5.000000e-01 : f32
    %mul3A_51 = vector.broadcast %mul3A_50 : f32 to vector<1x5120xf32>
    %mul3A_52 = arith.mulf %mul3A_51, %get3A_28 : vector<1x5120xf32>
    %add3A_53 = arith.addf %get3A_18, %mul3A_52 : vector<1x5120xf32>
    %mul3A_54 = vector.broadcast %get3A_34 : f32 to vector<1x5120xf32>
    %mul3A_55 = arith.mulf %add3A_53, %mul3A_54 : vector<1x5120xf32>
    %reduce_max3A_56 = vector.shape_cast %mul3A_38 : vector<1x5120xf32> to vector<1x1x5120xf32>
    %reduce_max3A_57 = arith.constant dense<0xFF800000> : vector<1xf32>
    %reduce_max3A_58 = vector.multi_reduction <maximumf>, %reduce_max3A_56, %reduce_max3A_57 [1, 2] : vector<1x1x5120xf32> to vector<1xf32>
    %reduce_max3A_59 = vector.shape_cast %reduce_max3A_58 : vector<1xf32> to vector<1x1x1xf32>
    %reduce_max3A_60 = vector.extract %reduce_max3A_59[0, 0, 0] : f32 from vector<1x1x1xf32>
    %reduce_max3A_61 = vector.shape_cast %mul3A_44 : vector<1x5120xf32> to vector<1x1x5120xf32>
    %reduce_max3A_62 = arith.constant dense<0xFF800000> : vector<1xf32>
    %reduce_max3A_63 = vector.multi_reduction <maximumf>, %reduce_max3A_61, %reduce_max3A_62 [1, 2] : vector<1x1x5120xf32> to vector<1xf32>
    %reduce_max3A_64 = vector.shape_cast %reduce_max3A_63 : vector<1xf32> to vector<1x1x1xf32>
    %reduce_max3A_65 = vector.extract %reduce_max3A_64[0, 0, 0] : f32 from vector<1x1x1xf32>
    %max3A = arith.maximumf %reduce_max3A_60, %reduce_max3A_65 : f32
    %reduce_max3A_66 = vector.shape_cast %mul3A_49 : vector<1x5120xf32> to vector<1x1x5120xf32>
    %reduce_max3A_67 = arith.constant dense<0xFF800000> : vector<1xf32>
    %reduce_max3A_68 = vector.multi_reduction <maximumf>, %reduce_max3A_66, %reduce_max3A_67 [1, 2] : vector<1x1x5120xf32> to vector<1xf32>
    %reduce_max3A_69 = vector.shape_cast %reduce_max3A_68 : vector<1xf32> to vector<1x1x1xf32>
    %reduce_max3A_70 = vector.extract %reduce_max3A_69[0, 0, 0] : f32 from vector<1x1x1xf32>
    %reduce_max3A_71 = vector.shape_cast %mul3A_55 : vector<1x5120xf32> to vector<1x1x5120xf32>
    %reduce_max3A_72 = arith.constant dense<0xFF800000> : vector<1xf32>
    %reduce_max3A_73 = vector.multi_reduction <maximumf>, %reduce_max3A_71, %reduce_max3A_72 [1, 2] : vector<1x1x5120xf32> to vector<1xf32>
    %reduce_max3A_74 = vector.shape_cast %reduce_max3A_73 : vector<1xf32> to vector<1x1x1xf32>
    %reduce_max3A_75 = vector.extract %reduce_max3A_74[0, 0, 0] : f32 from vector<1x1x1xf32>
    %max3A_76 = arith.maximumf %reduce_max3A_70, %reduce_max3A_75 : f32
    %max3A_77 = arith.maximumf %max3A, %max3A_76 : f32
    %add3A_78 = arith.constant 1.000000e+00 : f32
    %add3A_79 = arith.addf %max3A_77, %add3A_78 : f32
    %mul3A_80 = vector.broadcast %add3A_79 : f32 to vector<1x5120xf32>
    %mul3A_81 = arith.mulf %convert_element_type3A, %mul3A_80 : vector<1x5120xf32>
    %swap3A = arith.constant 0 : index
    %swap3A_82 = arith.constant 0 : index
    %swap3A_83 = arith.constant 0 : index
    %swap3A_84 = vector.load %arg4[%swap3A, %swap3A_82, %swap3A_83] : memref<1x16x5120xf32, #tpu.memory_space<vmem>>, vector<1x1x5120xf32>
    %swap3A_85 = vector.shape_cast %swap3A_84 : vector<1x1x5120xf32> to vector<1x5120xf32>
    %swap3A_86 = vector.shape_cast %broadcast_in_dim3A : vector<1x5120xf32> to vector<1x1x5120xf32>
    tpu.vector_store %arg4[%swap3A, %swap3A_82, %swap3A_83], %swap3A_86 {strides = array<i32>} : memref<1x16x5120xf32, #tpu.memory_space<vmem>>, vector<1x1x5120xf32>,
    %swap3A_87 = arith.constant 0 : index
    %swap3A_88 = arith.constant 1 : index
    %swap3A_89 = arith.constant 0 : index
    %swap3A_90 = vector.load %arg4[%swap3A_87, %swap3A_88, %swap3A_89] : memref<1x16x5120xf32, #tpu.memory_space<vmem>>, vector<1x1x5120xf32>
    %swap3A_91 = vector.shape_cast %swap3A_90 : vector<1x1x5120xf32> to vector<1x5120xf32>
    %swap3A_92 = vector.shape_cast %convert_element_type3A : vector<1x5120xf32> to vector<1x1x5120xf32>
    tpu.vector_store %arg4[%swap3A_87, %swap3A_88, %swap3A_89], %swap3A_92 {strides = array<i32>} : memref<1x16x5120xf32, #tpu.memory_space<vmem>>, vector<1x1x5120xf32>,
    %add3A_93 = arith.addf %mul3A_38, %mul3A_81 : vector<1x5120xf32>
    %swap3A_94 = arith.constant 0 : index
    %swap3A_95 = arith.constant 2 : index
    %swap3A_96 = arith.constant 0 : index
    %swap3A_97 = vector.load %arg4[%swap3A_94, %swap3A_95, %swap3A_96] : memref<1x16x5120xf32, #tpu.memory_space<vmem>>, vector<1x1x5120xf32>
    %swap3A_98 = vector.shape_cast %swap3A_97 : vector<1x1x5120xf32> to vector<1x5120xf32>
    %swap3A_99 = vector.shape_cast %add3A_93 : vector<1x5120xf32> to vector<1x1x5120xf32>
    tpu.vector_store %arg4[%swap3A_94, %swap3A_95, %swap3A_96], %swap3A_99 {strides = array<i32>} : memref<1x16x5120xf32, #tpu.memory_space<vmem>>, vector<1x1x5120xf32>,
    %add3A_100 = arith.addf %mul3A_44, %mul3A_81 : vector<1x5120xf32>
    %swap3A_101 = arith.constant 0 : index
    %swap3A_102 = arith.constant 3 : index
    %swap3A_103 = arith.constant 0 : index
    %swap3A_104 = vector.load %arg4[%swap3A_101, %swap3A_102, %swap3A_103] : memref<1x16x5120xf32, #tpu.memory_space<vmem>>, vector<1x1x5120xf32>
    %swap3A_105 = vector.shape_cast %swap3A_104 : vector<1x1x5120xf32> to vector<1x5120xf32>
    %swap3A_106 = vector.shape_cast %add3A_100 : vector<1x5120xf32> to vector<1x1x5120xf32>
    tpu.vector_store %arg4[%swap3A_101, %swap3A_102, %swap3A_103], %swap3A_106 {strides = array<i32>} : memref<1x16x5120xf32, #tpu.memory_space<vmem>>, vector<1x1x5120xf32>,
    %add3A_107 = arith.addf %mul3A_49, %mul3A_81 : vector<1x5120xf32>
    %swap3A_108 = arith.constant 0 : index
    %swap3A_109 = arith.constant 4 : index
    %swap3A_110 = arith.constant 0 : index
    %swap3A_111 = vector.load %arg4[%swap3A_108, %swap3A_109, %swap3A_110] : memref<1x16x5120xf32, #tpu.memory_space<vmem>>, vector<1x1x5120xf32>
    %swap3A_112 = vector.shape_cast %swap3A_111 : vector<1x1x5120xf32> to vector<1x5120xf32>
    %swap3A_113 = vector.shape_cast %add3A_107 : vector<1x5120xf32> to vector<1x1x5120xf32>
    tpu.vector_store %arg4[%swap3A_108, %swap3A_109, %swap3A_110], %swap3A_113 {strides = array<i32>} : memref<1x16x5120xf32, #tpu.memory_space<vmem>>, vector<1x1x5120xf32>,
    %add3A_114 = arith.addf %mul3A_55, %mul3A_81 : vector<1x5120xf32>
    %swap3A_115 = arith.constant 0 : index
    %swap3A_116 = arith.constant 5 : index
    %swap3A_117 = arith.constant 0 : index
    %swap3A_118 = vector.load %arg4[%swap3A_115, %swap3A_116, %swap3A_117] : memref<1x16x5120xf32, #tpu.memory_space<vmem>>, vector<1x1x5120xf32>
    %swap3A_119 = vector.shape_cast %swap3A_118 : vector<1x1x5120xf32> to vector<1x5120xf32>
    %swap3A_120 = vector.shape_cast %add3A_114 : vector<1x5120xf32> to vector<1x1x5120xf32>
    tpu.vector_store %arg4[%swap3A_115, %swap3A_116, %swap3A_117], %swap3A_120 {strides = array<i32>} : memref<1x16x5120xf32, #tpu.memory_space<vmem>>, vector<1x1x5120xf32>,
    %swap3A_121 = arith.constant 0 : index
    %swap3A_122 = arith.constant 6 : index
    %swap3A_123 = arith.constant 0 : index
    %swap3A_124 = vector.load %arg4[%swap3A_121, %swap3A_122, %swap3A_123] : memref<1x16x5120xf32, #tpu.memory_space<vmem>>, vector<1x1x5120xf32>
    %swap3A_125 = vector.shape_cast %swap3A_124 : vector<1x1x5120xf32> to vector<1x5120xf32>
    %swap3A_126 = vector.shape_cast %mul3A_38 : vector<1x5120xf32> to vector<1x1x5120xf32>
    tpu.vector_store %arg4[%swap3A_121, %swap3A_122, %swap3A_123], %swap3A_126 {strides = array<i32>} : memref<1x16x5120xf32, #tpu.memory_space<vmem>>, vector<1x1x5120xf32>,
    %swap3A_127 = arith.constant 0 : index
    %swap3A_128 = arith.constant 7 : index
    %swap3A_129 = arith.constant 0 : index
    %swap3A_130 = vector.load %arg4[%swap3A_127, %swap3A_128, %swap3A_129] : memref<1x16x5120xf32, #tpu.memory_space<vmem>>, vector<1x1x5120xf32>
    %swap3A_131 = vector.shape_cast %swap3A_130 : vector<1x1x5120xf32> to vector<1x5120xf32>
    %swap3A_132 = vector.shape_cast %mul3A_44 : vector<1x5120xf32> to vector<1x1x5120xf32>
    tpu.vector_store %arg4[%swap3A_127, %swap3A_128, %swap3A_129], %swap3A_132 {strides = array<i32>} : memref<1x16x5120xf32, #tpu.memory_space<vmem>>, vector<1x1x5120xf32>,
    %swap3A_133 = arith.constant 0 : index
    %swap3A_134 = arith.constant 8 : index
    %swap3A_135 = arith.constant 0 : index
    %swap3A_136 = vector.load %arg4[%swap3A_133, %swap3A_134, %swap3A_135] : memref<1x16x5120xf32, #tpu.memory_space<vmem>>, vector<1x1x5120xf32>
    %swap3A_137 = vector.shape_cast %swap3A_136 : vector<1x1x5120xf32> to vector<1x5120xf32>
    %swap3A_138 = vector.shape_cast %mul3A_49 : vector<1x5120xf32> to vector<1x1x5120xf32>
    tpu.vector_store %arg4[%swap3A_133, %swap3A_134, %swap3A_135], %swap3A_138 {strides = array<i32>} : memref<1x16x5120xf32, #tpu.memory_space<vmem>>, vector<1x1x5120xf32>,
    %swap3A_139 = arith.constant 0 : index
    %swap3A_140 = arith.constant 9 : index
    %swap3A_141 = arith.constant 0 : index
    %swap3A_142 = vector.load %arg4[%swap3A_139, %swap3A_140, %swap3A_141] : memref<1x16x5120xf32, #tpu.memory_space<vmem>>, vector<1x1x5120xf32>
    %swap3A_143 = vector.shape_cast %swap3A_142 : vector<1x1x5120xf32> to vector<1x5120xf32>
    %swap3A_144 = vector.shape_cast %mul3A_55 : vector<1x5120xf32> to vector<1x1x5120xf32>
    tpu.vector_store %arg4[%swap3A_139, %swap3A_140, %swap3A_141], %swap3A_144 {strides = array<i32>} : memref<1x16x5120xf32, #tpu.memory_space<vmem>>, vector<1x1x5120xf32>,
    %broadcast_in_dim3A_145 = arith.constant 0.000000e+00 : f32
    %broadcast_in_dim3A_146 = vector.broadcast %broadcast_in_dim3A_145 : f32 to vector<6x5120xf32>
    %swap3A_147 = arith.constant 0 : index
    %swap3A_148 = arith.constant 10 : index
    %swap3A_149 = arith.constant 0 : index
    %swap3A_150 = vector.load %arg4[%swap3A_147, %swap3A_148, %swap3A_149] : memref<1x16x5120xf32, #tpu.memory_space<vmem>>, vector<1x6x5120xf32>
    %swap3A_151 = vector.shape_cast %swap3A_150 : vector<1x6x5120xf32> to vector<6x5120xf32>
    %swap3A_152 = vector.shape_cast %broadcast_in_dim3A_146 : vector<6x5120xf32> to vector<1x6x5120xf32>
    tpu.vector_store %arg4[%swap3A_147, %swap3A_148, %swap3A_149], %swap3A_152 {strides = array<i32>} : memref<1x16x5120xf32, #tpu.memory_space<vmem>>, vector<1x6x5120xf32>,
    return
  }
  func.func @transform_0(%arg0: i32) -> (i32, i32, i32) {
    %c0_i32 = arith.constant 0 : i32
    %c0_i32_0 = arith.constant 0 : i32
    %c0_i32_1 = arith.constant 0 : i32
    return %arg0, %c0_i32, %c0_i32_0 : i32, i32, i32
  }
  func.func @transform_1(%arg0: i32) -> (i32, i32, i32) {
    %c0_i32 = arith.constant 0 : i32
    %c0_i32_0 = arith.constant 0 : i32
    %c0_i32_1 = arith.constant 0 : i32
    return %arg0, %c0_i32, %c0_i32_0 : i32, i32, i32
  }
  func.func @transform_2(%arg0: i32) -> (i32, i32) {
    %c0_i32 = arith.constant 0 : i32
    %c0_i32_0 = arith.constant 0 : i32
    %c0_i32_1 = arith.constant 0 : i32
    return %c0_i32, %c0_i32_0 : i32, i32
  }
  func.func @transform_3(%arg0: i32) -> (i32, i32, i32) {
    %c0_i32 = arith.constant 0 : i32
    %c0_i32_0 = arith.constant 0 : i32
    %c0_i32_1 = arith.constant 0 : i32
    return %arg0, %c0_i32, %c0_i32_0 : i32, i32, i32
  }
}

</mosaic_0001>

<sc_bundles>
// kernel: kernel.4.cloned.1.call-start
scs
__scs_entry_jumppad:
0x0: {  	(pc) =	sbr.rel $0x88, $3  }
0x1: {  	(tag) =	ssettag $0x0;
	lr =	simm.s32 $0x1  }
0x2: {  	[smem:$0x3F9E] =	sst lr;
	_ =	strace $0xD0000000  }
0x3: {  	_ = 	snop  }
0x4: {  	_ = 	snop  }
0x5: {  	_ = 	snop  }
0x6: {  	_ = 	snop  }
0x7: {  	_ = 	snop  }
__scs_overlays_trampoline_lowered:
0x8: {  	[smem:$0x3FAD] =	sst s0  }
0x9: {  	[smem:$0x3FAE] =	sst s1  }
0xa: {  	[smem:$0x3FAF] =	sst s2  }
0xb: {  	[smem:$0x3FB0] =	sst s3  }
0xc: {  	[smem:$0x3FB1] =	sst s4  }
0xd: {  	[smem:$0x3FB2] =	sst s5  }
0xe: {  	[smem:$0x3FB3] =	sst s6  }
0xf: {  	[smem:$0x3FB4] =	sst s7  }
0x10: {  	[smem:$0x3FB5] =	sst s8  }
0x11: {  	[smem:$0x3FB6] =	sst s9;
	s0 =	simm.s32 @!p0 $0x0  }
0x12: {  	s1 =	sld [smem:$0x3F9C];
	s0 =	simm.s32 @p0 $0x1  }
0x13: {  	[smem:$0x3FB7] =	sst s0;
	s0 =	simm.s32 @!p1 $0x0  }
0x14: {  	s2 =	sld [smem:$0x3F9B];
	s0 =	simm.s32 @p1 $0x1  }
0x15: {  	[smem:$0x3FB8] =	sst s0;
	s0 =	simm.s32 @!p2 $0x0  }
0x16: {  	s3 =	sld [smem:$0x3FDB];
	s0 =	simm.s32 @p2 $0x1  }
0x17: {  	s4 =	simm.s32 $0x1BF5;
	[smem:$0x3FBA] =	sst s0  }
0x18: {  	s0 =	sld [smem:$0x3F9D];
	_ =	swait.ge [sflag:s4], $0x0  }
0x19: {  	s7 =	sld [smem:$0x3F9E]  }
0x1a: {  	s8 =	sadd.s32 $0xFFFFE003, lr  }
0x1b: {  	s9 =	sadd.s32 $0xFFFFFEF7, lr;
	s5 =	simm.s32 $0xFFFFFFFF;
	p2 =	slt.u32 s8, $0xFFFFF086  }
0x1c: {  	p1 =	slt.u32 s9, $0xF7A;
	s5 =	simm.s32 @!p2 $0x0  }
0x1d: {  	s5 =	simm.s32 @p1 $0x1;
	p0 =	seq.s32 s7, s2  }
0x1e: {  	s7 =	smul.u32 @!p0 $0xF7A, s2;
	p2 =	seq.s32 @!p0 s5, $0x0  }
0x1f: {  	s9 =	smul.u32 $0xF7A, s1;
	s8 =	simm.s32 @!p0 $0x1BF5;
	p2 =	por !p2, p0  }
0x20: {  	[sflag:s8] =	ssyncset.s32 @!p0 $0xFFFFF086;
	s6 =	sadd.s32 @!p0 s3, s7;
	s7 =	simm.s32 @!p0 $0x108  }
0x21: {  	s3 =	sadd.s32 s3, s9;
	s6 =	sadd.s32 @!p0 $0x88, s6;
	s7 =	simm.s32 @p2 $0x1082  }
0x22: {  	[simem:s7], [sflag:s8] =	dma.local @!p0 [hbm:s6], $0xF7A  }
0x23: {  	s9 =	sor.u32 $0xD0000000, s2;
	s6 =	simm.s32 $0x108;
	_ =	swait.ge @!p0 [sflag:s8], $0x0  }
0x24: {  	s3 =	sadd.s32 $0x88, s3;
	s6 =	simm.s32 @!p1 $0x1082;
	[sflag:s4] =	ssyncset.s32 $0xFFFFF086  }
0x25: {  	[simem:s6], [sflag:s4] =	dma.local [hbm:s3], $0xF7A  }
0x26: {  	[smem:$0x3F9E] =	sst s1;
	(tag) =	ssettag s2;
	_ =	strace s9  }
0x27: {  	s1 =	sld [smem:$0x3FAE]  }
0x28: {  	s2 =	sld [smem:$0x3FAF]  }
0x29: {  	s4 =	sld [smem:$0x3FB1]  }
0x2a: {  	p0 =	seq.s32 s5, $0x0;
	s5 =	sld [smem:$0x3FB2]  }
0x2b: {  	s6 =	sld [smem:$0x3FB3]  }
0x2c: {  	s7 =	sld [smem:$0x3FB4]  }
0x2d: {  	s3 =	simm.s32 $0x108;
	s8 =	sld [smem:$0x3FB5]  }
0x2e: {  	s3 =	simm.s32 @!p0 $0x1082;
	s9 =	sld [smem:$0x3FB6]  }
0x2f: {  	lr =	sadd.s32 s0, s3;
	s0 =	sld [smem:$0x3FAD]  }
0x30: {  	s3 =	sld [smem:$0x3FB0]  }
0x31: {  	[smem:$0x3FB9] =	sst s10  }
0x32: {  	s10 =	sld [smem:$0x3FB7];
	_ =	sdelay $0x3  }
0x33: {  	p0 =	seq.s32 s10, $0x1;
	s10 =	sld [smem:$0x3FB9];
	_ =	sdelay $0x3  }
0x34: {  	[smem:$0x3FB9] =	sst s10  }
0x35: {  	s10 =	sld [smem:$0x3FB8];
	_ =	sdelay $0x3  }
0x36: {  	p1 =	seq.s32 s10, $0x1;
	s10 =	sld [smem:$0x3FB9];
	_ =	sdelay $0x3  }
0x37: {  	[smem:$0x3FB9] =	sst s10  }
0x38: {  	s10 =	sld [smem:$0x3FBA]  }
0x39: {  	_ = 	snop;
	(pc) =	sbr.ind lr, $3  }
0x3a: {  	_ = 	snop  }
0x3b: {  	_ = 	snop  }
0x3c: {  	p2 =	seq.s32 s10, $0x1;
	s10 =	sld [smem:$0x3FB9]  }
0x3d: {  	_ =	shalt  }
0x3e: {  	_ =	shalt  }
0x3f: {  	_ =	shalt  }
0x40: {  	_ =	shalt  }
0x41: {  	_ =	shalt  }
0x42: {  	_ =	shalt  }
0x43: {  	_ =	shalt  }
0x44: {  	_ =	shalt  }
0x45: {  	_ =	shalt  }
0x46: {  	_ =	shalt  }
0x47: {  	_ =	shalt  }
0x48: {  	_ =	shalt  }
0x49: {  	_ =	shalt  }
0x4a: {  	_ =	shalt  }
0x4b: {  	_ =	shalt  }
0x4c: {  	_ =	shalt  }
0x4d: {  	_ =	shalt  }
0x4e: {  	_ =	shalt  }
0x4f: {  	_ =	shalt  }
0x50: {  	_ =	shalt  }
0x51: {  	_ =	shalt  }
0x52: {  	_ =	shalt  }
0x53: {  	_ =	shalt  }
0x54: {  	_ =	shalt  }
0x55: {  	_ =	shalt  }
0x56: {  	_ =	shalt  }
0x57: {  	_ =	shalt  }
0x58: {  	_ =	shalt  }
0x59: {  	_ =	shalt  }
0x5a: {  	_ =	shalt  }
0x5b: {  	_ =	shalt  }
0x5c: {  	_ =	shalt  }
0x5d: {  	_ =	shalt  }
0x5e: {  	_ =	shalt  }
0x5f: {  	_ =	shalt  }
0x60: {  	_ =	shalt  }
0x61: {  	_ =	shalt  }
0x62: {  	_ =	shalt  }
0x63: {  	_ =	shalt  }
0x64: {  	_ =	shalt  }
0x65: {  	_ =	shalt  }
0x66: {  	_ =	shalt  }
0x67: {  	_ =	shalt  }
0x68: {  	_ =	shalt  }
0x69: {  	_ =	shalt  }
0x6a: {  	_ =	shalt  }
0x6b: {  	_ =	shalt  }
0x6c: {  	_ =	shalt  }
0x6d: {  	_ =	shalt  }
0x6e: {  	_ =	shalt  }
0x6f: {  	_ =	shalt  }
0x70: {  	_ =	shalt  }
0x71: {  	_ =	shalt  }
0x72: {  	_ =	shalt  }
0x73: {  	_ =	shalt  }
0x74: {  	_ =	shalt  }
0x75: {  	_ =	shalt  }
0x76: {  	_ =	shalt  }
0x77: {  	_ =	shalt  }
0x78: {  	_ =	shalt  }
0x79: {  	_ =	shalt  }
0x7a: {  	_ =	shalt  }
0x7b: {  	_ =	shalt  }
0x7c: {  	_ =	shalt  }
0x7d: {  	_ =	shalt  }
0x7e: {  	_ =	shalt  }
0x7f: {  	_ =	shalt  }
0x80: {  	_ =	shalt  }
0x81: {  	_ =	shalt  }
0x82: {  	_ =	shalt  }
0x83: {  	_ =	shalt  }
0x84: {  	_ =	shalt  }
0x85: {  	_ =	shalt  }
0x86: {  	_ =	shalt  }
0x87: {  	_ =	shalt  }
.Lfunc_end0:
.L_simem_size_0:
called_computation_lowered:
.L_overlay_start_0:
0x88: {  	s2 =	sld [smem:$0x3FD9]  }
0x89: {  	s3 =	sld [smem:$0x3FFE];
	_ =	sdelay $0x1  }
0x8a: {  	s1 =	srdreg.scid  }
0x8b: {  	s0 =	sand.u32 $0x1, s1  }
0x8c: {  	s14 =	sshll.u32 s0, $0xA;
	s2 =	sadd.s32 s3, s2  }
0x8d: {  	s2 =	sadd.s32 s2, s14  }
0x8e: {  	[smem:$0x3FC5] =	sst s2  }
0x8f: {  	_ = 	snop  }
0x90: {  	s2 =	sld [smem:$0x3FD0];
	_ =	sdelay $0x2  }
0x91: {  	s15 =	simm.s32 $0xA;
	s4 =	simm.s32 $0x10  }
0x92: {  	[smem:s4], [sflag:s15] =	dma.local [hbm:s2], $0x1  }
0x93: {  	_ =	swait.eq [sflag:s15], $0x1  }
0x94: {  	s16 =	sld [smem:$0x10];
	[sflag:s15] =	ssyncset.done $0x0  }
0x95: {  	s17 =	sld [smem:$0x11];
	[sflag:s15] =	ssyncadd.s32 $0xFFFFFFFF  }
0x96: {  	s18 =	sld [smem:$0x12];
	(tm) =	ssettm $0x1  }
0x97: {  	s5 =	sld [smem:$0x3FFB];
	_ =	sdelay $0x3  }
0x98: {  	_ =	strace s5  }
0x99: {  	s5 =	sld [smem:$0x3FFC];
	_ =	sdelay $0x3  }
0x9a: {  	_ =	strace s5  }
0x9b: {  	s5 =	sld [smem:$0x3FFD];
	_ =	sdelay $0x3  }
0x9c: {  	_ =	strace s5  }
0x9d: {  	_ =	strace $0x8FFFFFFF  }
0x9e: {  	s19 =	sld [smem:$0x3FDB];
	_ =	sdelay $0x1  }
0x9f: {  	s6 =	simm.s32 $_scs_section_size  }
0xa0: {  	s7 =	simm.s32 $_size__tile_overlayer_lowered;
	s8 =	simm.s32 $_tile_overlayer_lowered  }
0xa1: {  	s22 =	simm.s32 $0x1BFF;
	s21 =	sshll.u32 s8, $0x1;
	s5 =	sadd.s32 s6, s19  }
0xa2: {  	s9 =	simm.s32 $0x0;
	s20 =	sshll.u32 s7, $0x1;
	s7 =	sadd.s32 s21, s5  }
0xa3: {  	[timem:s9], [sflag:s22] =	dma.local [hbm:s7], s20  }
0xa4: {  	_ =	swait.ge [sflag:s22], s20  }
0xa5: {  	s6 =	ssub.s32 $0x0, s20;
	[sflag:s22] =	ssyncset.done $0x0  }
0xa6: {  	[sflag:s22] =	ssyncadd.s32 s6;
	_ =	sdelay $0x1  }
0xa7: {  	s23 =	simm.s32 $0x1B8B  }
0xa8: {  	_ =	swait.ge [sflag:s23], $0x1  }
0xa9: {  	[sflag:s23] =	ssyncset.done $0x0  }
0xaa: {  	s25 =	simm.s32 $0x1B8E;
	s24 =	sld [smem:$0x3FFE];
	[sflag:s23] =	ssyncadd.s32 $0xFFFFFFFF  }
0xab: {  	s26 =	simm.s32 $execute0_lowered;
	[smem:$0x3FD2] =	sst s25  }
0xac: {  	s7 =	sshll.u32 s26, $0x1;
	_ =	strace $0x80000046;
	[dreg:$0x1] =	wrdreg $0xFFFFFFFF  }
0xad: {  	s28 =	simm.s32 $_size_execute0_lowered;
	s5 =	sadd.s32 s5, s7;
	[dreg:$0x0] =	wrdreg $0x0  }
0xae: {  	s7 =	sshll.u32 s28, $0x1;
	[dreg:$0x2] =	wrdreg s5  }
0xaf: {  	[dreg:$0x3] =	wrdreg s7  }
0xb0: {  	[dreg:$0x4] =	wrdreg $0xC0  }
0xb1: {  	_ =	task [dreg:s9], $0x5FFFF  }
0xb2: {  	[dreg:$0x1] =	wrdreg $0xFFFFFFFF  }
0xb3: {  	[dreg:$0x0] =	wrdreg $0x60  }
0xb4: {  	[dreg:$0x2] =	wrdreg s24  }
0xb5: {  	[dreg:$0x3] =	wrdreg s16  }
0xb6: {  	[dreg:$0x4] =	wrdreg s17  }
0xb7: {  	[dreg:$0x5] =	wrdreg s18  }
0xb8: {  	[dreg:$0x6] =	wrdreg $0x9  }
0xb9: {  	_ =	task.clear_ibuf [dreg:s9], $0x7FFFF;
	_ =	strace $0x90000046  }
0xba: {  	s29 =	simm.s32 $0x9;
	_ =	strace $0x80000048  }
0xbb: {  	_ =	swait.ge [sflag:s29], $0x1  }
0xbc: {  	[sflag:s29] =	ssyncadd.s32 $0xFFFFFFFF  }
0xbd: {  	_ =	strace $0x90000048  }
0xbe: {  	_ =	sfence  }
0xbf: {  	s30 =	sld [smem:$0x0];
	_ =	sdelay $0x2  }
0xc0: {  	s31 =	sshll.u32 s1, $0xD;
	s1 =	sshrl.u32 s1, $0x2  }
0xc1: {  	s3 =	sand.u32 $0x4000, s31;
	s1 =	sadd.s32 s1, s30  }
0xc2: {  	s0 =	sor.u32 s3, s0;
	s1 =	sshll.u32 s1, $0x11  }
0xc3: {  	s0 =	sor.u32 s1, s0  }
0xc4: {  	s0 =	sadd.s32 $0x8F2B, s0  }
0xc5: {  	[sflag:s0] =	ssyncadd.remote.s32 $0x1  }
0xc6: {  	_ =	sfence.sel $0xFFFF  }
0xc7: {  	[dreg:$0x0] =	wrdreg $0xFFFFFFFF;
	(pc) =	sbr.abs _section_cstart, $3  }
0xc8: {  	[dreg:$0x1] =	wrdreg $0xFFFFFFFF  }
0xc9: {  	_ =	task.clear_ibuf [dreg:s9], $0x2FFFF;
	_ =	strace $0x9FFFFFFF  }
0xca: {  	(tm) =	ssettm $0x7FFFFFFF  }
0xcb: {  	_ =	shalt  }
tec
execute0_lowered:
.L_overlay_start_1:
0x0: {  	(tag) =	ssettag $0x1  }
0x1: {  	s5 =	stileid.u32  }
0x2: {  	p0 =	sgt.u32 s5, $0x3  }
.Ltmp0:
0x3: {  	s3 =	rddreg [dreg:$0x0];
	(pc) =	sbr.rel @p0 .LBB2_19-.Ltmp0, $4  }
0x4: {  	s4 =	rddreg [dreg:$0x1]  }
0x5: {  	s1 =	rddreg [dreg:$0x2];
	s2 =	simm.s32 $0x0  }
0x6: {  	[smem:$0x7FF] =	sst s2  }
0x7: {  	s0 =	rddreg [dreg:$0x3];
	_ =	strace $0x80000047  }
0x8: {  	s5 =	srdreg.scid;
	s26 =	stileid.u32;
	s19 =	sadd.s32 $0x15200, s3  }
0x9: {  	s9 =	sadd.s32 $0x1200, s3;
	s7 =	sand.u32 $0x1, s5;
	s5 =	sshll.u32 s26, $0x1  }
0xa: {  	s20 =	simm.s32 $0x80;
	s21 =	simm.s32 $0x400;
	s5 =	sor.u32 s7, s5  }
0xb: {  	s22 =	simm.s32 $0x2;
	s29 =	ssub.s32 $0x2, s7;
	s18 =	sshll.u32 s5, $0x4  }
0xc: {  	s10 =	smul.u32 $0x14000, s5;
	s11 =	sshrl.u32 s29, $0x1;
	s8 =	sadd.s32 s18, s3  }
0xd: {  	s28 =	sadd.s32 s4, s18;
	s5 =	sadd.s32 s1, s18;
	s30 =	ssub.s32 s29, s11  }
0xe: {  	s3 =	sadd.s32 $0x16A00, s8;
	[dreg:$0x6] =	wrdreg s28;
	s6 =	sadd.s32 $0x16600, s8  }
0xf: {  	s7 =	sadd.s32 $0x16800, s8;
	s10 =	sshrl.u32 s10, $0x3;
	s8 =	sadd.s32 s0, s18  }
.Ltmp1:
0x10: {  	s18 =	sadd.s32 s19, s18;
	s19 =	smax.u32 s30, $0x1;
	(pc) =	sbr.rel .LBB2_2-.Ltmp1, $4  }
0x11: {  	s0 =	simm.s32 $0x1;
	[dreg:$0x5] =	wrdreg s3;
	s31 =	sadd.s32 s10, s9  }
0x12: {  	s9 =	sadd.s32 $0x1410, s31;
	s10 =	sadd.s32 $0x1400, s31;
	s11 =	sadd.s32 $0x70, s31  }
0x13: {  	v0 =	vimm.f32 $1.000000020e+30;
	v1 =	vimm.f32 $-1.000000000e+00;
	s12 =	sadd.s32 $0x60, s31;
	s13 =	sadd.s32 $0x50, s31;
	s14 =	sadd.s32 $0x40, s31  }
0x14: {  	v2 =	vimm.f32 $0.0e+00;
	v3 =	vimm.s32 $0x80000014;
	v4 =	vlaneseq.u32;
	s15 =	sadd.s32 $0x30, s31;
	s16 =	sadd.s32 $0x20, s31;
	s17 =	sadd.s32 $0x10, s31  }
.LBB2_18:
0x15: {  	s1 =	rddreg [dreg:$0x5];
	s3 =	simm.s32 $0xCF80  }
0x16: {  	[hbm4b:s1+s20] =	stream.strided.scatter [tilespmem:s3], [sflag:$0x2], $0x180, s21, s20, $0x38;
	[tilespmem:$0xD880] =	vst v63  }
0x17: {  	_ =	swait.ge [sflag:s22], $0x180  }
0x18: {  	[sflag:s22] =	ssyncset.done $0x0  }
0x19: {  	s26 =	simm.s32 $0xD100;
	s25 =	rddreg [dreg:$0x6];
	[sflag:s22] =	ssyncadd.s32 $0xFFFFFE80  }
0x1a: {  	[hbm4b:s25+s20] =	stream.strided.scatter [tilespmem:s26], [sflag:$0x2], $0x180, s21, s20, $0x38;
	[tilespmem:$0xD880] =	vst v63  }
0x1b: {  	_ =	swait.ge [sflag:s22], $0x180  }
0x1c: {  	[sflag:s22] =	ssyncset.done $0x0  }
0x1d: {  	s28 =	simm.s32 $0xD280;
	[sflag:s22] =	ssyncadd.s32 $0xFFFFFE80  }
0x1e: {  	[hbm4b:s5+s20] =	stream.strided.scatter [tilespmem:s28], [sflag:$0x2], $0x180, s21, s20, $0x38;
	[tilespmem:$0xD880] =	vst v63  }
0x1f: {  	_ =	swait.ge [sflag:s22], $0x180  }
0x20: {  	[sflag:s22] =	ssyncset.done $0x0  }
0x21: {  	s29 =	simm.s32 $0xD400;
	[sflag:s22] =	ssyncadd.s32 $0xFFFFFE80  }
0x22: {  	[hbm4b:s6+s20] =	stream.strided.scatter [tilespmem:s29], [sflag:$0x2], $0x180, s21, s20, $0x38;
	[tilespmem:$0xD880] =	vst v63  }
0x23: {  	_ =	swait.ge [sflag:s22], $0x180  }
0x24: {  	[sflag:s22] =	ssyncset.done $0x0  }
0x25: {  	s30 =	simm.s32 $0xD580;
	[sflag:s22] =	ssyncadd.s32 $0xFFFFFE80  }
0x26: {  	[hbm4b:s7+s20] =	stream.strided.scatter [tilespmem:s30], [sflag:$0x2], $0x180, s21, s20, $0x38;
	[tilespmem:$0xD880] =	vst v63  }
0x27: {  	s2 =	sadd.s32 $0x1, s2;
	_ =	swait.ge [sflag:s22], $0x180  }
0x28: {  	p0 =	sne.s32 s2, s19;
	[sflag:s22] =	ssyncset.done $0x0  }
.Ltmp2:
0x29: {  	s31 =	simm.s32 $0xD700;
	[sflag:s22] =	ssyncadd.s32 $0xFFFFFE80;
	(pc) =	sbr.rel @!p0 .LBB2_19-.Ltmp2, $4  }
0x2a: {  	[hbm4b:s8+s20] =	stream.strided.scatter [tilespmem:s31], [sflag:$0x2], $0x180, s21, s20, $0x38;
	[tilespmem:$0xD880] =	vst v63  }
0x2b: {  	_ =	swait.ge [sflag:s22], $0x180  }
0x2c: {  	[sflag:s22] =	ssyncset.done $0x0  }
0x2d: {  	[sflag:s22] =	ssyncadd.s32 $0xFFFFFE80  }
.LBB2_2:
0x2e: {  	s1 =	simm.s32 $0x0  }
0x2f: {  	[tilespmem:s1], [sflag:$0x1] =	stream.strided.gather [hbm4b:s18+s20], $0x1400, s21, s20, $0x38;
	[tilespmem:$0xD880] =	vst v63  }
0x30: {  	s3 =	simm.s32 $0x1400  }
0x31: {  	[tilespmem:s3], [sflag:$0x1] =	stream.strided.gather [hbm4b:s17+s20], $0x1400, s21, s20, $0x38;
	[tilespmem:$0xD880] =	vst v63  }
0x32: {  	s23 =	simm.s32 $0x2800  }
0x33: {  	[tilespmem:s23], [sflag:$0x1] =	stream.strided.gather [hbm4b:s16+s20], $0x1400, s21, s20, $0x38;
	[tilespmem:$0xD880] =	vst v63  }
0x34: {  	s24 =	simm.s32 $0x3C00  }
0x35: {  	[tilespmem:s24], [sflag:$0x1] =	stream.strided.gather [hbm4b:s15+s20], $0x1400, s21, s20, $0x38;
	[tilespmem:$0xD880] =	vst v63  }
0x36: {  	s25 =	simm.s32 $0x5000  }
0x37: {  	[tilespmem:s25], [sflag:$0x1] =	stream.strided.gather [hbm4b:s14+s20], $0x1400, s21, s20, $0x38;
	[tilespmem:$0xD880] =	vst v63  }
0x38: {  	s26 =	simm.s32 $0x6400  }
0x39: {  	[tilespmem:s26], [sflag:$0x1] =	stream.strided.gather [hbm4b:s13+s20], $0x1400, s21, s20, $0x38;
	[tilespmem:$0xD880] =	vst v63  }
0x3a: {  	s28 =	simm.s32 $0x7800  }
0x3b: {  	[tilespmem:s28], [sflag:$0x1] =	stream.strided.gather [hbm4b:s12+s20], $0x1400, s21, s20, $0x38;
	[tilespmem:$0xD880] =	vst v63  }
0x3c: {  	s29 =	simm.s32 $0x8C00  }
0x3d: {  	[tilespmem:s29], [sflag:$0x1] =	stream.strided.gather [hbm4b:s11+s20], $0x1400, s21, s20, $0x38;
	[tilespmem:$0xD880] =	vst v63  }
0x3e: {  	s30 =	simm.s32 $0xA000  }
0x3f: {  	[tilespmem:s30], [sflag:$0x1] =	stream.strided.gather [hbm4b:s10+s20], $0x1400, s21, s20, $0x38;
	[tilespmem:$0xD880] =	vst v63  }
0x40: {  	s31 =	simm.s32 $0xB400  }
0x41: {  	[tilespmem:s31], [sflag:$0x1] =	stream.strided.gather [hbm4b:s9+s20], $0x1400, s21, s20, $0x38;
	[tilespmem:$0xD880] =	vst v63  }
0x42: {  	_ =	swait.ge [sflag:s0], $0x1400  }
0x43: {  	[sflag:s0] =	ssyncset.done $0x0  }
0x44: {  	[sflag:s0] =	ssyncadd.s32 $0xFFFFEC00  }
0x45: {  	_ =	swait.ge [sflag:s0], $0x1400  }
0x46: {  	[sflag:s0] =	ssyncset.done $0x0  }
0x47: {  	[sflag:s0] =	ssyncadd.s32 $0xFFFFEC00  }
0x48: {  	_ =	swait.ge [sflag:s0], $0x1400  }
0x49: {  	[sflag:s0] =	ssyncset.done $0x0  }
0x4a: {  	[sflag:s0] =	ssyncadd.s32 $0xFFFFEC00  }
0x4b: {  	_ =	swait.ge [sflag:s0], $0x1400  }
0x4c: {  	[sflag:s0] =	ssyncset.done $0x0  }
0x4d: {  	[sflag:s0] =	ssyncadd.s32 $0xFFFFEC00  }
0x4e: {  	_ =	swait.ge [sflag:s0], $0x1400  }
0x4f: {  	[sflag:s0] =	ssyncset.done $0x0  }
0x50: {  	[sflag:s0] =	ssyncadd.s32 $0xFFFFEC00  }
0x51: {  	_ =	swait.ge [sflag:s0], $0x1400  }
0x52: {  	[sflag:s0] =	ssyncset.done $0x0  }
0x53: {  	[sflag:s0] =	ssyncadd.s32 $0xFFFFEC00  }
0x54: {  	_ =	swait.ge [sflag:s0], $0x1400  }
0x55: {  	[sflag:s0] =	ssyncset.done $0x0  }
0x56: {  	[sflag:s0] =	ssyncadd.s32 $0xFFFFEC00  }
0x57: {  	_ =	swait.ge [sflag:s0], $0x1400  }
0x58: {  	[sflag:s0] =	ssyncset.done $0x0  }
0x59: {  	[sflag:s0] =	ssyncadd.s32 $0xFFFFEC00  }
0x5a: {  	_ =	swait.ge [sflag:s0], $0x1400  }
0x5b: {  	[sflag:s0] =	ssyncset.done $0x0  }
0x5c: {  	[sflag:s0] =	ssyncadd.s32 $0xFFFFEC00  }
0x5d: {  	_ =	swait.ge [sflag:s0], $0x1400  }
0x5e: {  	[sflag:s0] =	ssyncset.done $0x0  }
0x5f: {  	s23 =	simm.s32 $0x0;
	[sflag:s0] =	ssyncadd.s32 $0xFFFFEC00  }
.LBB2_3:
0x60: {  	s24 =	sshll.u32 s23, $0x8  }
0x61: {  	s25 =	sand.u32 $0x80, s1;
	s24 =	sand.u32 $0x3FFFFF00, s24  }
0x62: {  	s26 =	sand.u32 $0x70, s1;
	s25 =	sadd.s32 s25, s24  }
0x63: {  	s25 =	sadd.s32 s26, s25  }
0x64: {  	v6 =	vld [tilespmem:s25+$0x0];
	_ =	sdelay $0x3  }
0x65: {  	s29 =	simm.s32 $0x10  }
0x66: {  	v5 =	vimm.f32 $-Inf;
	s30 =	sand.u32 $0x80, s29;
	s26 =	simm.s32 $0x20;
	vm0 =	vgt.f32 v6, $9.999999770e-03  }
.LBB2_4:
0x67: {  	p0 =	sne.s32 s26, $0xF0;
	s28 =	sand.u32 $0x70, s29;
	s29 =	sadd.s32 s30, s24;
	v6 =	vnsel vm0, $0xFF800000, v6  }
0x68: {  	[tilespmem:s25+$0x0] =	vst v6;
	s25 =	sadd.s32 s28, s29;
	v5 =	vmax.f32 v5, v6;
	s29 =	smov.u32 s26  }
0x69: {  	v6 =	vld [tilespmem:s25+$0x0]  }
.Ltmp3:
0x6a: {  	(pc) =	sbr.rel @p0 .LBB2_4-.Ltmp3, $2  }
0x6b: {  	_ =	sdelay $0x2  }
0x6c: {  	s26 =	sadd.s32 $0x10, s26;
	s30 =	sand.u32 $0x80, s29;
	vm0 =	vgt.f32 v6, $9.999999770e-03  }
0x6d: {  	s26 =	sand.u32 $0x70, s29;
	s24 =	sadd.s32 s30, s24;
	v6 =	vnsel vm0, $0xFF800000, v6  }
0x6e: {  	s24 =	sadd.s32 s26, s24;
	[tilespmem:s25+$0x0] =	vst v6  }
0x6f: {  	v7 =	vld [tilespmem:s24+$0x0];
	_ =	sdelay $0x1  }
0x70: {  	s30 =	sshll.u32 s23, $0x4;
	s23 =	sadd.s32 $0x1, s23  }
0x71: {  	p0 =	sne.s32 s23, $0x14  }
.Ltmp4:
0x72: {  	_ = 	snop;
	(pc) =	sbr.rel @p0 .LBB2_3-.Ltmp4, $4  }
0x73: {  	vm15 =	vgt.f32 v7, $9.999999770e-03  }
0x74: {  	v5 =	vmax.f32 v5, v6;
	v6 =	vnsel vm15, $0xFF800000, v7  }
0x75: {  	s31 =	sand.u32 $0x3FFFFFF0, s30;
	[tilespmem:s24+$0x0] =	vst v6;
	v5 =	vmax.f32 v5, v6  }
0x76: {  	[tilespmem:s31+$0xC800] =	vst v5  }
0x77: {  	v5 =	vld [tilespmem:$0xC800]  }
0x78: {  	v6 =	vld [tilespmem:$0xC810]  }
0x79: {  	v7 =	vld [tilespmem:$0xC820]  }
0x7a: {  	v8 =	vld [tilespmem:$0xC830]  }
0x7b: {  	v9 =	vld [tilespmem:$0xC840]  }
0x7c: {  	v10 =	vld [tilespmem:$0xC850]  }
0x7d: {  	v11 =	vld [tilespmem:$0xC860]  }
0x7e: {  	v12 =	vld [tilespmem:$0xC870]  }
0x7f: {  	v13 =	vld [tilespmem:$0xC880]  }
0x80: {  	v14 =	vld [tilespmem:$0xC890]  }
0x81: {  	v15 =	vld [tilespmem:$0xC8A0]  }
0x82: {  	v16 =	vld [tilespmem:$0xC8B0]  }
0x83: {  	v17 =	vld [tilespmem:$0xC8C0]  }
0x84: {  	v18 =	vld [tilespmem:$0xC8D0]  }
0x85: {  	v19 =	vld [tilespmem:$0xC8E0]  }
0x86: {  	v20 =	vld [tilespmem:$0xC8F0]  }
0x87: {  	v21 =	vld [tilespmem:$0xC900]  }
0x88: {  	v22 =	vld [tilespmem:$0xC910]  }
0x89: {  	v23 =	vld [tilespmem:$0xC920]  }
0x8a: {  	s29 =	simm.s32 $0x0;
	v24 =	vld [tilespmem:$0xC930];
	s1 =	simm.s32 $0x0;
	s23 =	simm.s32 $0x40  }
.LBB2_7:
0x8b: {  	p0 =	sne.s32 s23, $0x480;
	[tilespmem:s1+$0xD700] =	vst v2  }
0x8c: {  	[tilespmem:s1+$0xC980] =	vst v0  }
0x8d: {  	[tilespmem:s1+$0xCB00] =	vst v0  }
0x8e: {  	[tilespmem:s1+$0xCC80] =	vst v0  }
0x8f: {  	[tilespmem:s1+$0xCE00] =	vst v0  }
.Ltmp5:
0x90: {  	[tilespmem:s1+$0xCF80] =	vst v1;
	(pc) =	sbr.rel @p0 .LBB2_7-.Ltmp5, $4  }
0x91: {  	[tilespmem:s1+$0xD100] =	vst v2  }
0x92: {  	[tilespmem:s1+$0xD280] =	vst v2  }
0x93: {  	[tilespmem:s1+$0xD400] =	vst v2  }
0x94: {  	[tilespmem:s1+$0xD580] =	vst v2;
	s1 =	sshra.s32 s23, $0x2;
	s23 =	sadd.s32 $0x40, s23  }
0x95: {  	[tilespmem:s1+$0xD700] =	vst v2  }
0x96: {  	[tilespmem:s1+$0xC980] =	vst v0  }
0x97: {  	[tilespmem:s1+$0xCB00] =	vst v0  }
0x98: {  	[tilespmem:s1+$0xCC80] =	vst v0  }
0x99: {  	[tilespmem:s1+$0xCE00] =	vst v0  }
.Ltmp6:
0x9a: {  	[tilespmem:s1+$0xCF80] =	vst v1;
	(pc) =	sbr.rel .LBB2_9-.Ltmp6, $4  }
0x9b: {  	[tilespmem:s1+$0xD100] =	vst v2  }
0x9c: {  	[tilespmem:s1+$0xD280] =	vst v2  }
0x9d: {  	[tilespmem:s1+$0xD400] =	vst v2  }
0x9e: {  	s30 =	simm.s32 $0x1;
	[tilespmem:s1+$0xD580] =	vst v2;
	s31 =	simm.s32 $0x0  }
.LBB2_20:
0x9f: {  	v5 =	vpsel p0, v5, v5;
	v6 =	vpsel p0, v6, v6  }
0xa0: {  	v7 =	vpsel p0, v7, v7;
	v8 =	vpsel p0, v8, v8;
	v9 =	vpsel p0, v9, v9  }
0xa1: {  	v10 =	vpsel p0, v10, v10;
	v11 =	vpsel p0, v11, v11;
	v12 =	vpsel p0, v12, v12  }
0xa2: {  	v13 =	vpsel p0, v13, v13;
	v14 =	vpsel p0, v14, v14;
	v15 =	vpsel p0, v15, v15  }
0xa3: {  	v16 =	vpsel p0, v16, v16;
	v17 =	vpsel p0, v17, v17;
	v18 =	vpsel p0, v18, v18  }
0xa4: {  	v19 =	vpsel p0, v19, v19;
	v20 =	vpsel p0, v20, v20;
	v21 =	vpsel p0, v21, v21  }
0xa5: {  	s29 =	smov.u32 @p0 s29;
	s30 =	smov.u32 @p0 s30;
	v22 =	vpsel p0, v22, v22;
	v23 =	vpsel p0, v23, v23;
	v24 =	vpsel p0, v24, v24  }
.LBB2_17:
0xa6: {  	s31 =	sadd.s32 $0x1, s31  }
0xa7: {  	p0 =	sne.s32 s31, $0x153  }
.Ltmp7:
0xa8: {  	_ = 	snop;
	(pc) =	sbr.rel @!p0 .LBB2_18-.Ltmp7, $1  }
0xa9: {  	_ =	sdelay $0x3  }
.LBB2_9:
0xaa: {  	p0 =	sgt.s32 s29, $0x12B  }
0xab: {  	p1 =	sne.s32 @!p0 s30, $0x1  }
0xac: {  	p1 =	por p0, p1  }
.Ltmp8:
0xad: {  	_ = 	snop;
	(pc) =	sbr.rel @p1 .LBB2_20-.Ltmp8, $2  }
0xae: {  	_ =	sdelay $0x2  }
0xaf: {  	s1 =	simm.s32 $0x10  }
.Ltmp9:
0xb0: {  	(pc) =	sbr.rel .LBB2_11-.Ltmp9, $2  }
0xb1: {  	_ =	sdelay $0x2  }
0xb2: {  	s30 =	simm.s32 $0x1  }
.LBB2_16:
0xb3: {  	v25 =	vmax.f32 v31, v32;
	v26 =	vmax.f32 v33, v34;
	v27 =	vmax.f32 v35, v36  }
0xb4: {  	v28 =	vmax.f32 v37, v38;
	v29 =	vmax.f32 v39, v40;
	v30 =	vmax.f32 v41, v42  }
0xb5: {  	v61 =	vmax.f32 v43, v44;
	v62 =	vmax.f32 v45, v46;
	v25 =	vmax.f32 v25, v26  }
0xb6: {  	v26 =	vmax.f32 v27, v28;
	v27 =	vmax.f32 v29, v30;
	v63 =	vmax.f32 v61, v62  }
0xb7: {  	p1 =	seq.s32 s24, $0x0;
	p2 =	seq.s32 s24, $0x1;
	s4 =	sld [smem:$0x7FD];
	v25 =	vmax.f32 v25, v26;
	v26 =	vmax.f32 v27, v63  }
0xb8: {  	p3 =	seq.s32 s24, $0x2;
	p4 =	seq.s32 s24, $0x3;
	p0 =	seq.s32 s24, $0x8;
	v25 =	vmax.f32 v25, v26  }
0xb9: {  	p5 =	seq.s32 s24, $0x4;
	p6 =	seq.s32 s24, $0x5;
	v13 =	vpsel p0, v25, v13;
	p0 =	seq.s32 s24, $0xF  }
0xba: {  	s3 =	simm.s32 $0x1;
	s1 =	sadd.s32 $0xFFFFFFFF, s1;
	v20 =	vpsel p0, v25, v20;
	p0 =	seq.s32 s4, $0x1  }
0xbb: {  	v5 =	vpsel p1, v25, v5;
	v6 =	vpsel p2, v25, v6;
	p1 =	seq.s32 s24, $0x6;
	v7 =	vpsel p3, v25, v7;
	s3 =	simm.s32 @!p0 $0x0;
	p0 =	sne.s32 s1, $0x0  }
.Ltmp10:
0xbc: {  	p2 =	seq.s32 s24, $0x7;
	v8 =	vpsel p4, v25, v8;
	v9 =	vpsel p5, v25, v9;
	p3 =	seq.s32 s24, $0x9;
	v10 =	vpsel p6, v25, v10;
	(pc) =	sbr.rel @!p0 .LBB2_17-.Ltmp10, $4  }
0xbd: {  	p4 =	seq.s32 s24, $0xA;
	p5 =	seq.s32 s24, $0xB;
	p6 =	seq.s32 s24, $0xE;
	v11 =	vpsel p1, v25, v11;
	v12 =	vpsel p2, v25, v12;
	v14 =	vpsel p3, v25, v14  }
0xbe: {  	p1 =	seq.s32 s24, $0xC;
	p2 =	seq.s32 s24, $0xD;
	v15 =	vpsel p4, v25, v15;
	p3 =	seq.s32 s24, $0x10;
	v16 =	vpsel p5, v25, v16;
	v19 =	vpsel p6, v25, v19  }
0xbf: {  	p4 =	seq.s32 s24, $0x11;
	p5 =	seq.s32 s24, $0x13;
	v17 =	vpsel p1, v25, v17;
	v18 =	vpsel p2, v25, v18;
	p2 =	seq.s32 s24, $0x12;
	v21 =	vpsel p3, v25, v21  }
0xc0: {  	v22 =	vpsel p4, v25, v22;
	v24 =	vpsel p5, v25, v24;
	v23 =	vpsel p2, v25, v23;
	s29 =	sadd.s32 s3, s29  }
.LBB2_11:
0xc1: {  	v25 =	vmax.f32 v5, v6  }
0xc2: {  	v26 =	vmax.f32 v7, v8;
	v27 =	vmax.f32 v9, v10;
	v28 =	vmax.f32 v11, v12  }
0xc3: {  	v29 =	vmax.f32 v13, v14;
	v30 =	vmax.f32 v15, v16;
	v31 =	vmax.f32 v17, v18  }
0xc4: {  	v32 =	vmax.f32 v19, v20;
	v33 =	vmax.f32 v21, v22;
	v25 =	vmax.f32 v25, v26  }
0xc5: {  	v26 =	vmax.f32 v27, v28;
	v27 =	vmax.f32 v29, v30;
	v28 =	vmax.f32 v31, v32  }
0xc6: {  	v29 =	vmax.f32 v23, v24;
	v25 =	vmax.f32 v25, v26;
	v26 =	vmax.f32 v27, v28  }
0xc7: {  	v27 =	vmax.f32 v33, v29;
	v25 =	vmax.f32 v25, v26  }
0xc8: {  	v25 =	vmax.f32 v25, v27  }
0xc9: {  	(xrf0) =	vmax.scan.msk.f32 $0xffff, v25;
	_ =	sdelay $0x5  }
0xca: {  	v26, _, _ =	vpop (xrf0)  }
0xcb: {  	v25 =	vbroadcast v26, $0xF;
	_ =	sdelay $0x1  }
0xcc: {  	vm0 =	veq.f32 v24, v25  }
0xcd: {  	vm1 =	veq.f32 v23, v25;
	v27 =	vsel vm0, $0x80000013, v3  }
0xce: {  	vm0 =	veq.f32 v22, v25;
	v27 =	vsel vm1, $0x80000012, v27  }
0xcf: {  	vm1 =	veq.f32 v21, v25;
	v27 =	vsel vm0, $0x80000011, v27  }
0xd0: {  	vm0 =	veq.f32 v20, v25;
	v27 =	vsel vm1, $0x80000010, v27  }
0xd1: {  	vm1 =	veq.f32 v19, v25;
	v27 =	vsel vm0, $0x8000000F, v27  }
0xd2: {  	vm0 =	veq.f32 v18, v25;
	v27 =	vsel vm1, $0x8000000E, v27  }
0xd3: {  	vm1 =	veq.f32 v17, v25;
	v27 =	vsel vm0, $0x8000000D, v27  }
0xd4: {  	vm0 =	veq.f32 v16, v25;
	v27 =	vsel vm1, $0x8000000C, v27  }
0xd5: {  	vm1 =	veq.f32 v15, v25;
	v27 =	vsel vm0, $0x8000000B, v27  }
0xd6: {  	vm0 =	veq.f32 v14, v25;
	v27 =	vsel vm1, $0x8000000A, v27  }
0xd7: {  	vm1 =	veq.f32 v13, v25;
	v27 =	vsel vm0, $0x80000009, v27  }
0xd8: {  	vm0 =	veq.f32 v12, v25;
	v27 =	vsel vm1, $0x80000008, v27  }
0xd9: {  	vm1 =	veq.f32 v11, v25;
	v27 =	vsel vm0, $0x80000007, v27  }
0xda: {  	vm0 =	veq.f32 v10, v25;
	v27 =	vsel vm1, $0x80000006, v27  }
0xdb: {  	vm1 =	veq.f32 v9, v25;
	v27 =	vsel vm0, $0x80000005, v27  }
0xdc: {  	vm0 =	veq.f32 v8, v25;
	v27 =	vsel vm1, $0x80000004, v27  }
0xdd: {  	vm1 =	veq.f32 v7, v25;
	v27 =	vsel vm0, $0x80000003, v27  }
0xde: {  	vm0 =	veq.f32 v6, v25;
	v27 =	vsel vm1, $0x80000002, v27  }
0xdf: {  	vm1 =	veq.f32 v5, v25;
	v27 =	vsel vm0, $0x80000001, v27  }
0xe0: {  	v27 =	vsel vm1, $0x80000000, v27  }
0xe1: {  	(xrf0) =	vmin.scan.msk.u32 $0xffff, v27;
	_ =	sdelay $0x5  }
0xe2: {  	(v2sf) =	vpush v26, $0xF;
	v26, _, _ =	vpop (xrf0)  }
0xe3: {  	(v2sf) =	vpush v26, $0xF;
	_ =	sdelay $0xd  }
0xe4: {  	s23 =	spop (v2sf)  }
0xe5: {  	s24 =	spop (v2sf)  }
0xe6: {  	p0 =	sgt.u32 s24, $0x80000013;
	s24 =	sshll.u32 s24, $0x8  }
0xe7: {  	s24 =	simm.s32 @p0 $0x0  }
0xe8: {  	v26 =	vld [tilespmem:s24+$0x0]  }
0xe9: {  	v27 =	vld [tilespmem:s24+$0x10]  }
0xea: {  	v28 =	vld [tilespmem:s24+$0x20]  }
0xeb: {  	v29 =	vld [tilespmem:s24+$0x30];
	s3 =	sor.u32 $0x20, s24  }
0xec: {  	v30 =	vld [tilespmem:s24+$0x40];
	v55 =	vor.u32 s3, v4;
	s3 =	sor.u32 $0x60, s24  }
0xed: {  	v31 =	vld [tilespmem:s24+$0x50];
	v56 =	vor.u32 s3, v4;
	s3 =	sor.u32 $0x90, s24  }
0xee: {  	v54 =	vld [tilespmem:s24+$0x60];
	v58 =	vor.u32 s3, v4;
	s3 =	sor.u32 $0xC0, s24  }
0xef: {  	s26 =	sor.u32 $0x30, s24;
	v34 =	vld [tilespmem:s24+$0x80];
	v60 =	vor.u32 s3, v4;
	vm0 =	veq.f32 v26, v25;
	v26 =	vor.u32 s24, v4  }
0xf0: {  	s25 =	sor.u32 $0x10, s24;
	v35 =	vld [tilespmem:s24+$0x90];
	vm1 =	veq.f32 v28, v25;
	vm2 =	veq.f32 v29, v25;
	v29 =	vor.u32 s26, v4  }
0xf1: {  	v37 =	vld [tilespmem:s24+$0xB0];
	v26 =	vnsel vm0, $0x40000000, v26;
	vm0 =	veq.f32 v27, v25;
	v27 =	vor.u32 s25, v4  }
0xf2: {  	v38 =	vld [tilespmem:s24+$0xC0];
	s26 =	sor.u32 $0x50, s24;
	v33 =	vnsel vm1, $0x40000000, v55;
	v29 =	vnsel vm2, $0x40000000, v29;
	vm1 =	veq.f32 v31, v25  }
0xf3: {  	v40 =	vld [tilespmem:s24+$0xE0];
	v36 =	vor.u32 s26, v4;
	vm2 =	veq.f32 v54, v25;
	v27 =	vnsel vm0, $0x40000000, v27  }
0xf4: {  	v41 =	vld [tilespmem:s24+$0xF0];
	s26 =	sor.u32 $0x80, s24;
	vm0 =	veq.f32 v30, v25;
	v36 =	vnsel vm1, $0x40000000, v36;
	v32 =	vnsel vm2, $0x40000000, v56  }
0xf5: {  	s4 =	sor.u32 $0x40, s24;
	v28 =	vld [tilespmem:s24+$0x70];
	vm1 =	veq.f32 v34, v25;
	v39 =	vor.u32 s26, v4;
	vm2 =	veq.f32 v35, v25  }
0xf6: {  	v31 =	vld [tilespmem:s24+$0xA0];
	v30 =	vor.u32 s4, v4;
	s26 =	sor.u32 $0xB0, s24;
	v39 =	vnsel vm1, $0x40000000, v39;
	v35 =	vnsel vm2, $0x40000000, v58  }
0xf7: {  	v57 =	vld [tilespmem:s24+$0xD0];
	vm1 =	veq.f32 v37, v25;
	v59 =	vor.u32 s26, v4;
	vm2 =	veq.f32 v38, v25  }
0xf8: {  	v30 =	vnsel vm0, $0x40000000, v30;
	s26 =	sor.u32 $0xE0, s24;
	v37 =	vnsel vm1, $0x40000000, v59;
	v38 =	vnsel vm2, $0x40000000, v60  }
0xf9: {  	s4 =	sor.u32 $0x70, s24;
	vm1 =	veq.f32 v40, v25;
	v62 =	vor.u32 s26, v4;
	vm2 =	veq.f32 v41, v25  }
0xfa: {  	vm0 =	veq.f32 v28, v25;
	v28 =	vor.u32 s4, v4;
	s4 =	sor.u32 $0xA0, s24;
	v40 =	vnsel vm1, $0x40000000, v62  }
0xfb: {  	v28 =	vnsel vm0, $0x40000000, v28;
	vm0 =	veq.f32 v31, v25;
	v31 =	vor.u32 s4, v4;
	s4 =	sor.u32 $0xD0, s24  }
0xfc: {  	s24 =	sor.u32 $0xF0, s24;
	v31 =	vnsel vm0, $0x40000000, v31;
	vm0 =	veq.f32 v57, v25;
	v61 =	vor.u32 s4, v4  }
0xfd: {  	vm1 =	vlt.s32 v33, v29;
	v63 =	vor.u32 s24, v4;
	v34 =	vnsel vm0, $0x40000000, v61  }
0xfe: {  	v41 =	vnsel vm2, $0x40000000, v63;
	vm0 =	vlt.s32 v26, v27;
	vm2 =	vlt.s32 v30, v36  }
0xff: {  	v26 =	vsel vm0, v26, v27;
	v27 =	vsel vm1, v33, v29;
	v29 =	vsel vm2, v30, v36  }
0x100: {  	vm0 =	vlt.s32 v32, v28;
	vm1 =	vlt.s32 v39, v35;
	vm2 =	vlt.s32 v31, v37  }
0x101: {  	v28 =	vsel vm0, v32, v28;
	v30 =	vsel vm1, v39, v35;
	v31 =	vsel vm2, v31, v37  }
0x102: {  	vm0 =	vlt.s32 v38, v34;
	vm1 =	vlt.s32 v40, v41;
	vm2 =	vlt.s32 v26, v27  }
0x103: {  	v42 =	vsel vm0, v38, v34;
	v43 =	vsel vm1, v40, v41;
	v26 =	vsel vm2, v26, v27  }
0x104: {  	vm0 =	vlt.s32 v29, v28;
	vm1 =	vlt.s32 v30, v31;
	vm2 =	vlt.s32 v42, v43  }
0x105: {  	v27 =	vsel vm0, v29, v28;
	v28 =	vsel vm1, v30, v31;
	v29 =	vsel vm2, v42, v43  }
0x106: {  	vm0 =	vlt.s32 v26, v27;
	vm1 =	vlt.s32 v28, v29  }
0x107: {  	v26 =	vsel vm0, v26, v27;
	v27 =	vsel vm1, v28, v29  }
0x108: {  	vm0 =	vlt.s32 v26, v27  }
0x109: {  	v26 =	vsel vm0, v26, v27  }
0x10a: {  	v26 =	vxor.u32 $0x80000000, v26  }
0x10b: {  	(xrf0) =	vmin.scan.msk.u32 $0xffff, v26;
	_ =	sdelay $0x5  }
0x10c: {  	v26, _, _ =	vpop (xrf0)  }
0x10d: {  	(v2sf) =	vpush v26, $0xF;
	_ =	sdelay $0xc  }
0x10e: {  	p0 =	sgt.f32 s23, $-Inf;
	_ =	sdelay $0x1  }
0x10f: {  	s30 =	simm.s32 @!p0 $0x0;
	s3 =	spop (v2sf)  }
0x110: {  	p0 =	sne.s32 s30, $0x0;
	s24 =	sxor.u32 $0x80000000, s3  }
0x111: {  	s24 =	simm.s32 @!p0 $0x0  }
0x112: {  	s4 =	sand.u32 $0xF, s24  }
0x113: {  	s25 =	sshra.s32 s24, $0x1F;
	p1 =	slt.s32 s24, $0x1;
	p2 =	sne.s32 s4, $0x0  }
0x114: {  	s26 =	sshrl.u32 s25, $0x1C;
	p2 =	por !p1, !p2  }
0x115: {  	s23 =	sadd.s32 s26, s24;
	s26 =	simm.s32 $0x1;
	p2 =	por !p2, !p2  }
0x116: {  	s23 =	sshrl.u32 s23, $0x4;
	s26 =	simm.s32 @!p2 $0x0  }
0x117: {  	s23 =	ssub.s32 s23, s26  }
0x118: {  	s23 =	sshll.u32 s23, $0x4  }
0x119: {  	v26 =	vld [tilespmem:s23+$0x2800]  }
0x11a: {  	v27 =	vld [tilespmem:s23+$0x3C00]  }
0x11b: {  	s3 =	ssub.s32 s24, s23;
	v28 =	vld [tilespmem:s23+$0x5000]  }
0x11c: {  	v29 =	vmov s3  }
0x11d: {  	vm0 =	veq.s32 v29, v4  }
0x11e: {  	v30 =	vld [tilespmem:s23+$0x6400];
	v26 =	vnsel vm0, $0x0, v26  }
0x11f: {  	(xrf2) =	vadd.scan.msk.f32 $0xffff, v26;
	v26 =	vnsel vm0, $0x0, v27  }
0x120: {  	(xrf2) =	vadd.scan.msk.f32 $0xffff, v26;
	v26 =	vnsel vm0, $0x0, v28;
	v28 =	vld [tilespmem:s23+$0x0];
	_ =	sdelay $0x2  }
0x121: {  	(xrf2) =	vadd.scan.msk.f32 $0xffff, v26;
	v26 =	vnsel vm0, $0x0, v30  }
0x122: {  	(xrf2) =	vadd.scan.msk.f32 $0xffff, v26  }
0x123: {  	v28 =	vsel vm0, $0xFF800000, v28  }
0x124: {  	[tilespmem:s23+$0x0] =	vst v28  }
0x125: {  	v44 =	vld [tilespmem:$0xC980]  }
0x126: {  	v45 =	vld [tilespmem:$0xCB00]  }
0x127: {  	v46 =	vld [tilespmem:$0xCC80]  }
0x128: {  	v47 =	vld [tilespmem:$0xCE00]  }
0x129: {  	v48 =	vld [tilespmem:$0xC990];
	v26, _, _ =	vpop (xrf2)  }
0x12a: {  	v50 =	vld [tilespmem:$0xCB10];
	v27, _, _ =	vpop (xrf2);
	(v2sf) =	vpush v26, $0xF  }
0x12b: {  	v52 =	vld [tilespmem:$0xCC90];
	v30, _, _ =	vpop (xrf2);
	(v2sf) =	vpush v27, $0xF  }
0x12c: {  	v53 =	vld [tilespmem:$0xCE10];
	(v2sf) =	vpush v30, $0xF;
	v31, _, _ =	vpop (xrf2)  }
0x12d: {  	v54 =	vld [tilespmem:$0xC9A0];
	(v2sf) =	vpush v31, $0xF  }
0x12e: {  	v55 =	vld [tilespmem:$0xCB20]  }
0x12f: {  	v59 =	vld [tilespmem:$0xCE20]  }
0x130: {  	v28 =	vbroadcast v26, $0xF  }
0x131: {  	v29 =	vbroadcast v27, $0xF;
	v26 =	vbroadcast v30, $0xF  }
0x132: {  	v56 =	vld [tilespmem:$0xCCA0];
	v30 =	vmax.f32 v44, v28;
	v32 =	vsub.f32 v46, v44;
	v33 =	vsub.f32 v47, v45  }
0x133: {  	v63 =	vld [tilespmem:$0xCCB0];
	v57 =	vmax.f32 v48, v28;
	v34 =	vsub.f32 v52, v48;
	v35 =	vsub.f32 v53, v50  }
0x134: {  	v62 =	vmax.f32 v54, v28;
	v37 =	vsub.f32 v59, v55;
	v27 =	vbroadcast v31, $0xF  }
0x135: {  	v31 =	vmax.f32 v45, v29;
	v60 =	vmax.f32 v50, v29;
	v45 =	vmax.f32 v55, v29  }
0x136: {  	v61 =	vld [tilespmem:$0xCB30];
	v49 =	vmin.f32 v46, v26;
	v32 =	vmul.f32 v33, v32;
	v58 =	vmin.f32 v52, v26  }
0x137: {  	v44 =	vld [tilespmem:$0xC9B0];
	v46 =	vmin.f32 v56, v26;
	v34 =	vmul.f32 v35, v34;
	v33 =	vsub.f32 v56, v54  }
0x138: {  	v48 =	vld [tilespmem:$0xCE30];
	v38 =	vmin.f32 v63, v26;
	v51 =	vmin.f32 v47, v27;
	v30 =	vsub.f32 v49, v30  }
0x139: {  	v39 =	vsub.f32 v58, v57;
	v43 =	vmin.f32 v53, v27;
	v46 =	vsub.f32 v46, v62;
	s26 =	spop (v2sf)  }
0x13a: {  	v47 =	vmin.f32 v59, v27;
	v31 =	vsub.f32 v51, v31;
	v40 =	vsub.f32 v43, v60;
	s28 =	spop (v2sf)  }
0x13b: {  	v55 =	vld [tilespmem:$0xCE40];
	v49 =	vsub.f32 v47, v45;
	v37 =	vmul.f32 v37, v33;
	v43 =	vmax.f32 v61, v29;
	s3 =	spop (v2sf)  }
0x13c: {  	v30 =	vmax.f32 v30, $0.0e+00;
	v39 =	vmax.f32 v39, $0.0e+00;
	v35 =	vmax.f32 v46, $0.0e+00;
	s4 =	spop (v2sf);
	s3 =	ssub.f32 s3, s26  }
0x13d: {  	v50 =	vmax.f32 v44, v28;
	v51 =	vsub.f32 v63, v44;
	v52 =	vsub.f32 v48, v61;
	s4 =	ssub.f32 s4, s28  }
0x13e: {  	v53 =	vld [tilespmem:$0xCCC0];
	v54 =	vmin.f32 v48, v27;
	v31 =	vmax.f32 v31, $0.0e+00;
	v40 =	vmax.f32 v40, $0.0e+00  }
0x13f: {  	p2 =	slt.s32 s29, $0x51;
	v36 =	vmax.f32 v49, $0.0e+00;
	v38 =	vsub.f32 v38, v50;
	v43 =	vsub.f32 v54, v43;
	s26 =	smul.f32 s4, s3  }
0x140: {  	v48 =	vld @!p2 [tilespmem:$0xCCD0];
	v49 =	vmin.f32 v55, v27;
	v31 =	vmul.f32 v31, v30;
	v41 =	vmul.f32 v52, v51  }
0x141: {  	v33 =	vmul.f32 v36, v35;
	v30 =	vadd.f32 s26, v32;
	v32 =	vmul.f32 v40, v39;
	v39 =	vld [tilespmem:$0xC9C0]  }
0x142: {  	v58 =	vmax.f32 v38, $0.0e+00;
	v59 =	vmax.f32 v43, $0.0e+00;
	v34 =	vadd.f32 s26, v34;
	v40 =	vld [tilespmem:$0xCB40]  }
0x143: {  	v63 =	vmin.f32 v53, v26;
	v57 =	vadd.f32 s26, v37;
	v42 =	vsub.f32 v30, v31  }
0x144: {  	v46 =	vld @!p2 [tilespmem:$0xCCE0];
	v60 =	vadd.f32 s26, v41;
	v56 =	vsub.f32 v34, v32;
	v34 =	vmul.f32 v59, v58  }
0x145: {  	v47 =	vmin.f32 @!p2 v48, v26;
	v41 =	vld @!p2 [tilespmem:$0xCB50];
	v52 =	vsub.f32 v57, v33;
	v42 =	vadd.f32 $9.999999710e-10, v42  }
0x146: {  	v38 =	vsub.f32 v60, v34;
	v61 =	vmax.f32 v39, v28;
	v39 =	vsub.f32 v53, v39  }
0x147: {  	v36 =	vld @!p2 [tilespmem:$0xC9D0];
	v62 =	vmax.f32 v40, v29;
	v40 =	vsub.f32 v55, v40;
	v50 =	vsub.f32 v63, v61  }
0x148: {  	v44 =	vld @!p2 [tilespmem:$0xCE50];
	(erf) = vrcp.f32 v42;
	v51 =	vsub.f32 v49, v62;
	v42 =	vadd.f32 $9.999999710e-10, v56  }
0x149: {  	v43 =	vld @!p2 [tilespmem:$0xCB60];
	v30 =	vmov s26;
	v56 =	vadd.f32 $9.999999710e-10, v52;
	v57 =	vadd.f32 $9.999999710e-10, v38  }
0x14a: {  	v38 =	vmax.f32 @!p2 v41, v29;
	v52 =	vmin.f32 @!p2 v46, v26;
	v39 =	vmul.f32 v40, v39  }
0x14b: {  	v49 =	vld @!p2 [tilespmem:$0xCE60];
	v53 =	vmax.f32 v50, $0.0e+00;
	v54 =	vmax.f32 v51, $0.0e+00;
	(erf) = vrcp.f32 v42  }
0x14c: {  	v40 =	vld @!p2 [tilespmem:$0xC9E0];
	v35 =	vmul.f32 v54, v53;
	v55 =	vadd.f32 s26, v39;
	v39 =	vmax.f32 @!p2 v36, v28  }
0x14d: {  	v45 =	vld @!p2 [tilespmem:$0xC9F0];
	v36 =	vsub.f32 @!p2 v48, v36;
	v48 =	vsub.f32 @!p2 v44, v41;
	v41 =	vmin.f32 @!p2 v44, v27  }
0x14e: {  	v51 =	vmax.f32 @!p2 v43, v29;
	v44 =	vld @!p2 [tilespmem:$0xCCF0];
	v39 =	vsub.f32 @!p2 v47, v39;
	v38 =	vsub.f32 @!p2 v41, v38  }
0x14f: {  	v37 =	vld @!p2 [tilespmem:$0xCB70];
	(erf) = vrcp.f32 v56;
	v50 =	vsub.f32 v55, v35;
	v36 =	vmul.f32 @!p2 v48, v36  }
0x150: {  	v48 =	vld @!p2 [tilespmem:$0xCE70];
	v53 =	vmin.f32 @!p2 v49, v27;
	v39 =	vmax.f32 @!p2 v39, $0.0e+00;
	v38 =	vmax.f32 @!p2 v38, $0.0e+00  }
0x151: {  	v51 =	vsub.f32 @!p2 v53, v51;
	v41 =	vadd.f32 @!p2 v36, v30;
	v36 =	vmax.f32 @!p2 v40, v28  }
0x152: {  	v52 =	vsub.f32 @!p2 v52, v36;
	v36 =	vmul.f32 @!p2 v38, v39;
	v38 =	vsub.f32 @!p2 v46, v40  }
0x153: {  	v39 =	vsub.f32 @!p2 v49, v43;
	v40 =	vmax.f32 @!p2 v45, v28;
	v46 =	vmin.f32 @!p2 v44, v26  }
0x154: {  	v43 =	vmax.f32 @!p2 v37, v29;
	v44 =	vsub.f32 @!p2 v44, v45;
	v40 =	vsub.f32 @!p2 v46, v40  }
0x155: {  	v42 =	vld @!p2 [tilespmem:$0xCE90];
	v49 =	vmin.f32 @!p2 v48, v27;
	v37 =	vsub.f32 @!p2 v48, v37;
	v48 =	vmax.f32 @!p2 v52, $0.0e+00  }
0x156: {  	v45 =	vld @!p2 [tilespmem:$0xCA00];
	v38 =	vmul.f32 @!p2 v39, v38;
	v41 =	vsub.f32 @!p2 v41, v36;
	v43 =	vsub.f32 @!p2 v49, v43  }
0x157: {  	v46 =	vld @!p2 [tilespmem:$0xCB80];
	v49 =	vmax.f32 @!p2 v51, $0.0e+00;
	v40 =	vmax.f32 @!p2 v40, $0.0e+00;
	v39 =	vmul.f32 @!p2 v37, v44  }
0x158: {  	v44 =	vld @!p2 [tilespmem:$0xCD00];
	v37 =	vmul.f32 @!p2 v49, v48;
	v49 =	vadd.f32 @!p2 v38, v30;
	v43 =	vmax.f32 @!p2 v43, $0.0e+00  }
0x159: {  	v58 =	vadd.f32 $9.999999710e-10, v50;
	v48 =	vld @!p2 [tilespmem:$0xCE80];
	v38 =	vmul.f32 @!p2 v43, v40;
	v39 =	vadd.f32 @!p2 v39, v30  }
0x15a: {  	(erf) = vrcp.f32 v57;
	v41 =	vadd.f32 @!p2 $9.999999710e-10, v41;
	v40 =	vld @!p2 [tilespmem:$0xCA10];
	v47 =	vsub.f32 @!p2 v49, v37  }
0x15b: {  	(erf) = vrcp.f32 v58;
	v49 =	vld @!p2 [tilespmem:$0xCD10];
	v39 =	vsub.f32 @!p2 v39, v38  }
0x15c: {  	p3 =	slt.u32 @!p2 s29, $0xA1;
	v43 =	vld @!p2 [tilespmem:$0xCB90];
	(erf) = vrcp.f32 @!p2 v41;
	v47 =	vadd.f32 @!p2 $9.999999710e-10, v47  }
0x15d: {  	p3 =	por p2, p3;
	v51 =	vmin.f32 @!p2 v44, v26;
	v44 =	vsub.f32 @!p2 v44, v45;
	v50 =	vadd.f32 @!p2 $9.999999710e-10, v39  }
0x15e: {  	v54 =	vld @!p3 [tilespmem:$0xCEA0];
	v39 =	vmax.f32 @!p2 v45, v28;
	v45 =	vsub.f32 @!p2 v48, v46;
	v46 =	vmax.f32 @!p2 v46, v29  }
0x15f: {  	v55 =	vld @!p3 [tilespmem:$0xCEB0];
	v48 =	vmin.f32 @!p2 v48, v27;
	(erf) = vrcp.f32 @!p2 v47;
	v39 =	vsub.f32 @!p2 v51, v39  }
0x160: {  	v52 =	vld @!p3 [tilespmem:$0xCA20];
	v46 =	vsub.f32 @!p2 v48, v46;
	v53 =	vmin.f32 @!p2 v49, v26;
	v44 =	vmul.f32 @!p2 v45, v44  }
0x161: {  	v48 =	vld @!p3 [tilespmem:$0xCD20];
	v45 =	vmax.f32 @!p2 v40, v28;
	v40 =	vsub.f32 @!p2 v49, v40;
	v49 =	vsub.f32 @!p2 v42, v43  }
0x162: {  	v51 =	vld @!p3 [tilespmem:$0xCBA0];
	v43 =	vmax.f32 @!p2 v43, v29;
	v42 =	vmin.f32 @!p2 v42, v27;
	v39 =	vmax.f32 @!p2 v39, $0.0e+00  }
0x163: {  	v46 =	vmax.f32 @!p2 v46, $0.0e+00;
	v45 =	vsub.f32 @!p2 v53, v45;
	v53 =	vld @!p3 [tilespmem:$0xCA30];
	v42 =	vsub.f32 @!p2 v42, v43  }
0x164: {  	v58 =	vmin.f32 @!p3 v54, v27;
	v39 =	vmul.f32 @!p2 v46, v39;
	v40 =	vmul.f32 @!p2 v49, v40;
	v46 =	vld @!p3 [tilespmem:$0xCBB0]  }
0x165: {  	v44 =	vadd.f32 @!p2 v44, v30;
	v49 =	vld @!p3 [tilespmem:$0xCD30];
	v45 =	vmax.f32 @!p2 v45, $0.0e+00;
	v42 =	vmax.f32 @!p2 v42, $0.0e+00  }
0x166: {  	v43 =	vadd.f32 @!p2 v40, v30;
	v40 =	vmax.f32 @!p3 v52, v28;
	v57 =	vmin.f32 @!p3 v48, v26  }
0x167: {  	v56 =	vmax.f32 @!p3 v51, v29;
	v41 =	vsub.f32 @!p2 v44, v39;
	v57 =	vsub.f32 @!p3 v57, v40  }
0x168: {  	v56 =	vsub.f32 @!p3 v58, v56;
	v40 =	vmul.f32 @!p2 v42, v45;
	v42 =	vsub.f32 @!p3 v48, v52  }
0x169: {  	v45 =	vsub.f32 @!p3 v54, v51;
	v54 =	vmin.f32 @!p3 v55, v27;
	v48 =	vmax.f32 @!p3 v53, v28  }
0x16a: {  	v51 =	vmax.f32 @!p3 v46, v29;
	v52 =	vmin.f32 @!p3 v49, v26;
	v49 =	vsub.f32 @!p3 v49, v53  }
0x16b: {  	v46 =	vsub.f32 @!p3 v55, v46;
	v53 =	vmax.f32 @!p3 v57, $0.0e+00;
	v42 =	vmul.f32 @!p3 v45, v42  }
0x16c: {  	v48 =	vsub.f32 @!p3 v52, v48;
	v51 =	vsub.f32 @!p3 v54, v51;
	v52 =	vld @!p3 [tilespmem:$0xCA40];
	v54 =	vmax.f32 @!p3 v56, $0.0e+00  }
0x16d: {  	v43 =	vsub.f32 @!p2 v43, v40;
	v45 =	vmul.f32 @!p3 v46, v49;
	v46 =	vld @!p3 [tilespmem:$0xCBC0];
	v49 =	vmul.f32 @!p3 v54, v53  }
0x16e: {  	v53 =	vld @!p3 [tilespmem:$0xCD40];
	v42 =	vadd.f32 @!p3 v42, v30;
	v48 =	vmax.f32 @!p3 v48, $0.0e+00;
	v51 =	vmax.f32 @!p3 v51, $0.0e+00  }
0x16f: {  	v47 =	vld @!p3 [tilespmem:$0xCD50];
	v41 =	vadd.f32 @!p2 $9.999999710e-10, v41;
	v48 =	vmul.f32 @!p3 v51, v48;
	v45 =	vadd.f32 @!p3 v45, v30  }
0x170: {  	(erf) = vrcp.f32 @!p2 v50;
	v43 =	vadd.f32 @!p2 $9.999999710e-10, v43;
	v51 =	vld @!p3 [tilespmem:$0xCEC0];
	v42 =	vsub.f32 @!p3 v42, v49  }
0x171: {  	(erf) = vrcp.f32 @!p2 v41;
	v44 =	vsub.f32 @!p3 v45, v48;
	v45 =	vld @!p3 [tilespmem:$0xCA50]  }
0x172: {  	v58 =	vld @!p3 [tilespmem:$0xCED0];
	(erf) = vrcp.f32 @!p2 v43;
	v42 =	vadd.f32 @!p3 $9.999999710e-10, v42  }
0x173: {  	v54 =	vld @!p3 [tilespmem:$0xCBD0];
	v50 =	vmax.f32 @!p3 v52, v28;
	v55 =	vmax.f32 @!p3 v46, v29;
	v56 =	vmin.f32 @!p3 v53, v26  }
0x174: {  	v43 =	vsub.f32 @!p3 v53, v52;
	v53 =	vmin.f32 @!p3 v47, v26;
	v41 =	vsub.f32 @!p3 v56, v50;
	v56 =	vld @!p3 [tilespmem:$0xCD60]  }
0x175: {  	v44 =	vadd.f32 @!p3 $9.999999710e-10, v44;
	v57 =	vmin.f32 @!p3 v51, v27;
	v46 =	vsub.f32 @!p3 v51, v46;
	v51 =	vld @!p3 [tilespmem:$0xCBE0]  }
0x176: {  	v50 =	vsub.f32 @!p3 v57, v55;
	v55 =	vld @!p3 [tilespmem:$0xCA60];
	v41 =	vmax.f32 @!p3 v41, $0.0e+00;
	v52 =	vmax.f32 @!p3 v45, v28  }
0x177: {  	v43 =	vmul.f32 @!p3 v46, v43;
	v45 =	vsub.f32 @!p3 v47, v45;
	v46 =	vsub.f32 @!p3 v53, v52;
	v52 =	vld @!p3 [tilespmem:$0xCEE0]  }
0x178: {  	v47 =	vsub.f32 @!p3 v58, v54;
	v50 =	vmax.f32 @!p3 v50, $0.0e+00;
	v53 =	vmin.f32 @!p3 v58, v27  }
0x179: {  	v41 =	vmul.f32 @!p3 v50, v41;
	v43 =	vadd.f32 @!p3 v43, v30;
	v50 =	vmax.f32 @!p3 v54, v29  }
0x17a: {  	v45 =	vmul.f32 @!p3 v47, v45;
	v54 =	vmin.f32 @!p3 v56, v26;
	v46 =	vmax.f32 @!p3 v46, $0.0e+00  }
0x17b: {  	v50 =	vsub.f32 @!p3 v53, v50;
	v53 =	vmax.f32 @!p3 v51, v29;
	v47 =	vmax.f32 @!p3 v55, v28  }
0x17c: {  	v55 =	vsub.f32 @!p3 v56, v55;
	v57 =	vmin.f32 @!p3 v52, v27;
	v51 =	vsub.f32 @!p3 v52, v51  }
0x17d: {  	v50 =	vmax.f32 @!p3 v50, $0.0e+00;
	v47 =	vsub.f32 @!p3 v54, v47;
	v52 =	vsub.f32 @!p3 v57, v53  }
0x17e: {  	v45 =	vadd.f32 @!p3 v45, v30;
	v46 =	vmul.f32 @!p3 v50, v46;
	v50 =	vmul.f32 @!p3 v51, v55  }
0x17f: {  	v43 =	vsub.f32 @!p3 v43, v41;
	v47 =	vmax.f32 @!p3 v47, $0.0e+00;
	v51 =	vmax.f32 @!p3 v52, $0.0e+00  }
0x180: {  	v45 =	vsub.f32 @!p3 v45, v46;
	v47 =	vmul.f32 @!p3 v51, v47;
	v50 =	vadd.f32 @!p3 v50, v30  }
0x181: {  	v59 =	vpop (erf);
	(erf) = vrcp.f32 @!p3 v42;
	v42 =	vadd.f32 @!p3 $9.999999710e-10, v43  }
0x182: {  	v60 =	vpop (erf);
	(erf) = vrcp.f32 @!p3 v44;
	v44 =	vadd.f32 @!p3 $9.999999710e-10, v45;
	v45 =	vsub.f32 @!p3 v50, v47  }
0x183: {  	v61 =	vpop (erf);
	(erf) = vrcp.f32 @!p3 v42  }
0x184: {  	v62 =	vpop (erf);
	(erf) = vrcp.f32 @!p3 v44;
	v44 =	vadd.f32 @!p3 $9.999999710e-10, v45  }
0x185: {  	v63 =	vpop (erf)  }
0x186: {  	v45 =	vpop @!p2 (erf)  }
0x187: {  	(erf) = vrcp.f32 @!p3 v44;
	v53 =	vpop @!p2 (erf)  }
0x188: {  	v31 =	vmul.f32 v59, v31;
	v32 =	vmul.f32 v60, v32;
	v44 =	vpop @!p2 (erf)  }
0x189: {  	v33 =	vmul.f32 v61, v33;
	v34 =	vmul.f32 v62, v34;
	v54 =	vpop @!p2 (erf)  }
0x18a: {  	v31 =	vmax.f32 v31, v32;
	v51 =	vpop @!p2 (erf)  }
0x18b: {  	v33 =	vmax.f32 v33, v34;
	v34 =	vmul.f32 @!p2 v45, v36;
	v36 =	vmul.f32 @!p2 v53, v37;
	v43 =	vpop @!p3 (erf)  }
0x18c: {  	v31 =	vmax.f32 v31, v33;
	v35 =	vmul.f32 v63, v35;
	v32 =	vpop @!p3 (erf)  }
0x18d: {  	v33 =	vmul.f32 @!p2 v44, v38;
	v38 =	vmul.f32 @!p2 v54, v39;
	v34 =	vmax.f32 @!p2 v34, v36;
	v37 =	vpop @!p3 (erf)  }
0x18e: {  	v36 =	vmul.f32 @!p3 v43, v49;
	v32 =	vmul.f32 @!p3 v32, v48;
	v39 =	vpop @!p3 (erf)  }
0x18f: {  	v33 =	vmax.f32 @!p2 v33, v38;
	v37 =	vmul.f32 @!p3 v37, v41;
	v38 =	vmul.f32 @!p3 v39, v46  }
0x190: {  	v31 =	vmax.f32 v31, v35;
	v35 =	vmul.f32 @!p2 v51, v40;
	v33 =	vmax.f32 @!p2 v34, v33;
	v34 =	vpop @!p3 (erf)  }
0x191: {  	v32 =	vmax.f32 @!p3 v36, v32;
	v34 =	vmul.f32 @!p3 v34, v47;
	v36 =	vmax.f32 @!p3 v37, v38  }
0x192: {  	s4 =	sand.u32 $0xFF, s24;
	(xrf0) =	vmax.scan.msk.f32 $0xffff, v31;
	v31 =	vmax.f32 @!p2 v33, v35;
	v32 =	vmax.f32 @!p3 v32, v36  }
0x193: {  	p4 =	sne.s32 s4, $0x0;
	(xrf0) =	vmax.scan.msk.f32 @!p2 $0xffff, v31;
	v31 =	vmax.f32 @!p3 v32, v34  }
0x194: {  	p1 =	por !p1, !p4;
	s26 =	sshrl.u32 s25, $0x18;
	(xrf0) =	vmax.scan.msk.f32 @!p3 $0xffff, v31  }
0x195: {  	s4 =	simm.s32 $0x1;
	p1 =	por !p1, !p1;
	s3 =	sadd.s32 s26, s24  }
0x196: {  	s4 =	simm.s32 @!p1 $0x0;
	s3 =	sshra.s32 s3, $0x8  }
0x197: {  	s24 =	ssub.s32 s3, s4  }
0x198: {  	s3 =	sshll.u32 s24, $0xA;
	v31, _, _ =	vpop (xrf0)  }
0x199: {  	s3 =	sshra.s32 s3, $0x2;
	v32, _, _ =	vpop @!p2 (xrf0);
	(v2sf) =	vpush v31, $0xF  }
0x19a: {  	v42 =	vld [tilespmem:s3+$0xB0];
	(v2sf) =	vpush @!p2 v32, $0xF;
	v31, _, _ =	vpop @!p3 (xrf0)  }
0x19b: {  	v45 =	vld [tilespmem:s3+$0xE0];
	(v2sf) =	vpush @!p3 v31, $0xF  }
0x19c: {  	v44 =	vld [tilespmem:s3+$0xD0]  }
0x19d: {  	v40 =	vld [tilespmem:s3+$0x90]  }
0x19e: {  	v43 =	vld [tilespmem:s3+$0xC0]  }
0x19f: {  	v33 =	vld [tilespmem:s3+$0x20]  }
0x1a0: {  	v35 =	vld [tilespmem:s3+$0x40]  }
0x1a1: {  	v41 =	vld [tilespmem:s3+$0xA0]  }
0x1a2: {  	v39 =	vld [tilespmem:s3+$0x80]  }
0x1a3: {  	v37 =	vld [tilespmem:s3+$0x60]  }
0x1a4: {  	v36 =	vld [tilespmem:s3+$0x50]  }
0x1a5: {  	p1 =	slt.u32 @!p3 s29, $0xF1;
	v34 =	vld [tilespmem:s3+$0x30]  }
0x1a6: {  	p1 =	por p3, p1;
	v32 =	vld [tilespmem:s3+$0x10]  }
.Ltmp11:
0x1a7: {  	v31 =	vld [tilespmem:s3+$0x0];
	(pc) =	sbr.rel @p1 .LBB2_12-.Ltmp11, $4  }
0x1a8: {  	v38 =	vld [tilespmem:s3+$0x70];
	s26 =	spop (v2sf)  }
0x1a9: {  	v46 =	vld [tilespmem:s3+$0xF0];
	s4 =	spop @!p2 (v2sf)  }
0x1aa: {  	s28 =	smax.f32 @!p2 s26, s4;
	s4 =	spop @!p3 (v2sf)  }
0x1ab: {  	s25 =	smax.f32 @!p3 s28, s4  }
0x1ac: {  	v47 =	vld [tilespmem:$0xCA70]  }
0x1ad: {  	v48 =	vld [tilespmem:$0xCBF0]  }
0x1ae: {  	v49 =	vld [tilespmem:$0xCD70]  }
0x1af: {  	v50 =	vld [tilespmem:$0xCEF0]  }
0x1b0: {  	v51 =	vld [tilespmem:$0xCA80]  }
0x1b1: {  	v52 =	vld [tilespmem:$0xCC00]  }
0x1b2: {  	v53 =	vld [tilespmem:$0xCD80]  }
0x1b3: {  	v56 =	vld [tilespmem:$0xCF00];
	_ =	sdelay $0x1  }
0x1b4: {  	v59 =	vld [tilespmem:$0xCC10];
	v54 =	vmax.f32 v47, v28;
	v55 =	vmin.f32 v49, v26;
	v57 =	vmax.f32 v48, v29  }
0x1b5: {  	v58 =	vmin.f32 v50, v27;
	v47 =	vsub.f32 v49, v47;
	v48 =	vsub.f32 v50, v48  }
0x1b6: {  	v63 =	vld [tilespmem:$0xCAA0];
	v49 =	vmax.f32 v51, v28;
	v60 =	vmax.f32 v52, v29;
	v51 =	vsub.f32 v53, v51  }
0x1b7: {  	v61 =	vmin.f32 v53, v26;
	v52 =	vsub.f32 v56, v52;
	v54 =	vsub.f32 v55, v54;
	v55 =	vld [tilespmem:$0xCA90]  }
0x1b8: {  	v62 =	vmin.f32 v56, v27;
	v57 =	vsub.f32 v58, v57;
	v58 =	vld [tilespmem:$0xCD90];
	v49 =	vsub.f32 v61, v49  }
0x1b9: {  	v50 =	vld [tilespmem:$0xCF10];
	v60 =	vsub.f32 v62, v60;
	v62 =	vmax.f32 v59, v29;
	v47 =	vmul.f32 v48, v47  }
0x1ba: {  	v48 =	vld [tilespmem:$0xCDA0];
	v51 =	vmul.f32 v52, v51;
	v54 =	vmax.f32 v54, $0.0e+00;
	v57 =	vmax.f32 v57, $0.0e+00  }
0x1bb: {  	v61 =	vld [tilespmem:$0xCC20];
	v49 =	vmax.f32 v49, $0.0e+00;
	v54 =	vmul.f32 v57, v54;
	v57 =	vmax.f32 v60, $0.0e+00  }
0x1bc: {  	v53 =	vld [tilespmem:$0xCF20];
	v47 =	vadd.f32 v47, v30;
	v51 =	vadd.f32 v51, v30;
	v49 =	vmul.f32 v57, v49  }
0x1bd: {  	v56 =	vmax.f32 v55, v28;
	v60 =	vmin.f32 v58, v26;
	v55 =	vsub.f32 v58, v55  }
0x1be: {  	v58 =	vmax.f32 v63, v28;
	v47 =	vsub.f32 v47, v54;
	v56 =	vsub.f32 v60, v56  }
0x1bf: {  	v60 =	vmin.f32 v50, v27;
	v50 =	vsub.f32 v50, v59;
	v59 =	vmin.f32 v48, v26  }
0x1c0: {  	v48 =	vsub.f32 v48, v63;
	v57 =	vsub.f32 v60, v62;
	v60 =	vmax.f32 v61, v29  }
0x1c1: {  	v58 =	vsub.f32 v59, v58;
	v62 =	vmin.f32 v53, v27;
	v53 =	vsub.f32 v53, v61  }
0x1c2: {  	v60 =	vsub.f32 v62, v60;
	v50 =	vmul.f32 v50, v55;
	v62 =	vmax.f32 v56, $0.0e+00  }
0x1c3: {  	v63 =	vmax.f32 v57, $0.0e+00;
	v48 =	vmul.f32 v53, v48;
	v56 =	vmax.f32 v58, $0.0e+00  }
0x1c4: {  	v55 =	vmul.f32 v63, v62;
	v50 =	vadd.f32 v50, v30;
	v52 =	vmax.f32 v60, $0.0e+00  }
0x1c5: {  	v51 =	vsub.f32 v51, v49;
	v52 =	vmul.f32 v52, v56;
	v30 =	vadd.f32 v48, v30  }
0x1c6: {  	v47 =	vadd.f32 $9.999999710e-10, v47;
	v57 =	vsub.f32 v50, v55  }
0x1c7: {  	v58 =	vadd.f32 $9.999999710e-10, v51;
	v30 =	vsub.f32 v30, v52  }
0x1c8: {  	(erf) = vrcp.f32 v47;
	v59 =	vadd.f32 $9.999999710e-10, v57  }
0x1c9: {  	(erf) = vrcp.f32 v58;
	v30 =	vadd.f32 $9.999999710e-10, v30  }
0x1ca: {  	(erf) = vrcp.f32 v59  }
0x1cb: {  	(erf) = vrcp.f32 v30;
	_ =	sdelay $0x5  }
0x1cc: {  	v30 =	vpop (erf)  }
0x1cd: {  	v60 =	vpop (erf)  }
0x1ce: {  	v61 =	vpop (erf)  }
0x1cf: {  	v30 =	vmul.f32 v30, v54;
	v47 =	vmul.f32 v60, v49;
	v62 =	vpop (erf)  }
0x1d0: {  	v48 =	vmul.f32 v61, v55;
	v49 =	vmul.f32 v62, v52;
	_ =	sdelay $0x1  }
0x1d1: {  	v30 =	vmax.f32 v30, v47;
	v63 =	vmax.f32 v48, v49  }
0x1d2: {  	v30 =	vmax.f32 v30, v63  }
0x1d3: {  	(xrf0) =	vmax.scan.msk.f32 $0xffff, v30;
	_ =	sdelay $0x5  }
0x1d4: {  	v30, _, _ =	vpop (xrf0)  }
0x1d5: {  	(v2sf) =	vpush v30, $0xF;
	_ =	sdelay $0xb  }
.Ltmp12:
0x1d6: {  	_ = 	snop;
	(pc) =	sbr.rel .LBB2_14-.Ltmp12, $3  }
0x1d7: {  	_ =	sdelay $0x1  }
0x1d8: {  	s3 =	spop (v2sf)  }
0x1d9: {  	s25 =	smax.f32 s25, s3  }
.LBB2_12:
0x1da: {  	s28 =	smov.u32 @p2 s26  }
0x1db: {  	s25 =	smov.u32 @p3 s28  }
.LBB2_14:
0x1dc: {  	p1 =	sgt.f32 s25, $6.999999880e-01;
	_ =	sdelay $0x1  }
0x1dd: {  	p2 =	slt.s32 s29, $0x12C;
	p1 =	por !p1, !p1  }
0x1de: {  	p1 =	por !p2, !p1  }
0x1df: {  	p1 =	por !p1, !p1  }
0x1e0: {  	p0 =	por !p0, !p1  }
0x1e1: {  	p0 =	por !p0, !p0  }
.Ltmp13:
0x1e2: {  	_ = 	snop;
	(pc) =	sbr.rel @!p0 .LBB2_16-.Ltmp13, $4  }
0x1e3: {  	_ = 	snop  }
0x1e4: {  	s3 =	simm.s32 @!p0 $0x0  }
0x1e5: {  	s3 =	simm.s32 @p0 $0x1  }
0x1e6: {  	[smem:$0x7FD] =	sst s3  }
0x1e7: {  	s3 =	sand.u32 $0xF, s29  }
0x1e8: {  	s4 =	sshra.s32 s29, $0x1F;
	p1 =	slt.s32 s29, $0x1;
	p2 =	sne.s32 s3, $0x0  }
0x1e9: {  	s26 =	sshrl.u32 s4, $0x1C;
	p1 =	por !p1, !p2  }
0x1ea: {  	s4 =	simm.s32 $0x1;
	s3 =	sadd.s32 s26, s29;
	p1 =	por !p1, !p1  }
0x1eb: {  	s3 =	sshrl.u32 s3, $0x4;
	s4 =	simm.s32 @!p1 $0x0  }
0x1ec: {  	s3 =	ssub.s32 s3, s4  }
0x1ed: {  	s3 =	sshll.u32 s3, $0x4  }
0x1ee: {  	v30 =	vld [tilespmem:s3+$0xC980]  }
0x1ef: {  	v48 =	vld [tilespmem:s3+$0xCC80]  }
0x1f0: {  	v47 =	vld [tilespmem:s3+$0xCB00];
	s28 =	ssub.s32 s29, s3  }
0x1f1: {  	v50 =	vld [tilespmem:s3+$0xCE00];
	v49 =	vmov s28  }
0x1f2: {  	vm1 =	veq.s32 v49, v4  }
0x1f3: {  	v28 =	vsel vm1, v28, v30  }
0x1f4: {  	v26 =	vsel vm1, v26, v48;
	[tilespmem:s3+$0xC980] =	vst v28  }
0x1f5: {  	v28 =	vsel vm1, v29, v47;
	[tilespmem:s3+$0xCC80] =	vst v26  }
0x1f6: {  	v26 =	vsel vm1, v27, v50;
	[tilespmem:s3+$0xCB00] =	vst v28  }
0x1f7: {  	[tilespmem:s3+$0xCE00] =	vst v26  }
0x1f8: {  	v26 =	vld [tilespmem:s23+$0x1400];
	_ =	sdelay $0x4  }
0x1f9: {  	v26 =	vnsel vm0, $0x0, v26  }
0x1fa: {  	(xrf2) =	vadd.scan.msk.f32 $0xffff, v26;
	_ =	sdelay $0x7  }
0x1fb: {  	v26 =	vld [tilespmem:s3+$0xCF80];
	_ =	sdelay $0x1  }
0x1fc: {  	v27, _, _ =	vpop (xrf2)  }
0x1fd: {  	v27 =	vbroadcast v27, $0xF;
	_ =	sdelay $0x1  }
0x1fe: {  	v26 =	vsel vm1, v27, v26  }
0x1ff: {  	[tilespmem:s3+$0xCF80] =	vst v26  }
0x200: {  	v26 =	vld [tilespmem:s23+$0x7800];
	_ =	sdelay $0x4  }
0x201: {  	v26 =	vnsel vm0, $0x0, v26  }
0x202: {  	(xrf2) =	vadd.scan.msk.f32 $0xffff, v26;
	_ =	sdelay $0x7  }
0x203: {  	v26 =	vld [tilespmem:s3+$0xD100];
	_ =	sdelay $0x1  }
0x204: {  	v27, _, _ =	vpop (xrf2)  }
0x205: {  	v27 =	vbroadcast v27, $0xF;
	_ =	sdelay $0x1  }
0x206: {  	v26 =	vsel vm1, v27, v26  }
0x207: {  	[tilespmem:s3+$0xD100] =	vst v26  }
0x208: {  	v26 =	vld [tilespmem:s23+$0x8C00];
	_ =	sdelay $0x4  }
0x209: {  	v26 =	vnsel vm0, $0x0, v26  }
0x20a: {  	(xrf2) =	vadd.scan.msk.f32 $0xffff, v26;
	_ =	sdelay $0x7  }
0x20b: {  	v26 =	vld [tilespmem:s3+$0xD280];
	_ =	sdelay $0x1  }
0x20c: {  	v27, _, _ =	vpop (xrf2)  }
0x20d: {  	v27 =	vbroadcast v27, $0xF;
	_ =	sdelay $0x1  }
0x20e: {  	v26 =	vsel vm1, v27, v26  }
0x20f: {  	[tilespmem:s3+$0xD280] =	vst v26  }
0x210: {  	v26 =	vld [tilespmem:s23+$0xA000];
	_ =	sdelay $0x4  }
0x211: {  	v26 =	vnsel vm0, $0x0, v26  }
0x212: {  	(xrf2) =	vadd.scan.msk.f32 $0xffff, v26;
	_ =	sdelay $0x7  }
0x213: {  	v26 =	vld [tilespmem:s3+$0xD400];
	_ =	sdelay $0x1  }
0x214: {  	v27, _, _ =	vpop (xrf2)  }
0x215: {  	v27 =	vbroadcast v27, $0xF;
	_ =	sdelay $0x1  }
0x216: {  	v26 =	vsel vm1, v27, v26  }
0x217: {  	[tilespmem:s3+$0xD400] =	vst v26  }
0x218: {  	v26 =	vld [tilespmem:s23+$0xB400];
	_ =	sdelay $0x4  }
0x219: {  	v26 =	vnsel vm0, $0x0, v26  }
0x21a: {  	(xrf2) =	vadd.scan.msk.f32 $0xffff, v26;
	_ =	sdelay $0x6  }
0x21b: {  	v27 =	vld [tilespmem:s3+$0xD700]  }
0x21c: {  	v26 =	vld [tilespmem:s3+$0xD580];
	_ =	sdelay $0x1  }
.Ltmp14:
0x21d: {  	v28, _, _ =	vpop (xrf2);
	(pc) =	sbr.rel .LBB2_16-.Ltmp14, $4  }
0x21e: {  	v28 =	vbroadcast v28, $0xF  }
0x21f: {  	v25 =	vsel vm1, v25, v27  }
0x220: {  	[tilespmem:s3+$0xD700] =	vst v25;
	v26 =	vsel vm1, v28, v26  }
0x221: {  	[tilespmem:s3+$0xD580] =	vst v26  }
.LBB2_19:
0x222: {  	_ =	sfence.sel $0x180000  }
0x223: {  	[bflag:$0x0] =	sbarrier.arrive $0xFFFF  }
0x224: {  	_ =	strace $0x90000047  }
0x225: {  	s0 =	stileid.u32;
	[bflag:$0x2] =	sbarrier.arrive $0xFFFF  }
0x226: {  	p0 =	sne.s32 s0, $0x0;
	s0 =	rddreg [dreg:$0x4]  }
0x227: {  	s0 =	sadd.s32 @!p0 $0x100000, s0  }
0x228: {  	[sflag:s0] =	ssyncadd.tile.s32 @!p0 $0x1;
	_ =	shalt  }
.Lfunc_end2:
_tile_overlayer_lowered:
.L_overlay_start_2:
0x229: {  	(tag) =	ssettag $0x2  }
0x22a: {  	s0 =	rddreg [dreg:$0x0];
	s2 =	stileid.u32  }
0x22b: {  	s1 =	rddreg [dreg:$0x1];
	p0 =	sne.s32 s2, $0x0  }
0x22c: {  	s3 =	rddreg [dreg:$0x2];
	[bflag:$0x3] =	sbarrier.arrive $0xFFFF;
	s2 =	simm.s32 @!p0 $0x1C02  }
0x22d: {  	[timem:s3], [sflag:s2] =	dma.local @!p0 [hbm:s0], s1  }
0x22e: {  	s0 =	simm.s32 @!p0 $0x2  }
0x22f: {  	_ =	swait.ge @!p0 [sflag:s0], s1  }
0x230: {  	s1 =	ssub.s32 @!p0 $0x0, s1;
	[sflag:s0] =	ssyncset.done @!p0 $0x0  }
0x231: {  	[sflag:s0] =	ssyncadd.s32 @!p0 s1  }
0x232: {  	[bflag:$0x3] =	sbarrier.arrive $0xFFFF  }
0x233: {  	_ =	shalt  }

</sc_bundles>
